<compile_context>
chip_gen: v7x
topology: tpu7x:2x2x1
jax: 0.10.2.dev20260603
libtpu: 0.0.44.dev20260713+nightly
codegen_flags: <defaults>
</compile_context>

<pallas_src>
import functools

import jax
import jax.numpy as jnp
from jax import lax
from jax.experimental import pallas as pl
from jax.experimental.pallas import tpu as pltpu
from jax.experimental.pallas import tpu_sc as plsc

B, N, D = 4, 50000, 128
K = 25000


_SBLK = 2000


def _score_body(x_ref, w_ref, b_ref, o_ref):
    xb = x_ref[0].astype(jnp.bfloat16)
    wb = w_ref[...].astype(jnp.bfloat16)
    logits = jnp.dot(xb, wb, preferred_element_type=jnp.float32)
    o_ref[0, 0, :] = jax.nn.sigmoid(logits[:, 0] + b_ref[0, 0])


def _scores(x, W, b):
    nblk = N // _SBLK
    grid = (B, nblk)
    out = pl.pallas_call(
        _score_body,
        grid=grid,
        in_specs=[
            pl.BlockSpec((1, _SBLK, D), lambda i, j: (i, j, 0)),
            pl.BlockSpec((D, D), lambda i, j: (0, 0)),
            pl.BlockSpec(memory_space=pltpu.SMEM),
        ],
        out_specs=pl.BlockSpec((1, 1, _SBLK), lambda i, j: (i * nblk + j, 0, 0)),
        out_shape=jax.ShapeDtypeStruct((B * nblk, 1, _SBLK), jnp.float32),
    )(x, jnp.zeros((D, D), jnp.float32).at[:, 0].set(W[0]), b.reshape(1, 1))
    return out.reshape(B, N)



_SR, _SC_ = 512, 128
_NPAD = _SR * _SC_


def _sort_body(k_ref, ko_ref, io_ref):
    k = k_ref[0]
    row = lax.broadcasted_iota(jnp.int32, (_SR, _SC_), 0)
    lane = lax.broadcasted_iota(jnp.int32, (_SR, _SC_), 1)
    n = row * _SC_ + lane
    i = n
    for lev in range(1, 17):
        kb = 1 << lev
        up = (n & kb) == 0

        def step(t, carry, off, axis, sz, sdiv, up=up):
            k, i = carry
            s = jnp.left_shift(1, off - t)
            sa = lax.shift_right_logical(s, sdiv)
            lower = (n & s) == 0
            kp = jnp.where(lower, pltpu.roll(k, sz - sa, axis),
                           pltpu.roll(k, sa, axis))
            ip = jnp.where(lower, pltpu.roll(i, sz - sa, axis),
                           pltpu.roll(i, sa, axis))
            pred = (k > kp) | ((k == kp) & (i < ip))
            take = up == (lower == pred)
            return jnp.where(take, k, kp), jnp.where(take, i, ip)

        if lev > 7:
            row_step = functools.partial(step, off=lev - 1, axis=0,
                                         sz=_SR, sdiv=7)
            k, i = lax.fori_loop(0, lev - 7, row_step, (k, i))
        lane_hi = min(lev, 7)
        lane_step = functools.partial(step, off=lane_hi - 1, axis=1,
                                      sz=_SC_, sdiv=0)
        k, i = lax.fori_loop(0, lane_hi, lane_step, (k, i))
    ko_ref[0] = k
    io_ref[0] = i


def _topk_sort(scores):
    sp = jnp.concatenate(
        [scores, jnp.full((B, _NPAD - N), -1.0, jnp.float32)], axis=1
    ).reshape(B, _SR, _SC_)
    ks, idx = pl.pallas_call(
        _sort_body,
        grid=(B,),
        in_specs=[pl.BlockSpec((1, _SR, _SC_), lambda i: (i, 0, 0))],
        out_specs=[
            pl.BlockSpec((1, _SR, _SC_), lambda i: (i, 0, 0)),
            pl.BlockSpec((1, _SR, _SC_), lambda i: (i, 0, 0)),
        ],
        out_shape=[
            jax.ShapeDtypeStruct((B, _SR, _SC_), jnp.float32),
            jax.ShapeDtypeStruct((B, _SR, _SC_), jnp.int32),
        ],
    )(sp)
    return ks.reshape(B, _NPAD), idx.reshape(B, _NPAD)



_NW = 32
_KPAD = 25088
_RPW = _KPAD // _NW
_CH = 98
_NCH = _RPW // _CH


def _gather_body(x_hbm, idx_hbm, out_hbm, idx_v, rows_v, sem):
    wid = lax.axis_index("s") * 2 + lax.axis_index("c")
    for b in range(B):
        pltpu.sync_copy(idx_hbm.at[b, pl.ds(wid * _NCH, _NCH), :], idx_v)
        for c in range(_NCH):
            pltpu.async_copy(
                x_hbm.at[idx_v.at[c]],
                rows_v.at[pl.ds(c * _CH, _CH)],
                sem,
            )
        for c in range(_NCH):
            pltpu.make_async_copy(
                x_hbm.at[idx_v.at[c]],
                rows_v.at[pl.ds(c * _CH, _CH)],
                sem,
            ).wait()
        pltpu.sync_copy(rows_v, out_hbm.at[b, pl.ds(wid * _RPW, _RPW), :])


def _gather_rows(x, idx_pad):
    x2d = x.reshape(B * N, D)
    offs = (jnp.arange(B, dtype=jnp.int32) * N)[:, None]
    idx3 = (idx_pad + offs).reshape(B, _NW * _NCH, _CH)
    mesh = plsc.VectorSubcoreMesh(core_axis_name="c", subcore_axis_name="s")
    return pl.kernel(
        _gather_body,
        out_type=jax.ShapeDtypeStruct((B, _KPAD, D), jnp.float32),
        mesh=mesh,
        scratch_types=[
            pltpu.VMEM((_NCH, _CH), jnp.int32),
            pltpu.VMEM((_RPW, D), jnp.float32),
            pltpu.SemaphoreType.DMA,
        ],
    )(x2d, idx3)



_CBLK = 1000


def _scale_body(r_ref, v_ref, o_ref):
    o_ref[0] = r_ref[0] * v_ref[0, 0][:, None]


def _scale(raw_pad, vals):
    nblk = K // _CBLK
    grid = (B, nblk)
    vals3 = vals[:, :K].reshape(B * nblk, 1, _CBLK)
    return pl.pallas_call(
        _scale_body,
        grid=grid,
        in_specs=[
            pl.BlockSpec((1, _CBLK, D), lambda i, j: (i, j, 0)),
            pl.BlockSpec((1, 1, _CBLK), lambda i, j: (i * nblk + j, 0, 0)),
        ],
        out_specs=pl.BlockSpec((1, _CBLK, D), lambda i, j: (i, j, 0)),
        out_shape=jax.ShapeDtypeStruct((B, K, D), jnp.float32),
    )(raw_pad, vals3)



def kernel(x, W, b):
    scores = _scores(x, W, b)
    ks, idx = _topk_sort(scores)
    top_vals = ks[:, :K]
    idx_pad = jnp.minimum(idx[:, :_KPAD], N - 1)
    raw = _gather_rows(x, idx_pad)
    return _scale(raw, top_vals)

# --- scband reference (transcript-rebuilt; emitter-appended) ---
"""Pipeline reference for scband-graph-pool-58102317580658 (READ-ONLY COPY).

The authoritative reference and input builder live on the scoring server;
editing this copy changes nothing except your own understanding.
"""

import jax, jax.numpy as jnp
import numpy as np


def setup_inputs(seed: int = 0) -> dict:
    key = jax.random.key(seed)
    k1, k2 = jax.random.split(key, 2)
    x = jax.random.normal(k1, (4, 50000, 128), dtype=jnp.float32)
    # score_layer = nn.Linear(in_dim=128, out_features=1)
    W = jax.random.normal(k2, (1, 128), dtype=jnp.float32) * (1.0 / np.sqrt(128.0))
    b = jnp.zeros((1,), dtype=jnp.float32)
    return {"x": x, "W": W, "b": b}


def reference(x, W, b):
    # GraphPool.forward (eval mode: dropout is identity)
    B, N, D = x.shape
    pooling_ratio = 0.5
    # scores = sigmoid(Linear(x)) -> [B, N, 1]
    scores = jax.nn.sigmoid(jnp.einsum('bnd,od->bno', x, W) + b)
    k_nodes = max(int(N * pooling_ratio), 1)
    # torch.topk(scores, k, dim=1) on [B, N, 1] -> top-k along node dim (descending, sorted)
    top_vals, top_idx = jax.lax.top_k(scores[..., 0], k_nodes)  # [B, k]
    # x = x * scores (gate every node by its score)
    x_scaled = x * scores
    # gather top-k nodes along dim=1, index expanded over feature dim
    pooled_x = jnp.take_along_axis(x_scaled, top_idx[:, :, None], axis=1)  # [B, k, D]
    return pooled_x

if __name__ == "__main__":
    import jax
    _d = setup_inputs()
    print(jax.jit(kernel)(*tuple(_d.values())))

</pallas_src>

<mosaic_0001>
#map = affine_map<(d0, d1) -> (0, 0)>
#map1 = affine_map<(d0, d1) -> (0, 0, 0)>
module attributes {stable_mosaic.version = 14 : i64} {
  func.func @_gather_body(%arg0: i32, %arg1: i32, %arg2: memref<200000x128xf32, #tpu.memory_space<hbm>>, %arg3: memref<4x256x98xi32, #tpu.memory_space<hbm>>, %arg4: memref<4x25088x128xf32, #tpu.memory_space<hbm>>, %arg5: memref<8x98xi32, #tpu.memory_space<vmem>>, %arg6: memref<784x128xf32, #tpu.memory_space<vmem>>, %arg7: memref<!tpu.dma_semaphore, #tpu.memory_space<semaphore_mem>>) attributes {dimension_semantics = [#tpu.dimension_semantics<core_parallel>, #tpu.dimension_semantics<subcore_parallel>], iteration_bounds = array<i64: 2, 16>, scalar_prefetch = 0 : i64, scratch_operands = 3 : i64, tpu.core_type = #tpu.core_type<sc_vector_subcore>, window_params = [{transform_indices = #map}, {transform_indices = #map1}, {transform_indices = #map1}]} {
    %mul3A = arith.constant 2 : i32
    %mul3A_0 = arith.muli %arg1, %mul3A : i32
    %add3A = arith.addi %mul3A_0, %arg0 : i32
    %mul3A_1 = arith.constant 8 : i32
    %mul3A_2 = arith.muli %add3A, %mul3A_1 : i32
    %run_scoped3A = arith.constant 0 : i32
    "tpu.region"() ({
      %run_scoped3A_662 = tpu.sem_alloc : memref<!tpu.dma_semaphore, #tpu.memory_space<semaphore_mem>>
      %dma_start3A_663 = arith.constant 0 : i32
      %dma_start3A_664 = tpu.memref_slice %arg3[%run_scoped3A, %mul3A_2, %dma_start3A_663] : memref<4x256x98xi32, #tpu.memory_space<hbm>> -> memref<1x8x98xi32, #tpu.memory_space<hbm>>
      %dma_start3A_665 = tpu.memref_squeeze %dma_start3A_664 : memref<1x8x98xi32, #tpu.memory_space<hbm>> -> memref<8x98xi32, #tpu.memory_space<hbm>>
      %dma_start3A_666 = arith.constant 0 : i32
      %dma_start3A_667 = tpu.memref_slice %arg3[%run_scoped3A, %mul3A_2, %dma_start3A_666] : memref<4x256x98xi32, #tpu.memory_space<hbm>> -> memref<1x8x98xi32, #tpu.memory_space<hbm>>
      %dma_start3A_668 = tpu.memref_squeeze %dma_start3A_667 : memref<1x8x98xi32, #tpu.memory_space<hbm>> -> memref<8x98xi32, #tpu.memory_space<hbm>>
      tpu.enqueue_dma source(%dma_start3A_668 : memref<8x98xi32, #tpu.memory_space<hbm>>) target(%arg5 : memref<8x98xi32, #tpu.memory_space<vmem>>) target_semaphore(%run_scoped3A_662 : memref<!tpu.dma_semaphore, #tpu.memory_space<semaphore_mem>>)
      %dma_wait3A_669 = arith.constant 0 : i32
      %dma_wait3A_670 = tpu.memref_slice %arg3[%run_scoped3A, %mul3A_2, %dma_wait3A_669] : memref<4x256x98xi32, #tpu.memory_space<hbm>> -> memref<1x8x98xi32, #tpu.memory_space<hbm>>
      %dma_wait3A_671 = tpu.memref_squeeze %dma_wait3A_670 : memref<1x8x98xi32, #tpu.memory_space<hbm>> -> memref<8x98xi32, #tpu.memory_space<hbm>>
      %dma_wait3A_672 = arith.constant 0 : i32
      %dma_wait3A_673 = tpu.memref_slice %arg3[%run_scoped3A, %mul3A_2, %dma_wait3A_672] : memref<4x256x98xi32, #tpu.memory_space<hbm>> -> memref<1x8x98xi32, #tpu.memory_space<hbm>>
      %dma_wait3A_674 = tpu.memref_squeeze %dma_wait3A_673 : memref<1x8x98xi32, #tpu.memory_space<hbm>> -> memref<8x98xi32, #tpu.memory_space<hbm>>
      tpu.wait_dma2 semaphore(%run_scoped3A_662 : memref<!tpu.dma_semaphore, #tpu.memory_space<semaphore_mem>>) src(%dma_wait3A_674 : memref<8x98xi32, #tpu.memory_space<hbm>>) dst(%arg5 : memref<8x98xi32, #tpu.memory_space<vmem>>)
      tpu.yield
    }) : () -> ()
    %dma_start3A = arith.constant 0 : i32
    %dma_start3A_3 = arith.constant 0 : i32
    %dma_start3A_4 = arith.constant 0 : i32
    %dma_start3A_5 = tpu.memref_slice %arg6[%dma_start3A_3, %dma_start3A_4] : memref<784x128xf32, #tpu.memory_space<vmem>> -> memref<98x128xf32, #tpu.memory_space<vmem>>
    %dma_start3A_6 = arith.constant 0 : i32
    %dma_start3A_7 = tpu.memref_slice %arg5[%dma_start3A, %dma_start3A_6] : memref<8x98xi32, #tpu.memory_space<vmem>> -> memref<1x98xi32, #tpu.memory_space<vmem>>
    %dma_start3A_8 = tpu.memref_squeeze %dma_start3A_7 : memref<1x98xi32, #tpu.memory_space<vmem>> -> memref<98xi32, #tpu.memory_space<vmem>>
    %dma_start3A_9 = arith.constant 0 : i32
    %dma_start3A_10 = arith.constant 0 : i32
    %dma_start3A_11 = tpu.memref_slice %arg2[%dma_start3A_9, %dma_start3A_10] : memref<200000x128xf32, #tpu.memory_space<hbm>> -> memref<200000x128xf32, #tpu.memory_space<hbm>>
    tpu.enqueue_indirect_dma source(%dma_start3A_11 : memref<200000x128xf32, #tpu.memory_space<hbm>>) target(%dma_start3A_5 : memref<98x128xf32, #tpu.memory_space<vmem>>) offsets(%dma_start3A_8 : memref<98xi32, #tpu.memory_space<vmem>>) semaphore(%arg7 : memref<!tpu.dma_semaphore, #tpu.memory_space<semaphore_mem>>)
    %dma_start3A_12 = arith.constant 1 : i32
    %dma_start3A_13 = arith.constant 98 : i32
    %dma_start3A_14 = arith.constant 0 : i32
    %dma_start3A_15 = tpu.memref_slice %arg6[%dma_start3A_13, %dma_start3A_14] : memref<784x128xf32, #tpu.memory_space<vmem>> -> memref<98x128xf32, #tpu.memory_space<vmem>>
    %dma_start3A_16 = arith.constant 0 : i32
    %dma_start3A_17 = tpu.memref_slice %arg5[%dma_start3A_12, %dma_start3A_16] : memref<8x98xi32, #tpu.memory_space<vmem>> -> memref<1x98xi32, #tpu.memory_space<vmem>>
    %dma_start3A_18 = tpu.memref_squeeze %dma_start3A_17 : memref<1x98xi32, #tpu.memory_space<vmem>> -> memref<98xi32, #tpu.memory_space<vmem>>
    %dma_start3A_19 = arith.constant 0 : i32
    %dma_start3A_20 = arith.constant 0 : i32
    %dma_start3A_21 = tpu.memref_slice %arg2[%dma_start3A_19, %dma_start3A_20] : memref<200000x128xf32, #tpu.memory_space<hbm>> -> memref<200000x128xf32, #tpu.memory_space<hbm>>
    tpu.enqueue_indirect_dma source(%dma_start3A_21 : memref<200000x128xf32, #tpu.memory_space<hbm>>) target(%dma_start3A_15 : memref<98x128xf32, #tpu.memory_space<vmem>>) offsets(%dma_start3A_18 : memref<98xi32, #tpu.memory_space<vmem>>) semaphore(%arg7 : memref<!tpu.dma_semaphore, #tpu.memory_space<semaphore_mem>>)
    %dma_start3A_22 = arith.constant 2 : i32
    %dma_start3A_23 = arith.constant 196 : i32
    %dma_start3A_24 = arith.constant 0 : i32
    %dma_start3A_25 = tpu.memref_slice %arg6[%dma_start3A_23, %dma_start3A_24] : memref<784x128xf32, #tpu.memory_space<vmem>> -> memref<98x128xf32, #tpu.memory_space<vmem>>
    %dma_start3A_26 = arith.constant 0 : i32
    %dma_start3A_27 = tpu.memref_slice %arg5[%dma_start3A_22, %dma_start3A_26] : memref<8x98xi32, #tpu.memory_space<vmem>> -> memref<1x98xi32, #tpu.memory_space<vmem>>
    %dma_start3A_28 = tpu.memref_squeeze %dma_start3A_27 : memref<1x98xi32, #tpu.memory_space<vmem>> -> memref<98xi32, #tpu.memory_space<vmem>>
    %dma_start3A_29 = arith.constant 0 : i32
    %dma_start3A_30 = arith.constant 0 : i32
    %dma_start3A_31 = tpu.memref_slice %arg2[%dma_start3A_29, %dma_start3A_30] : memref<200000x128xf32, #tpu.memory_space<hbm>> -> memref<200000x128xf32, #tpu.memory_space<hbm>>
    tpu.enqueue_indirect_dma source(%dma_start3A_31 : memref<200000x128xf32, #tpu.memory_space<hbm>>) target(%dma_start3A_25 : memref<98x128xf32, #tpu.memory_space<vmem>>) offsets(%dma_start3A_28 : memref<98xi32, #tpu.memory_space<vmem>>) semaphore(%arg7 : memref<!tpu.dma_semaphore, #tpu.memory_space<semaphore_mem>>)
    %dma_start3A_32 = arith.constant 3 : i32
    %dma_start3A_33 = arith.constant 294 : i32
    %dma_start3A_34 = arith.constant 0 : i32
    %dma_start3A_35 = tpu.memref_slice %arg6[%dma_start3A_33, %dma_start3A_34] : memref<784x128xf32, #tpu.memory_space<vmem>> -> memref<98x128xf32, #tpu.memory_space<vmem>>
    %dma_start3A_36 = arith.constant 0 : i32
    %dma_start3A_37 = tpu.memref_slice %arg5[%dma_start3A_32, %dma_start3A_36] : memref<8x98xi32, #tpu.memory_space<vmem>> -> memref<1x98xi32, #tpu.memory_space<vmem>>
    %dma_start3A_38 = tpu.memref_squeeze %dma_start3A_37 : memref<1x98xi32, #tpu.memory_space<vmem>> -> memref<98xi32, #tpu.memory_space<vmem>>
    %dma_start3A_39 = arith.constant 0 : i32
    %dma_start3A_40 = arith.constant 0 : i32
    %dma_start3A_41 = tpu.memref_slice %arg2[%dma_start3A_39, %dma_start3A_40] : memref<200000x128xf32, #tpu.memory_space<hbm>> -> memref<200000x128xf32, #tpu.memory_space<hbm>>
    tpu.enqueue_indirect_dma source(%dma_start3A_41 : memref<200000x128xf32, #tpu.memory_space<hbm>>) target(%dma_start3A_35 : memref<98x128xf32, #tpu.memory_space<vmem>>) offsets(%dma_start3A_38 : memref<98xi32, #tpu.memory_space<vmem>>) semaphore(%arg7 : memref<!tpu.dma_semaphore, #tpu.memory_space<semaphore_mem>>)
    %dma_start3A_42 = arith.constant 4 : i32
    %dma_start3A_43 = arith.constant 392 : i32
    %dma_start3A_44 = arith.constant 0 : i32
    %dma_start3A_45 = tpu.memref_slice %arg6[%dma_start3A_43, %dma_start3A_44] : memref<784x128xf32, #tpu.memory_space<vmem>> -> memref<98x128xf32, #tpu.memory_space<vmem>>
    %dma_start3A_46 = arith.constant 0 : i32
    %dma_start3A_47 = tpu.memref_slice %arg5[%dma_start3A_42, %dma_start3A_46] : memref<8x98xi32, #tpu.memory_space<vmem>> -> memref<1x98xi32, #tpu.memory_space<vmem>>
    %dma_start3A_48 = tpu.memref_squeeze %dma_start3A_47 : memref<1x98xi32, #tpu.memory_space<vmem>> -> memref<98xi32, #tpu.memory_space<vmem>>
    %dma_start3A_49 = arith.constant 0 : i32
    %dma_start3A_50 = arith.constant 0 : i32
    %dma_start3A_51 = tpu.memref_slice %arg2[%dma_start3A_49, %dma_start3A_50] : memref<200000x128xf32, #tpu.memory_space<hbm>> -> memref<200000x128xf32, #tpu.memory_space<hbm>>
    tpu.enqueue_indirect_dma source(%dma_start3A_51 : memref<200000x128xf32, #tpu.memory_space<hbm>>) target(%dma_start3A_45 : memref<98x128xf32, #tpu.memory_space<vmem>>) offsets(%dma_start3A_48 : memref<98xi32, #tpu.memory_space<vmem>>) semaphore(%arg7 : memref<!tpu.dma_semaphore, #tpu.memory_space<semaphore_mem>>)
    %dma_start3A_52 = arith.constant 5 : i32
    %dma_start3A_53 = arith.constant 490 : i32
    %dma_start3A_54 = arith.constant 0 : i32
    %dma_start3A_55 = tpu.memref_slice %arg6[%dma_start3A_53, %dma_start3A_54] : memref<784x128xf32, #tpu.memory_space<vmem>> -> memref<98x128xf32, #tpu.memory_space<vmem>>
    %dma_start3A_56 = arith.constant 0 : i32
    %dma_start3A_57 = tpu.memref_slice %arg5[%dma_start3A_52, %dma_start3A_56] : memref<8x98xi32, #tpu.memory_space<vmem>> -> memref<1x98xi32, #tpu.memory_space<vmem>>
    %dma_start3A_58 = tpu.memref_squeeze %dma_start3A_57 : memref<1x98xi32, #tpu.memory_space<vmem>> -> memref<98xi32, #tpu.memory_space<vmem>>
    %dma_start3A_59 = arith.constant 0 : i32
    %dma_start3A_60 = arith.constant 0 : i32
    %dma_start3A_61 = tpu.memref_slice %arg2[%dma_start3A_59, %dma_start3A_60] : memref<200000x128xf32, #tpu.memory_space<hbm>> -> memref<200000x128xf32, #tpu.memory_space<hbm>>
    tpu.enqueue_indirect_dma source(%dma_start3A_61 : memref<200000x128xf32, #tpu.memory_space<hbm>>) target(%dma_start3A_55 : memref<98x128xf32, #tpu.memory_space<vmem>>) offsets(%dma_start3A_58 : memref<98xi32, #tpu.memory_space<vmem>>) semaphore(%arg7 : memref<!tpu.dma_semaphore, #tpu.memory_space<semaphore_mem>>)
    %dma_start3A_62 = arith.constant 6 : i32
    %dma_start3A_63 = arith.constant 588 : i32
    %dma_start3A_64 = arith.constant 0 : i32
    %dma_start3A_65 = tpu.memref_slice %arg6[%dma_start3A_63, %dma_start3A_64] : memref<784x128xf32, #tpu.memory_space<vmem>> -> memref<98x128xf32, #tpu.memory_space<vmem>>
    %dma_start3A_66 = arith.constant 0 : i32
    %dma_start3A_67 = tpu.memref_slice %arg5[%dma_start3A_62, %dma_start3A_66] : memref<8x98xi32, #tpu.memory_space<vmem>> -> memref<1x98xi32, #tpu.memory_space<vmem>>
    %dma_start3A_68 = tpu.memref_squeeze %dma_start3A_67 : memref<1x98xi32, #tpu.memory_space<vmem>> -> memref<98xi32, #tpu.memory_space<vmem>>
    %dma_start3A_69 = arith.constant 0 : i32
    %dma_start3A_70 = arith.constant 0 : i32
    %dma_start3A_71 = tpu.memref_slice %arg2[%dma_start3A_69, %dma_start3A_70] : memref<200000x128xf32, #tpu.memory_space<hbm>> -> memref<200000x128xf32, #tpu.memory_space<hbm>>
    tpu.enqueue_indirect_dma source(%dma_start3A_71 : memref<200000x128xf32, #tpu.memory_space<hbm>>) target(%dma_start3A_65 : memref<98x128xf32, #tpu.memory_space<vmem>>) offsets(%dma_start3A_68 : memref<98xi32, #tpu.memory_space<vmem>>) semaphore(%arg7 : memref<!tpu.dma_semaphore, #tpu.memory_space<semaphore_mem>>)
    %dma_start3A_72 = arith.constant 7 : i32
    %dma_start3A_73 = arith.constant 686 : i32
    %dma_start3A_74 = arith.constant 0 : i32
    %dma_start3A_75 = tpu.memref_slice %arg6[%dma_start3A_73, %dma_start3A_74] : memref<784x128xf32, #tpu.memory_space<vmem>> -> memref<98x128xf32, #tpu.memory_space<vmem>>
    %dma_start3A_76 = arith.constant 0 : i32
    %dma_start3A_77 = tpu.memref_slice %arg5[%dma_start3A_72, %dma_start3A_76] : memref<8x98xi32, #tpu.memory_space<vmem>> -> memref<1x98xi32, #tpu.memory_space<vmem>>
    %dma_start3A_78 = tpu.memref_squeeze %dma_start3A_77 : memref<1x98xi32, #tpu.memory_space<vmem>> -> memref<98xi32, #tpu.memory_space<vmem>>
    %dma_start3A_79 = arith.constant 0 : i32
    %dma_start3A_80 = arith.constant 0 : i32
    %dma_start3A_81 = tpu.memref_slice %arg2[%dma_start3A_79, %dma_start3A_80] : memref<200000x128xf32, #tpu.memory_space<hbm>> -> memref<200000x128xf32, #tpu.memory_space<hbm>>
    tpu.enqueue_indirect_dma source(%dma_start3A_81 : memref<200000x128xf32, #tpu.memory_space<hbm>>) target(%dma_start3A_75 : memref<98x128xf32, #tpu.memory_space<vmem>>) offsets(%dma_start3A_78 : memref<98xi32, #tpu.memory_space<vmem>>) semaphore(%arg7 : memref<!tpu.dma_semaphore, #tpu.memory_space<semaphore_mem>>)
    %dma_wait3A = arith.constant 0 : i32
    %dma_wait3A_82 = arith.constant 0 : i32
    %dma_wait3A_83 = arith.constant 0 : i32
    %dma_wait3A_84 = tpu.memref_slice %arg6[%dma_wait3A_82, %dma_wait3A_83] : memref<784x128xf32, #tpu.memory_space<vmem>> -> memref<98x128xf32, #tpu.memory_space<vmem>>
    %dma_wait3A_85 = arith.constant 0 : i32
    %dma_wait3A_86 = tpu.memref_slice %arg5[%dma_wait3A, %dma_wait3A_85] : memref<8x98xi32, #tpu.memory_space<vmem>> -> memref<1x98xi32, #tpu.memory_space<vmem>>
    %dma_wait3A_87 = tpu.memref_squeeze %dma_wait3A_86 : memref<1x98xi32, #tpu.memory_space<vmem>> -> memref<98xi32, #tpu.memory_space<vmem>>
    %dma_wait3A_88 = arith.constant 0 : i32
    %dma_wait3A_89 = arith.constant 0 : i32
    %dma_wait3A_90 = tpu.memref_slice %arg2[%dma_wait3A_88, %dma_wait3A_89] : memref<200000x128xf32, #tpu.memory_space<hbm>> -> memref<200000x128xf32, #tpu.memory_space<hbm>>
    tpu.wait_indirect_dma semaphore(%arg7 : memref<!tpu.dma_semaphore, #tpu.memory_space<semaphore_mem>>) src(%dma_wait3A_90 : memref<200000x128xf32, #tpu.memory_space<hbm>>) dst(%dma_wait3A_84 : memref<98x128xf32, #tpu.memory_space<vmem>>)
    %dma_wait3A_91 = arith.constant 1 : i32
    %dma_wait3A_92 = arith.constant 98 : i32
    %dma_wait3A_93 = arith.constant 0 : i32
    %dma_wait3A_94 = tpu.memref_slice %arg6[%dma_wait3A_92, %dma_wait3A_93] : memref<784x128xf32, #tpu.memory_space<vmem>> -> memref<98x128xf32, #tpu.memory_space<vmem>>
    %dma_wait3A_95 = arith.constant 0 : i32
    %dma_wait3A_96 = tpu.memref_slice %arg5[%dma_wait3A_91, %dma_wait3A_95] : memref<8x98xi32, #tpu.memory_space<vmem>> -> memref<1x98xi32, #tpu.memory_space<vmem>>
    %dma_wait3A_97 = tpu.memref_squeeze %dma_wait3A_96 : memref<1x98xi32, #tpu.memory_space<vmem>> -> memref<98xi32, #tpu.memory_space<vmem>>
    %dma_wait3A_98 = arith.constant 0 : i32
    %dma_wait3A_99 = arith.constant 0 : i32
    %dma_wait3A_100 = tpu.memref_slice %arg2[%dma_wait3A_98, %dma_wait3A_99] : memref<200000x128xf32, #tpu.memory_space<hbm>> -> memref<200000x128xf32, #tpu.memory_space<hbm>>
    tpu.wait_indirect_dma semaphore(%arg7 : memref<!tpu.dma_semaphore, #tpu.memory_space<semaphore_mem>>) src(%dma_wait3A_100 : memref<200000x128xf32, #tpu.memory_space<hbm>>) dst(%dma_wait3A_94 : memref<98x128xf32, #tpu.memory_space<vmem>>)
    %dma_wait3A_101 = arith.constant 2 : i32
    %dma_wait3A_102 = arith.constant 196 : i32
    %dma_wait3A_103 = arith.constant 0 : i32
    %dma_wait3A_104 = tpu.memref_slice %arg6[%dma_wait3A_102, %dma_wait3A_103] : memref<784x128xf32, #tpu.memory_space<vmem>> -> memref<98x128xf32, #tpu.memory_space<vmem>>
    %dma_wait3A_105 = arith.constant 0 : i32
    %dma_wait3A_106 = tpu.memref_slice %arg5[%dma_wait3A_101, %dma_wait3A_105] : memref<8x98xi32, #tpu.memory_space<vmem>> -> memref<1x98xi32, #tpu.memory_space<vmem>>
    %dma_wait3A_107 = tpu.memref_squeeze %dma_wait3A_106 : memref<1x98xi32, #tpu.memory_space<vmem>> -> memref<98xi32, #tpu.memory_space<vmem>>
    %dma_wait3A_108 = arith.constant 0 : i32
    %dma_wait3A_109 = arith.constant 0 : i32
    %dma_wait3A_110 = tpu.memref_slice %arg2[%dma_wait3A_108, %dma_wait3A_109] : memref<200000x128xf32, #tpu.memory_space<hbm>> -> memref<200000x128xf32, #tpu.memory_space<hbm>>
    tpu.wait_indirect_dma semaphore(%arg7 : memref<!tpu.dma_semaphore, #tpu.memory_space<semaphore_mem>>) src(%dma_wait3A_110 : memref<200000x128xf32, #tpu.memory_space<hbm>>) dst(%dma_wait3A_104 : memref<98x128xf32, #tpu.memory_space<vmem>>)
    %dma_wait3A_111 = arith.constant 3 : i32
    %dma_wait3A_112 = arith.constant 294 : i32
    %dma_wait3A_113 = arith.constant 0 : i32
    %dma_wait3A_114 = tpu.memref_slice %arg6[%dma_wait3A_112, %dma_wait3A_113] : memref<784x128xf32, #tpu.memory_space<vmem>> -> memref<98x128xf32, #tpu.memory_space<vmem>>
    %dma_wait3A_115 = arith.constant 0 : i32
    %dma_wait3A_116 = tpu.memref_slice %arg5[%dma_wait3A_111, %dma_wait3A_115] : memref<8x98xi32, #tpu.memory_space<vmem>> -> memref<1x98xi32, #tpu.memory_space<vmem>>
    %dma_wait3A_117 = tpu.memref_squeeze %dma_wait3A_116 : memref<1x98xi32, #tpu.memory_space<vmem>> -> memref<98xi32, #tpu.memory_space<vmem>>
    %dma_wait3A_118 = arith.constant 0 : i32
    %dma_wait3A_119 = arith.constant 0 : i32
    %dma_wait3A_120 = tpu.memref_slice %arg2[%dma_wait3A_118, %dma_wait3A_119] : memref<200000x128xf32, #tpu.memory_space<hbm>> -> memref<200000x128xf32, #tpu.memory_space<hbm>>
    tpu.wait_indirect_dma semaphore(%arg7 : memref<!tpu.dma_semaphore, #tpu.memory_space<semaphore_mem>>) src(%dma_wait3A_120 : memref<200000x128xf32, #tpu.memory_space<hbm>>) dst(%dma_wait3A_114 : memref<98x128xf32, #tpu.memory_space<vmem>>)
    %dma_wait3A_121 = arith.constant 4 : i32
    %dma_wait3A_122 = arith.constant 392 : i32
    %dma_wait3A_123 = arith.constant 0 : i32
    %dma_wait3A_124 = tpu.memref_slice %arg6[%dma_wait3A_122, %dma_wait3A_123] : memref<784x128xf32, #tpu.memory_space<vmem>> -> memref<98x128xf32, #tpu.memory_space<vmem>>
    %dma_wait3A_125 = arith.constant 0 : i32
    %dma_wait3A_126 = tpu.memref_slice %arg5[%dma_wait3A_121, %dma_wait3A_125] : memref<8x98xi32, #tpu.memory_space<vmem>> -> memref<1x98xi32, #tpu.memory_space<vmem>>
    %dma_wait3A_127 = tpu.memref_squeeze %dma_wait3A_126 : memref<1x98xi32, #tpu.memory_space<vmem>> -> memref<98xi32, #tpu.memory_space<vmem>>
    %dma_wait3A_128 = arith.constant 0 : i32
    %dma_wait3A_129 = arith.constant 0 : i32
    %dma_wait3A_130 = tpu.memref_slice %arg2[%dma_wait3A_128, %dma_wait3A_129] : memref<200000x128xf32, #tpu.memory_space<hbm>> -> memref<200000x128xf32, #tpu.memory_space<hbm>>
    tpu.wait_indirect_dma semaphore(%arg7 : memref<!tpu.dma_semaphore, #tpu.memory_space<semaphore_mem>>) src(%dma_wait3A_130 : memref<200000x128xf32, #tpu.memory_space<hbm>>) dst(%dma_wait3A_124 : memref<98x128xf32, #tpu.memory_space<vmem>>)
    %dma_wait3A_131 = arith.constant 5 : i32
    %dma_wait3A_132 = arith.constant 490 : i32
    %dma_wait3A_133 = arith.constant 0 : i32
    %dma_wait3A_134 = tpu.memref_slice %arg6[%dma_wait3A_132, %dma_wait3A_133] : memref<784x128xf32, #tpu.memory_space<vmem>> -> memref<98x128xf32, #tpu.memory_space<vmem>>
    %dma_wait3A_135 = arith.constant 0 : i32
    %dma_wait3A_136 = tpu.memref_slice %arg5[%dma_wait3A_131, %dma_wait3A_135] : memref<8x98xi32, #tpu.memory_space<vmem>> -> memref<1x98xi32, #tpu.memory_space<vmem>>
    %dma_wait3A_137 = tpu.memref_squeeze %dma_wait3A_136 : memref<1x98xi32, #tpu.memory_space<vmem>> -> memref<98xi32, #tpu.memory_space<vmem>>
    %dma_wait3A_138 = arith.constant 0 : i32
    %dma_wait3A_139 = arith.constant 0 : i32
    %dma_wait3A_140 = tpu.memref_slice %arg2[%dma_wait3A_138, %dma_wait3A_139] : memref<200000x128xf32, #tpu.memory_space<hbm>> -> memref<200000x128xf32, #tpu.memory_space<hbm>>
    tpu.wait_indirect_dma semaphore(%arg7 : memref<!tpu.dma_semaphore, #tpu.memory_space<semaphore_mem>>) src(%dma_wait3A_140 : memref<200000x128xf32, #tpu.memory_space<hbm>>) dst(%dma_wait3A_134 : memref<98x128xf32, #tpu.memory_space<vmem>>)
    %dma_wait3A_141 = arith.constant 6 : i32
    %dma_wait3A_142 = arith.constant 588 : i32
    %dma_wait3A_143 = arith.constant 0 : i32
    %dma_wait3A_144 = tpu.memref_slice %arg6[%dma_wait3A_142, %dma_wait3A_143] : memref<784x128xf32, #tpu.memory_space<vmem>> -> memref<98x128xf32, #tpu.memory_space<vmem>>
    %dma_wait3A_145 = arith.constant 0 : i32
    %dma_wait3A_146 = tpu.memref_slice %arg5[%dma_wait3A_141, %dma_wait3A_145] : memref<8x98xi32, #tpu.memory_space<vmem>> -> memref<1x98xi32, #tpu.memory_space<vmem>>
    %dma_wait3A_147 = tpu.memref_squeeze %dma_wait3A_146 : memref<1x98xi32, #tpu.memory_space<vmem>> -> memref<98xi32, #tpu.memory_space<vmem>>
    %dma_wait3A_148 = arith.constant 0 : i32
    %dma_wait3A_149 = arith.constant 0 : i32
    %dma_wait3A_150 = tpu.memref_slice %arg2[%dma_wait3A_148, %dma_wait3A_149] : memref<200000x128xf32, #tpu.memory_space<hbm>> -> memref<200000x128xf32, #tpu.memory_space<hbm>>
    tpu.wait_indirect_dma semaphore(%arg7 : memref<!tpu.dma_semaphore, #tpu.memory_space<semaphore_mem>>) src(%dma_wait3A_150 : memref<200000x128xf32, #tpu.memory_space<hbm>>) dst(%dma_wait3A_144 : memref<98x128xf32, #tpu.memory_space<vmem>>)
    %dma_wait3A_151 = arith.constant 7 : i32
    %dma_wait3A_152 = arith.constant 686 : i32
    %dma_wait3A_153 = arith.constant 0 : i32
    %dma_wait3A_154 = tpu.memref_slice %arg6[%dma_wait3A_152, %dma_wait3A_153] : memref<784x128xf32, #tpu.memory_space<vmem>> -> memref<98x128xf32, #tpu.memory_space<vmem>>
    %dma_wait3A_155 = arith.constant 0 : i32
    %dma_wait3A_156 = tpu.memref_slice %arg5[%dma_wait3A_151, %dma_wait3A_155] : memref<8x98xi32, #tpu.memory_space<vmem>> -> memref<1x98xi32, #tpu.memory_space<vmem>>
    %dma_wait3A_157 = tpu.memref_squeeze %dma_wait3A_156 : memref<1x98xi32, #tpu.memory_space<vmem>> -> memref<98xi32, #tpu.memory_space<vmem>>
    %dma_wait3A_158 = arith.constant 0 : i32
    %dma_wait3A_159 = arith.constant 0 : i32
    %dma_wait3A_160 = tpu.memref_slice %arg2[%dma_wait3A_158, %dma_wait3A_159] : memref<200000x128xf32, #tpu.memory_space<hbm>> -> memref<200000x128xf32, #tpu.memory_space<hbm>>
    tpu.wait_indirect_dma semaphore(%arg7 : memref<!tpu.dma_semaphore, #tpu.memory_space<semaphore_mem>>) src(%dma_wait3A_160 : memref<200000x128xf32, #tpu.memory_space<hbm>>) dst(%dma_wait3A_154 : memref<98x128xf32, #tpu.memory_space<vmem>>)
    %mul3A_161 = arith.constant 784 : i32
    %mul3A_162 = arith.muli %add3A, %mul3A_161 : i32
    %run_scoped3A_163 = arith.constant 0 : i32
    "tpu.region"() ({
      %run_scoped3A_662 = tpu.sem_alloc : memref<!tpu.dma_semaphore, #tpu.memory_space<semaphore_mem>>
      %dma_start3A_663 = arith.constant 0 : i32
      %dma_start3A_664 = tpu.memref_slice %arg4[%run_scoped3A_163, %mul3A_162, %dma_start3A_663] : memref<4x25088x128xf32, #tpu.memory_space<hbm>> -> memref<1x784x128xf32, #tpu.memory_space<hbm>>
      %dma_start3A_665 = tpu.memref_squeeze %dma_start3A_664 : memref<1x784x128xf32, #tpu.memory_space<hbm>> -> memref<784x128xf32, #tpu.memory_space<hbm>>
      %dma_start3A_666 = arith.constant 0 : i32
      %dma_start3A_667 = tpu.memref_slice %arg4[%run_scoped3A_163, %mul3A_162, %dma_start3A_666] : memref<4x25088x128xf32, #tpu.memory_space<hbm>> -> memref<1x784x128xf32, #tpu.memory_space<hbm>>
      %dma_start3A_668 = tpu.memref_squeeze %dma_start3A_667 : memref<1x784x128xf32, #tpu.memory_space<hbm>> -> memref<784x128xf32, #tpu.memory_space<hbm>>
      tpu.enqueue_dma source(%arg6 : memref<784x128xf32, #tpu.memory_space<vmem>>) target(%dma_start3A_668 : memref<784x128xf32, #tpu.memory_space<hbm>>) target_semaphore(%run_scoped3A_662 : memref<!tpu.dma_semaphore, #tpu.memory_space<semaphore_mem>>)
      %dma_wait3A_669 = arith.constant 0 : i32
      %dma_wait3A_670 = tpu.memref_slice %arg4[%run_scoped3A_163, %mul3A_162, %dma_wait3A_669] : memref<4x25088x128xf32, #tpu.memory_space<hbm>> -> memref<1x784x128xf32, #tpu.memory_space<hbm>>
      %dma_wait3A_671 = tpu.memref_squeeze %dma_wait3A_670 : memref<1x784x128xf32, #tpu.memory_space<hbm>> -> memref<784x128xf32, #tpu.memory_space<hbm>>
      %dma_wait3A_672 = arith.constant 0 : i32
      %dma_wait3A_673 = tpu.memref_slice %arg4[%run_scoped3A_163, %mul3A_162, %dma_wait3A_672] : memref<4x25088x128xf32, #tpu.memory_space<hbm>> -> memref<1x784x128xf32, #tpu.memory_space<hbm>>
      %dma_wait3A_674 = tpu.memref_squeeze %dma_wait3A_673 : memref<1x784x128xf32, #tpu.memory_space<hbm>> -> memref<784x128xf32, #tpu.memory_space<hbm>>
      tpu.wait_dma2 semaphore(%run_scoped3A_662 : memref<!tpu.dma_semaphore, #tpu.memory_space<semaphore_mem>>) src(%arg6 : memref<784x128xf32, #tpu.memory_space<vmem>>) dst(%dma_wait3A_674 : memref<784x128xf32, #tpu.memory_space<hbm>>)
      tpu.yield
    }) : () -> ()
    %mul3A_164 = arith.constant 8 : i32
    %mul3A_165 = arith.muli %add3A, %mul3A_164 : i32
    %run_scoped3A_166 = arith.constant 1 : i32
    "tpu.region"() ({
      %run_scoped3A_662 = tpu.sem_alloc : memref<!tpu.dma_semaphore, #tpu.memory_space<semaphore_mem>>
      %dma_start3A_663 = arith.constant 0 : i32
      %dma_start3A_664 = tpu.memref_slice %arg3[%run_scoped3A_166, %mul3A_165, %dma_start3A_663] : memref<4x256x98xi32, #tpu.memory_space<hbm>> -> memref<1x8x98xi32, #tpu.memory_space<hbm>>
      %dma_start3A_665 = tpu.memref_squeeze %dma_start3A_664 : memref<1x8x98xi32, #tpu.memory_space<hbm>> -> memref<8x98xi32, #tpu.memory_space<hbm>>
      %dma_start3A_666 = arith.constant 0 : i32
      %dma_start3A_667 = tpu.memref_slice %arg3[%run_scoped3A_166, %mul3A_165, %dma_start3A_666] : memref<4x256x98xi32, #tpu.memory_space<hbm>> -> memref<1x8x98xi32, #tpu.memory_space<hbm>>
      %dma_start3A_668 = tpu.memref_squeeze %dma_start3A_667 : memref<1x8x98xi32, #tpu.memory_space<hbm>> -> memref<8x98xi32, #tpu.memory_space<hbm>>
      tpu.enqueue_dma source(%dma_start3A_668 : memref<8x98xi32, #tpu.memory_space<hbm>>) target(%arg5 : memref<8x98xi32, #tpu.memory_space<vmem>>) target_semaphore(%run_scoped3A_662 : memref<!tpu.dma_semaphore, #tpu.memory_space<semaphore_mem>>)
      %dma_wait3A_669 = arith.constant 0 : i32
      %dma_wait3A_670 = tpu.memref_slice %arg3[%run_scoped3A_166, %mul3A_165, %dma_wait3A_669] : memref<4x256x98xi32, #tpu.memory_space<hbm>> -> memref<1x8x98xi32, #tpu.memory_space<hbm>>
      %dma_wait3A_671 = tpu.memref_squeeze %dma_wait3A_670 : memref<1x8x98xi32, #tpu.memory_space<hbm>> -> memref<8x98xi32, #tpu.memory_space<hbm>>
      %dma_wait3A_672 = arith.constant 0 : i32
      %dma_wait3A_673 = tpu.memref_slice %arg3[%run_scoped3A_166, %mul3A_165, %dma_wait3A_672] : memref<4x256x98xi32, #tpu.memory_space<hbm>> -> memref<1x8x98xi32, #tpu.memory_space<hbm>>
      %dma_wait3A_674 = tpu.memref_squeeze %dma_wait3A_673 : memref<1x8x98xi32, #tpu.memory_space<hbm>> -> memref<8x98xi32, #tpu.memory_space<hbm>>
      tpu.wait_dma2 semaphore(%run_scoped3A_662 : memref<!tpu.dma_semaphore, #tpu.memory_space<semaphore_mem>>) src(%dma_wait3A_674 : memref<8x98xi32, #tpu.memory_space<hbm>>) dst(%arg5 : memref<8x98xi32, #tpu.memory_space<vmem>>)
      tpu.yield
    }) : () -> ()
    %dma_start3A_167 = arith.constant 0 : i32
    %dma_start3A_168 = arith.constant 0 : i32
    %dma_start3A_169 = arith.constant 0 : i32
    %dma_start3A_170 = tpu.memref_slice %arg6[%dma_start3A_168, %dma_start3A_169] : memref<784x128xf32, #tpu.memory_space<vmem>> -> memref<98x128xf32, #tpu.memory_space<vmem>>
    %dma_start3A_171 = arith.constant 0 : i32
    %dma_start3A_172 = tpu.memref_slice %arg5[%dma_start3A_167, %dma_start3A_171] : memref<8x98xi32, #tpu.memory_space<vmem>> -> memref<1x98xi32, #tpu.memory_space<vmem>>
    %dma_start3A_173 = tpu.memref_squeeze %dma_start3A_172 : memref<1x98xi32, #tpu.memory_space<vmem>> -> memref<98xi32, #tpu.memory_space<vmem>>
    %dma_start3A_174 = arith.constant 0 : i32
    %dma_start3A_175 = arith.constant 0 : i32
    %dma_start3A_176 = tpu.memref_slice %arg2[%dma_start3A_174, %dma_start3A_175] : memref<200000x128xf32, #tpu.memory_space<hbm>> -> memref<200000x128xf32, #tpu.memory_space<hbm>>
    tpu.enqueue_indirect_dma source(%dma_start3A_176 : memref<200000x128xf32, #tpu.memory_space<hbm>>) target(%dma_start3A_170 : memref<98x128xf32, #tpu.memory_space<vmem>>) offsets(%dma_start3A_173 : memref<98xi32, #tpu.memory_space<vmem>>) semaphore(%arg7 : memref<!tpu.dma_semaphore, #tpu.memory_space<semaphore_mem>>)
    %dma_start3A_177 = arith.constant 1 : i32
    %dma_start3A_178 = arith.constant 98 : i32
    %dma_start3A_179 = arith.constant 0 : i32
    %dma_start3A_180 = tpu.memref_slice %arg6[%dma_start3A_178, %dma_start3A_179] : memref<784x128xf32, #tpu.memory_space<vmem>> -> memref<98x128xf32, #tpu.memory_space<vmem>>
    %dma_start3A_181 = arith.constant 0 : i32
    %dma_start3A_182 = tpu.memref_slice %arg5[%dma_start3A_177, %dma_start3A_181] : memref<8x98xi32, #tpu.memory_space<vmem>> -> memref<1x98xi32, #tpu.memory_space<vmem>>
    %dma_start3A_183 = tpu.memref_squeeze %dma_start3A_182 : memref<1x98xi32, #tpu.memory_space<vmem>> -> memref<98xi32, #tpu.memory_space<vmem>>
    %dma_start3A_184 = arith.constant 0 : i32
    %dma_start3A_185 = arith.constant 0 : i32
    %dma_start3A_186 = tpu.memref_slice %arg2[%dma_start3A_184, %dma_start3A_185] : memref<200000x128xf32, #tpu.memory_space<hbm>> -> memref<200000x128xf32, #tpu.memory_space<hbm>>
    tpu.enqueue_indirect_dma source(%dma_start3A_186 : memref<200000x128xf32, #tpu.memory_space<hbm>>) target(%dma_start3A_180 : memref<98x128xf32, #tpu.memory_space<vmem>>) offsets(%dma_start3A_183 : memref<98xi32, #tpu.memory_space<vmem>>) semaphore(%arg7 : memref<!tpu.dma_semaphore, #tpu.memory_space<semaphore_mem>>)
    %dma_start3A_187 = arith.constant 2 : i32
    %dma_start3A_188 = arith.constant 196 : i32
    %dma_start3A_189 = arith.constant 0 : i32
    %dma_start3A_190 = tpu.memref_slice %arg6[%dma_start3A_188, %dma_start3A_189] : memref<784x128xf32, #tpu.memory_space<vmem>> -> memref<98x128xf32, #tpu.memory_space<vmem>>
    %dma_start3A_191 = arith.constant 0 : i32
    %dma_start3A_192 = tpu.memref_slice %arg5[%dma_start3A_187, %dma_start3A_191] : memref<8x98xi32, #tpu.memory_space<vmem>> -> memref<1x98xi32, #tpu.memory_space<vmem>>
    %dma_start3A_193 = tpu.memref_squeeze %dma_start3A_192 : memref<1x98xi32, #tpu.memory_space<vmem>> -> memref<98xi32, #tpu.memory_space<vmem>>
    %dma_start3A_194 = arith.constant 0 : i32
    %dma_start3A_195 = arith.constant 0 : i32
    %dma_start3A_196 = tpu.memref_slice %arg2[%dma_start3A_194, %dma_start3A_195] : memref<200000x128xf32, #tpu.memory_space<hbm>> -> memref<200000x128xf32, #tpu.memory_space<hbm>>
    tpu.enqueue_indirect_dma source(%dma_start3A_196 : memref<200000x128xf32, #tpu.memory_space<hbm>>) target(%dma_start3A_190 : memref<98x128xf32, #tpu.memory_space<vmem>>) offsets(%dma_start3A_193 : memref<98xi32, #tpu.memory_space<vmem>>) semaphore(%arg7 : memref<!tpu.dma_semaphore, #tpu.memory_space<semaphore_mem>>)
    %dma_start3A_197 = arith.constant 3 : i32
    %dma_start3A_198 = arith.constant 294 : i32
    %dma_start3A_199 = arith.constant 0 : i32
    %dma_start3A_200 = tpu.memref_slice %arg6[%dma_start3A_198, %dma_start3A_199] : memref<784x128xf32, #tpu.memory_space<vmem>> -> memref<98x128xf32, #tpu.memory_space<vmem>>
    %dma_start3A_201 = arith.constant 0 : i32
    %dma_start3A_202 = tpu.memref_slice %arg5[%dma_start3A_197, %dma_start3A_201] : memref<8x98xi32, #tpu.memory_space<vmem>> -> memref<1x98xi32, #tpu.memory_space<vmem>>
    %dma_start3A_203 = tpu.memref_squeeze %dma_start3A_202 : memref<1x98xi32, #tpu.memory_space<vmem>> -> memref<98xi32, #tpu.memory_space<vmem>>
    %dma_start3A_204 = arith.constant 0 : i32
    %dma_start3A_205 = arith.constant 0 : i32
    %dma_start3A_206 = tpu.memref_slice %arg2[%dma_start3A_204, %dma_start3A_205] : memref<200000x128xf32, #tpu.memory_space<hbm>> -> memref<200000x128xf32, #tpu.memory_space<hbm>>
    tpu.enqueue_indirect_dma source(%dma_start3A_206 : memref<200000x128xf32, #tpu.memory_space<hbm>>) target(%dma_start3A_200 : memref<98x128xf32, #tpu.memory_space<vmem>>) offsets(%dma_start3A_203 : memref<98xi32, #tpu.memory_space<vmem>>) semaphore(%arg7 : memref<!tpu.dma_semaphore, #tpu.memory_space<semaphore_mem>>)
    %dma_start3A_207 = arith.constant 4 : i32
    %dma_start3A_208 = arith.constant 392 : i32
    %dma_start3A_209 = arith.constant 0 : i32
    %dma_start3A_210 = tpu.memref_slice %arg6[%dma_start3A_208, %dma_start3A_209] : memref<784x128xf32, #tpu.memory_space<vmem>> -> memref<98x128xf32, #tpu.memory_space<vmem>>
    %dma_start3A_211 = arith.constant 0 : i32
    %dma_start3A_212 = tpu.memref_slice %arg5[%dma_start3A_207, %dma_start3A_211] : memref<8x98xi32, #tpu.memory_space<vmem>> -> memref<1x98xi32, #tpu.memory_space<vmem>>
    %dma_start3A_213 = tpu.memref_squeeze %dma_start3A_212 : memref<1x98xi32, #tpu.memory_space<vmem>> -> memref<98xi32, #tpu.memory_space<vmem>>
    %dma_start3A_214 = arith.constant 0 : i32
    %dma_start3A_215 = arith.constant 0 : i32
    %dma_start3A_216 = tpu.memref_slice %arg2[%dma_start3A_214, %dma_start3A_215] : memref<200000x128xf32, #tpu.memory_space<hbm>> -> memref<200000x128xf32, #tpu.memory_space<hbm>>
    tpu.enqueue_indirect_dma source(%dma_start3A_216 : memref<200000x128xf32, #tpu.memory_space<hbm>>) target(%dma_start3A_210 : memref<98x128xf32, #tpu.memory_space<vmem>>) offsets(%dma_start3A_213 : memref<98xi32, #tpu.memory_space<vmem>>) semaphore(%arg7 : memref<!tpu.dma_semaphore, #tpu.memory_space<semaphore_mem>>)
    %dma_start3A_217 = arith.constant 5 : i32
    %dma_start3A_218 = arith.constant 490 : i32
    %dma_start3A_219 = arith.constant 0 : i32
    %dma_start3A_220 = tpu.memref_slice %arg6[%dma_start3A_218, %dma_start3A_219] : memref<784x128xf32, #tpu.memory_space<vmem>> -> memref<98x128xf32, #tpu.memory_space<vmem>>
    %dma_start3A_221 = arith.constant 0 : i32
    %dma_start3A_222 = tpu.memref_slice %arg5[%dma_start3A_217, %dma_start3A_221] : memref<8x98xi32, #tpu.memory_space<vmem>> -> memref<1x98xi32, #tpu.memory_space<vmem>>
    %dma_start3A_223 = tpu.memref_squeeze %dma_start3A_222 : memref<1x98xi32, #tpu.memory_space<vmem>> -> memref<98xi32, #tpu.memory_space<vmem>>
    %dma_start3A_224 = arith.constant 0 : i32
    %dma_start3A_225 = arith.constant 0 : i32
    %dma_start3A_226 = tpu.memref_slice %arg2[%dma_start3A_224, %dma_start3A_225] : memref<200000x128xf32, #tpu.memory_space<hbm>> -> memref<200000x128xf32, #tpu.memory_space<hbm>>
    tpu.enqueue_indirect_dma source(%dma_start3A_226 : memref<200000x128xf32, #tpu.memory_space<hbm>>) target(%dma_start3A_220 : memref<98x128xf32, #tpu.memory_space<vmem>>) offsets(%dma_start3A_223 : memref<98xi32, #tpu.memory_space<vmem>>) semaphore(%arg7 : memref<!tpu.dma_semaphore, #tpu.memory_space<semaphore_mem>>)
    %dma_start3A_227 = arith.constant 6 : i32
    %dma_start3A_228 = arith.constant 588 : i32
    %dma_start3A_229 = arith.constant 0 : i32
    %dma_start3A_230 = tpu.memref_slice %arg6[%dma_start3A_228, %dma_start3A_229] : memref<784x128xf32, #tpu.memory_space<vmem>> -> memref<98x128xf32, #tpu.memory_space<vmem>>
    %dma_start3A_231 = arith.constant 0 : i32
    %dma_start3A_232 = tpu.memref_slice %arg5[%dma_start3A_227, %dma_start3A_231] : memref<8x98xi32, #tpu.memory_space<vmem>> -> memref<1x98xi32, #tpu.memory_space<vmem>>
    %dma_start3A_233 = tpu.memref_squeeze %dma_start3A_232 : memref<1x98xi32, #tpu.memory_space<vmem>> -> memref<98xi32, #tpu.memory_space<vmem>>
    %dma_start3A_234 = arith.constant 0 : i32
    %dma_start3A_235 = arith.constant 0 : i32
    %dma_start3A_236 = tpu.memref_slice %arg2[%dma_start3A_234, %dma_start3A_235] : memref<200000x128xf32, #tpu.memory_space<hbm>> -> memref<200000x128xf32, #tpu.memory_space<hbm>>
    tpu.enqueue_indirect_dma source(%dma_start3A_236 : memref<200000x128xf32, #tpu.memory_space<hbm>>) target(%dma_start3A_230 : memref<98x128xf32, #tpu.memory_space<vmem>>) offsets(%dma_start3A_233 : memref<98xi32, #tpu.memory_space<vmem>>) semaphore(%arg7 : memref<!tpu.dma_semaphore, #tpu.memory_space<semaphore_mem>>)
    %dma_start3A_237 = arith.constant 7 : i32
    %dma_start3A_238 = arith.constant 686 : i32
    %dma_start3A_239 = arith.constant 0 : i32
    %dma_start3A_240 = tpu.memref_slice %arg6[%dma_start3A_238, %dma_start3A_239] : memref<784x128xf32, #tpu.memory_space<vmem>> -> memref<98x128xf32, #tpu.memory_space<vmem>>
    %dma_start3A_241 = arith.constant 0 : i32
    %dma_start3A_242 = tpu.memref_slice %arg5[%dma_start3A_237, %dma_start3A_241] : memref<8x98xi32, #tpu.memory_space<vmem>> -> memref<1x98xi32, #tpu.memory_space<vmem>>
    %dma_start3A_243 = tpu.memref_squeeze %dma_start3A_242 : memref<1x98xi32, #tpu.memory_space<vmem>> -> memref<98xi32, #tpu.memory_space<vmem>>
    %dma_start3A_244 = arith.constant 0 : i32
    %dma_start3A_245 = arith.constant 0 : i32
    %dma_start3A_246 = tpu.memref_slice %arg2[%dma_start3A_244, %dma_start3A_245] : memref<200000x128xf32, #tpu.memory_space<hbm>> -> memref<200000x128xf32, #tpu.memory_space<hbm>>
    tpu.enqueue_indirect_dma source(%dma_start3A_246 : memref<200000x128xf32, #tpu.memory_space<hbm>>) target(%dma_start3A_240 : memref<98x128xf32, #tpu.memory_space<vmem>>) offsets(%dma_start3A_243 : memref<98xi32, #tpu.memory_space<vmem>>) semaphore(%arg7 : memref<!tpu.dma_semaphore, #tpu.memory_space<semaphore_mem>>)
    %dma_wait3A_247 = arith.constant 0 : i32
    %dma_wait3A_248 = arith.constant 0 : i32
    %dma_wait3A_249 = arith.constant 0 : i32
    %dma_wait3A_250 = tpu.memref_slice %arg6[%dma_wait3A_248, %dma_wait3A_249] : memref<784x128xf32, #tpu.memory_space<vmem>> -> memref<98x128xf32, #tpu.memory_space<vmem>>
    %dma_wait3A_251 = arith.constant 0 : i32
    %dma_wait3A_252 = tpu.memref_slice %arg5[%dma_wait3A_247, %dma_wait3A_251] : memref<8x98xi32, #tpu.memory_space<vmem>> -> memref<1x98xi32, #tpu.memory_space<vmem>>
    %dma_wait3A_253 = tpu.memref_squeeze %dma_wait3A_252 : memref<1x98xi32, #tpu.memory_space<vmem>> -> memref<98xi32, #tpu.memory_space<vmem>>
    %dma_wait3A_254 = arith.constant 0 : i32
    %dma_wait3A_255 = arith.constant 0 : i32
    %dma_wait3A_256 = tpu.memref_slice %arg2[%dma_wait3A_254, %dma_wait3A_255] : memref<200000x128xf32, #tpu.memory_space<hbm>> -> memref<200000x128xf32, #tpu.memory_space<hbm>>
    tpu.wait_indirect_dma semaphore(%arg7 : memref<!tpu.dma_semaphore, #tpu.memory_space<semaphore_mem>>) src(%dma_wait3A_256 : memref<200000x128xf32, #tpu.memory_space<hbm>>) dst(%dma_wait3A_250 : memref<98x128xf32, #tpu.memory_space<vmem>>)
    %dma_wait3A_257 = arith.constant 1 : i32
    %dma_wait3A_258 = arith.constant 98 : i32
    %dma_wait3A_259 = arith.constant 0 : i32
    %dma_wait3A_260 = tpu.memref_slice %arg6[%dma_wait3A_258, %dma_wait3A_259] : memref<784x128xf32, #tpu.memory_space<vmem>> -> memref<98x128xf32, #tpu.memory_space<vmem>>
    %dma_wait3A_261 = arith.constant 0 : i32
    %dma_wait3A_262 = tpu.memref_slice %arg5[%dma_wait3A_257, %dma_wait3A_261] : memref<8x98xi32, #tpu.memory_space<vmem>> -> memref<1x98xi32, #tpu.memory_space<vmem>>
    %dma_wait3A_263 = tpu.memref_squeeze %dma_wait3A_262 : memref<1x98xi32, #tpu.memory_space<vmem>> -> memref<98xi32, #tpu.memory_space<vmem>>
    %dma_wait3A_264 = arith.constant 0 : i32
    %dma_wait3A_265 = arith.constant 0 : i32
    %dma_wait3A_266 = tpu.memref_slice %arg2[%dma_wait3A_264, %dma_wait3A_265] : memref<200000x128xf32, #tpu.memory_space<hbm>> -> memref<200000x128xf32, #tpu.memory_space<hbm>>
    tpu.wait_indirect_dma semaphore(%arg7 : memref<!tpu.dma_semaphore, #tpu.memory_space<semaphore_mem>>) src(%dma_wait3A_266 : memref<200000x128xf32, #tpu.memory_space<hbm>>) dst(%dma_wait3A_260 : memref<98x128xf32, #tpu.memory_space<vmem>>)
    %dma_wait3A_267 = arith.constant 2 : i32
    %dma_wait3A_268 = arith.constant 196 : i32
    %dma_wait3A_269 = arith.constant 0 : i32
    %dma_wait3A_270 = tpu.memref_slice %arg6[%dma_wait3A_268, %dma_wait3A_269] : memref<784x128xf32, #tpu.memory_space<vmem>> -> memref<98x128xf32, #tpu.memory_space<vmem>>
    %dma_wait3A_271 = arith.constant 0 : i32
    %dma_wait3A_272 = tpu.memref_slice %arg5[%dma_wait3A_267, %dma_wait3A_271] : memref<8x98xi32, #tpu.memory_space<vmem>> -> memref<1x98xi32, #tpu.memory_space<vmem>>
    %dma_wait3A_273 = tpu.memref_squeeze %dma_wait3A_272 : memref<1x98xi32, #tpu.memory_space<vmem>> -> memref<98xi32, #tpu.memory_space<vmem>>
    %dma_wait3A_274 = arith.constant 0 : i32
    %dma_wait3A_275 = arith.constant 0 : i32
    %dma_wait3A_276 = tpu.memref_slice %arg2[%dma_wait3A_274, %dma_wait3A_275] : memref<200000x128xf32, #tpu.memory_space<hbm>> -> memref<200000x128xf32, #tpu.memory_space<hbm>>
    tpu.wait_indirect_dma semaphore(%arg7 : memref<!tpu.dma_semaphore, #tpu.memory_space<semaphore_mem>>) src(%dma_wait3A_276 : memref<200000x128xf32, #tpu.memory_space<hbm>>) dst(%dma_wait3A_270 : memref<98x128xf32, #tpu.memory_space<vmem>>)
    %dma_wait3A_277 = arith.constant 3 : i32
    %dma_wait3A_278 = arith.constant 294 : i32
    %dma_wait3A_279 = arith.constant 0 : i32
    %dma_wait3A_280 = tpu.memref_slice %arg6[%dma_wait3A_278, %dma_wait3A_279] : memref<784x128xf32, #tpu.memory_space<vmem>> -> memref<98x128xf32, #tpu.memory_space<vmem>>
    %dma_wait3A_281 = arith.constant 0 : i32
    %dma_wait3A_282 = tpu.memref_slice %arg5[%dma_wait3A_277, %dma_wait3A_281] : memref<8x98xi32, #tpu.memory_space<vmem>> -> memref<1x98xi32, #tpu.memory_space<vmem>>
    %dma_wait3A_283 = tpu.memref_squeeze %dma_wait3A_282 : memref<1x98xi32, #tpu.memory_space<vmem>> -> memref<98xi32, #tpu.memory_space<vmem>>
    %dma_wait3A_284 = arith.constant 0 : i32
    %dma_wait3A_285 = arith.constant 0 : i32
    %dma_wait3A_286 = tpu.memref_slice %arg2[%dma_wait3A_284, %dma_wait3A_285] : memref<200000x128xf32, #tpu.memory_space<hbm>> -> memref<200000x128xf32, #tpu.memory_space<hbm>>
    tpu.wait_indirect_dma semaphore(%arg7 : memref<!tpu.dma_semaphore, #tpu.memory_space<semaphore_mem>>) src(%dma_wait3A_286 : memref<200000x128xf32, #tpu.memory_space<hbm>>) dst(%dma_wait3A_280 : memref<98x128xf32, #tpu.memory_space<vmem>>)
    %dma_wait3A_287 = arith.constant 4 : i32
    %dma_wait3A_288 = arith.constant 392 : i32
    %dma_wait3A_289 = arith.constant 0 : i32
    %dma_wait3A_290 = tpu.memref_slice %arg6[%dma_wait3A_288, %dma_wait3A_289] : memref<784x128xf32, #tpu.memory_space<vmem>> -> memref<98x128xf32, #tpu.memory_space<vmem>>
    %dma_wait3A_291 = arith.constant 0 : i32
    %dma_wait3A_292 = tpu.memref_slice %arg5[%dma_wait3A_287, %dma_wait3A_291] : memref<8x98xi32, #tpu.memory_space<vmem>> -> memref<1x98xi32, #tpu.memory_space<vmem>>
    %dma_wait3A_293 = tpu.memref_squeeze %dma_wait3A_292 : memref<1x98xi32, #tpu.memory_space<vmem>> -> memref<98xi32, #tpu.memory_space<vmem>>
    %dma_wait3A_294 = arith.constant 0 : i32
    %dma_wait3A_295 = arith.constant 0 : i32
    %dma_wait3A_296 = tpu.memref_slice %arg2[%dma_wait3A_294, %dma_wait3A_295] : memref<200000x128xf32, #tpu.memory_space<hbm>> -> memref<200000x128xf32, #tpu.memory_space<hbm>>
    tpu.wait_indirect_dma semaphore(%arg7 : memref<!tpu.dma_semaphore, #tpu.memory_space<semaphore_mem>>) src(%dma_wait3A_296 : memref<200000x128xf32, #tpu.memory_space<hbm>>) dst(%dma_wait3A_290 : memref<98x128xf32, #tpu.memory_space<vmem>>)
    %dma_wait3A_297 = arith.constant 5 : i32
    %dma_wait3A_298 = arith.constant 490 : i32
    %dma_wait3A_299 = arith.constant 0 : i32
    %dma_wait3A_300 = tpu.memref_slice %arg6[%dma_wait3A_298, %dma_wait3A_299] : memref<784x128xf32, #tpu.memory_space<vmem>> -> memref<98x128xf32, #tpu.memory_space<vmem>>
    %dma_wait3A_301 = arith.constant 0 : i32
    %dma_wait3A_302 = tpu.memref_slice %arg5[%dma_wait3A_297, %dma_wait3A_301] : memref<8x98xi32, #tpu.memory_space<vmem>> -> memref<1x98xi32, #tpu.memory_space<vmem>>
    %dma_wait3A_303 = tpu.memref_squeeze %dma_wait3A_302 : memref<1x98xi32, #tpu.memory_space<vmem>> -> memref<98xi32, #tpu.memory_space<vmem>>
    %dma_wait3A_304 = arith.constant 0 : i32
    %dma_wait3A_305 = arith.constant 0 : i32
    %dma_wait3A_306 = tpu.memref_slice %arg2[%dma_wait3A_304, %dma_wait3A_305] : memref<200000x128xf32, #tpu.memory_space<hbm>> -> memref<200000x128xf32, #tpu.memory_space<hbm>>
    tpu.wait_indirect_dma semaphore(%arg7 : memref<!tpu.dma_semaphore, #tpu.memory_space<semaphore_mem>>) src(%dma_wait3A_306 : memref<200000x128xf32, #tpu.memory_space<hbm>>) dst(%dma_wait3A_300 : memref<98x128xf32, #tpu.memory_space<vmem>>)
    %dma_wait3A_307 = arith.constant 6 : i32
    %dma_wait3A_308 = arith.constant 588 : i32
    %dma_wait3A_309 = arith.constant 0 : i32
    %dma_wait3A_310 = tpu.memref_slice %arg6[%dma_wait3A_308, %dma_wait3A_309] : memref<784x128xf32, #tpu.memory_space<vmem>> -> memref<98x128xf32, #tpu.memory_space<vmem>>
    %dma_wait3A_311 = arith.constant 0 : i32
    %dma_wait3A_312 = tpu.memref_slice %arg5[%dma_wait3A_307, %dma_wait3A_311] : memref<8x98xi32, #tpu.memory_space<vmem>> -> memref<1x98xi32, #tpu.memory_space<vmem>>
    %dma_wait3A_313 = tpu.memref_squeeze %dma_wait3A_312 : memref<1x98xi32, #tpu.memory_space<vmem>> -> memref<98xi32, #tpu.memory_space<vmem>>
    %dma_wait3A_314 = arith.constant 0 : i32
    %dma_wait3A_315 = arith.constant 0 : i32
    %dma_wait3A_316 = tpu.memref_slice %arg2[%dma_wait3A_314, %dma_wait3A_315] : memref<200000x128xf32, #tpu.memory_space<hbm>> -> memref<200000x128xf32, #tpu.memory_space<hbm>>
    tpu.wait_indirect_dma semaphore(%arg7 : memref<!tpu.dma_semaphore, #tpu.memory_space<semaphore_mem>>) src(%dma_wait3A_316 : memref<200000x128xf32, #tpu.memory_space<hbm>>) dst(%dma_wait3A_310 : memref<98x128xf32, #tpu.memory_space<vmem>>)
    %dma_wait3A_317 = arith.constant 7 : i32
    %dma_wait3A_318 = arith.constant 686 : i32
    %dma_wait3A_319 = arith.constant 0 : i32
    %dma_wait3A_320 = tpu.memref_slice %arg6[%dma_wait3A_318, %dma_wait3A_319] : memref<784x128xf32, #tpu.memory_space<vmem>> -> memref<98x128xf32, #tpu.memory_space<vmem>>
    %dma_wait3A_321 = arith.constant 0 : i32
    %dma_wait3A_322 = tpu.memref_slice %arg5[%dma_wait3A_317, %dma_wait3A_321] : memref<8x98xi32, #tpu.memory_space<vmem>> -> memref<1x98xi32, #tpu.memory_space<vmem>>
    %dma_wait3A_323 = tpu.memref_squeeze %dma_wait3A_322 : memref<1x98xi32, #tpu.memory_space<vmem>> -> memref<98xi32, #tpu.memory_space<vmem>>
    %dma_wait3A_324 = arith.constant 0 : i32
    %dma_wait3A_325 = arith.constant 0 : i32
    %dma_wait3A_326 = tpu.memref_slice %arg2[%dma_wait3A_324, %dma_wait3A_325] : memref<200000x128xf32, #tpu.memory_space<hbm>> -> memref<200000x128xf32, #tpu.memory_space<hbm>>
    tpu.wait_indirect_dma semaphore(%arg7 : memref<!tpu.dma_semaphore, #tpu.memory_space<semaphore_mem>>) src(%dma_wait3A_326 : memref<200000x128xf32, #tpu.memory_space<hbm>>) dst(%dma_wait3A_320 : memref<98x128xf32, #tpu.memory_space<vmem>>)
    %mul3A_327 = arith.constant 784 : i32
    %mul3A_328 = arith.muli %add3A, %mul3A_327 : i32
    %run_scoped3A_329 = arith.constant 1 : i32
    "tpu.region"() ({
      %run_scoped3A_662 = tpu.sem_alloc : memref<!tpu.dma_semaphore, #tpu.memory_space<semaphore_mem>>
      %dma_start3A_663 = arith.constant 0 : i32
      %dma_start3A_664 = tpu.memref_slice %arg4[%run_scoped3A_329, %mul3A_328, %dma_start3A_663] : memref<4x25088x128xf32, #tpu.memory_space<hbm>> -> memref<1x784x128xf32, #tpu.memory_space<hbm>>
      %dma_start3A_665 = tpu.memref_squeeze %dma_start3A_664 : memref<1x784x128xf32, #tpu.memory_space<hbm>> -> memref<784x128xf32, #tpu.memory_space<hbm>>
      %dma_start3A_666 = arith.constant 0 : i32
      %dma_start3A_667 = tpu.memref_slice %arg4[%run_scoped3A_329, %mul3A_328, %dma_start3A_666] : memref<4x25088x128xf32, #tpu.memory_space<hbm>> -> memref<1x784x128xf32, #tpu.memory_space<hbm>>
      %dma_start3A_668 = tpu.memref_squeeze %dma_start3A_667 : memref<1x784x128xf32, #tpu.memory_space<hbm>> -> memref<784x128xf32, #tpu.memory_space<hbm>>
      tpu.enqueue_dma source(%arg6 : memref<784x128xf32, #tpu.memory_space<vmem>>) target(%dma_start3A_668 : memref<784x128xf32, #tpu.memory_space<hbm>>) target_semaphore(%run_scoped3A_662 : memref<!tpu.dma_semaphore, #tpu.memory_space<semaphore_mem>>)
      %dma_wait3A_669 = arith.constant 0 : i32
      %dma_wait3A_670 = tpu.memref_slice %arg4[%run_scoped3A_329, %mul3A_328, %dma_wait3A_669] : memref<4x25088x128xf32, #tpu.memory_space<hbm>> -> memref<1x784x128xf32, #tpu.memory_space<hbm>>
      %dma_wait3A_671 = tpu.memref_squeeze %dma_wait3A_670 : memref<1x784x128xf32, #tpu.memory_space<hbm>> -> memref<784x128xf32, #tpu.memory_space<hbm>>
      %dma_wait3A_672 = arith.constant 0 : i32
      %dma_wait3A_673 = tpu.memref_slice %arg4[%run_scoped3A_329, %mul3A_328, %dma_wait3A_672] : memref<4x25088x128xf32, #tpu.memory_space<hbm>> -> memref<1x784x128xf32, #tpu.memory_space<hbm>>
      %dma_wait3A_674 = tpu.memref_squeeze %dma_wait3A_673 : memref<1x784x128xf32, #tpu.memory_space<hbm>> -> memref<784x128xf32, #tpu.memory_space<hbm>>
      tpu.wait_dma2 semaphore(%run_scoped3A_662 : memref<!tpu.dma_semaphore, #tpu.memory_space<semaphore_mem>>) src(%arg6 : memref<784x128xf32, #tpu.memory_space<vmem>>) dst(%dma_wait3A_674 : memref<784x128xf32, #tpu.memory_space<hbm>>)
      tpu.yield
    }) : () -> ()
    %mul3A_330 = arith.constant 8 : i32
    %mul3A_331 = arith.muli %add3A, %mul3A_330 : i32
    %run_scoped3A_332 = arith.constant 2 : i32
    "tpu.region"() ({
      %run_scoped3A_662 = tpu.sem_alloc : memref<!tpu.dma_semaphore, #tpu.memory_space<semaphore_mem>>
      %dma_start3A_663 = arith.constant 0 : i32
      %dma_start3A_664 = tpu.memref_slice %arg3[%run_scoped3A_332, %mul3A_331, %dma_start3A_663] : memref<4x256x98xi32, #tpu.memory_space<hbm>> -> memref<1x8x98xi32, #tpu.memory_space<hbm>>
      %dma_start3A_665 = tpu.memref_squeeze %dma_start3A_664 : memref<1x8x98xi32, #tpu.memory_space<hbm>> -> memref<8x98xi32, #tpu.memory_space<hbm>>
      %dma_start3A_666 = arith.constant 0 : i32
      %dma_start3A_667 = tpu.memref_slice %arg3[%run_scoped3A_332, %mul3A_331, %dma_start3A_666] : memref<4x256x98xi32, #tpu.memory_space<hbm>> -> memref<1x8x98xi32, #tpu.memory_space<hbm>>
      %dma_start3A_668 = tpu.memref_squeeze %dma_start3A_667 : memref<1x8x98xi32, #tpu.memory_space<hbm>> -> memref<8x98xi32, #tpu.memory_space<hbm>>
      tpu.enqueue_dma source(%dma_start3A_668 : memref<8x98xi32, #tpu.memory_space<hbm>>) target(%arg5 : memref<8x98xi32, #tpu.memory_space<vmem>>) target_semaphore(%run_scoped3A_662 : memref<!tpu.dma_semaphore, #tpu.memory_space<semaphore_mem>>)
      %dma_wait3A_669 = arith.constant 0 : i32
      %dma_wait3A_670 = tpu.memref_slice %arg3[%run_scoped3A_332, %mul3A_331, %dma_wait3A_669] : memref<4x256x98xi32, #tpu.memory_space<hbm>> -> memref<1x8x98xi32, #tpu.memory_space<hbm>>
      %dma_wait3A_671 = tpu.memref_squeeze %dma_wait3A_670 : memref<1x8x98xi32, #tpu.memory_space<hbm>> -> memref<8x98xi32, #tpu.memory_space<hbm>>
      %dma_wait3A_672 = arith.constant 0 : i32
      %dma_wait3A_673 = tpu.memref_slice %arg3[%run_scoped3A_332, %mul3A_331, %dma_wait3A_672] : memref<4x256x98xi32, #tpu.memory_space<hbm>> -> memref<1x8x98xi32, #tpu.memory_space<hbm>>
      %dma_wait3A_674 = tpu.memref_squeeze %dma_wait3A_673 : memref<1x8x98xi32, #tpu.memory_space<hbm>> -> memref<8x98xi32, #tpu.memory_space<hbm>>
      tpu.wait_dma2 semaphore(%run_scoped3A_662 : memref<!tpu.dma_semaphore, #tpu.memory_space<semaphore_mem>>) src(%dma_wait3A_674 : memref<8x98xi32, #tpu.memory_space<hbm>>) dst(%arg5 : memref<8x98xi32, #tpu.memory_space<vmem>>)
      tpu.yield
    }) : () -> ()
    %dma_start3A_333 = arith.constant 0 : i32
    %dma_start3A_334 = arith.constant 0 : i32
    %dma_start3A_335 = arith.constant 0 : i32
    %dma_start3A_336 = tpu.memref_slice %arg6[%dma_start3A_334, %dma_start3A_335] : memref<784x128xf32, #tpu.memory_space<vmem>> -> memref<98x128xf32, #tpu.memory_space<vmem>>
    %dma_start3A_337 = arith.constant 0 : i32
    %dma_start3A_338 = tpu.memref_slice %arg5[%dma_start3A_333, %dma_start3A_337] : memref<8x98xi32, #tpu.memory_space<vmem>> -> memref<1x98xi32, #tpu.memory_space<vmem>>
    %dma_start3A_339 = tpu.memref_squeeze %dma_start3A_338 : memref<1x98xi32, #tpu.memory_space<vmem>> -> memref<98xi32, #tpu.memory_space<vmem>>
    %dma_start3A_340 = arith.constant 0 : i32
    %dma_start3A_341 = arith.constant 0 : i32
    %dma_start3A_342 = tpu.memref_slice %arg2[%dma_start3A_340, %dma_start3A_341] : memref<200000x128xf32, #tpu.memory_space<hbm>> -> memref<200000x128xf32, #tpu.memory_space<hbm>>
    tpu.enqueue_indirect_dma source(%dma_start3A_342 : memref<200000x128xf32, #tpu.memory_space<hbm>>) target(%dma_start3A_336 : memref<98x128xf32, #tpu.memory_space<vmem>>) offsets(%dma_start3A_339 : memref<98xi32, #tpu.memory_space<vmem>>) semaphore(%arg7 : memref<!tpu.dma_semaphore, #tpu.memory_space<semaphore_mem>>)
    %dma_start3A_343 = arith.constant 1 : i32
    %dma_start3A_344 = arith.constant 98 : i32
    %dma_start3A_345 = arith.constant 0 : i32
    %dma_start3A_346 = tpu.memref_slice %arg6[%dma_start3A_344, %dma_start3A_345] : memref<784x128xf32, #tpu.memory_space<vmem>> -> memref<98x128xf32, #tpu.memory_space<vmem>>
    %dma_start3A_347 = arith.constant 0 : i32
    %dma_start3A_348 = tpu.memref_slice %arg5[%dma_start3A_343, %dma_start3A_347] : memref<8x98xi32, #tpu.memory_space<vmem>> -> memref<1x98xi32, #tpu.memory_space<vmem>>
    %dma_start3A_349 = tpu.memref_squeeze %dma_start3A_348 : memref<1x98xi32, #tpu.memory_space<vmem>> -> memref<98xi32, #tpu.memory_space<vmem>>
    %dma_start3A_350 = arith.constant 0 : i32
    %dma_start3A_351 = arith.constant 0 : i32
    %dma_start3A_352 = tpu.memref_slice %arg2[%dma_start3A_350, %dma_start3A_351] : memref<200000x128xf32, #tpu.memory_space<hbm>> -> memref<200000x128xf32, #tpu.memory_space<hbm>>
    tpu.enqueue_indirect_dma source(%dma_start3A_352 : memref<200000x128xf32, #tpu.memory_space<hbm>>) target(%dma_start3A_346 : memref<98x128xf32, #tpu.memory_space<vmem>>) offsets(%dma_start3A_349 : memref<98xi32, #tpu.memory_space<vmem>>) semaphore(%arg7 : memref<!tpu.dma_semaphore, #tpu.memory_space<semaphore_mem>>)
    %dma_start3A_353 = arith.constant 2 : i32
    %dma_start3A_354 = arith.constant 196 : i32
    %dma_start3A_355 = arith.constant 0 : i32
    %dma_start3A_356 = tpu.memref_slice %arg6[%dma_start3A_354, %dma_start3A_355] : memref<784x128xf32, #tpu.memory_space<vmem>> -> memref<98x128xf32, #tpu.memory_space<vmem>>
    %dma_start3A_357 = arith.constant 0 : i32
    %dma_start3A_358 = tpu.memref_slice %arg5[%dma_start3A_353, %dma_start3A_357] : memref<8x98xi32, #tpu.memory_space<vmem>> -> memref<1x98xi32, #tpu.memory_space<vmem>>
    %dma_start3A_359 = tpu.memref_squeeze %dma_start3A_358 : memref<1x98xi32, #tpu.memory_space<vmem>> -> memref<98xi32, #tpu.memory_space<vmem>>
    %dma_start3A_360 = arith.constant 0 : i32
    %dma_start3A_361 = arith.constant 0 : i32
    %dma_start3A_362 = tpu.memref_slice %arg2[%dma_start3A_360, %dma_start3A_361] : memref<200000x128xf32, #tpu.memory_space<hbm>> -> memref<200000x128xf32, #tpu.memory_space<hbm>>
    tpu.enqueue_indirect_dma source(%dma_start3A_362 : memref<200000x128xf32, #tpu.memory_space<hbm>>) target(%dma_start3A_356 : memref<98x128xf32, #tpu.memory_space<vmem>>) offsets(%dma_start3A_359 : memref<98xi32, #tpu.memory_space<vmem>>) semaphore(%arg7 : memref<!tpu.dma_semaphore, #tpu.memory_space<semaphore_mem>>)
    %dma_start3A_363 = arith.constant 3 : i32
    %dma_start3A_364 = arith.constant 294 : i32
    %dma_start3A_365 = arith.constant 0 : i32
    %dma_start3A_366 = tpu.memref_slice %arg6[%dma_start3A_364, %dma_start3A_365] : memref<784x128xf32, #tpu.memory_space<vmem>> -> memref<98x128xf32, #tpu.memory_space<vmem>>
    %dma_start3A_367 = arith.constant 0 : i32
    %dma_start3A_368 = tpu.memref_slice %arg5[%dma_start3A_363, %dma_start3A_367] : memref<8x98xi32, #tpu.memory_space<vmem>> -> memref<1x98xi32, #tpu.memory_space<vmem>>
    %dma_start3A_369 = tpu.memref_squeeze %dma_start3A_368 : memref<1x98xi32, #tpu.memory_space<vmem>> -> memref<98xi32, #tpu.memory_space<vmem>>
    %dma_start3A_370 = arith.constant 0 : i32
    %dma_start3A_371 = arith.constant 0 : i32
    %dma_start3A_372 = tpu.memref_slice %arg2[%dma_start3A_370, %dma_start3A_371] : memref<200000x128xf32, #tpu.memory_space<hbm>> -> memref<200000x128xf32, #tpu.memory_space<hbm>>
    tpu.enqueue_indirect_dma source(%dma_start3A_372 : memref<200000x128xf32, #tpu.memory_space<hbm>>) target(%dma_start3A_366 : memref<98x128xf32, #tpu.memory_space<vmem>>) offsets(%dma_start3A_369 : memref<98xi32, #tpu.memory_space<vmem>>) semaphore(%arg7 : memref<!tpu.dma_semaphore, #tpu.memory_space<semaphore_mem>>)
    %dma_start3A_373 = arith.constant 4 : i32
    %dma_start3A_374 = arith.constant 392 : i32
    %dma_start3A_375 = arith.constant 0 : i32
    %dma_start3A_376 = tpu.memref_slice %arg6[%dma_start3A_374, %dma_start3A_375] : memref<784x128xf32, #tpu.memory_space<vmem>> -> memref<98x128xf32, #tpu.memory_space<vmem>>
    %dma_start3A_377 = arith.constant 0 : i32
    %dma_start3A_378 = tpu.memref_slice %arg5[%dma_start3A_373, %dma_start3A_377] : memref<8x98xi32, #tpu.memory_space<vmem>> -> memref<1x98xi32, #tpu.memory_space<vmem>>
    %dma_start3A_379 = tpu.memref_squeeze %dma_start3A_378 : memref<1x98xi32, #tpu.memory_space<vmem>> -> memref<98xi32, #tpu.memory_space<vmem>>
    %dma_start3A_380 = arith.constant 0 : i32
    %dma_start3A_381 = arith.constant 0 : i32
    %dma_start3A_382 = tpu.memref_slice %arg2[%dma_start3A_380, %dma_start3A_381] : memref<200000x128xf32, #tpu.memory_space<hbm>> -> memref<200000x128xf32, #tpu.memory_space<hbm>>
    tpu.enqueue_indirect_dma source(%dma_start3A_382 : memref<200000x128xf32, #tpu.memory_space<hbm>>) target(%dma_start3A_376 : memref<98x128xf32, #tpu.memory_space<vmem>>) offsets(%dma_start3A_379 : memref<98xi32, #tpu.memory_space<vmem>>) semaphore(%arg7 : memref<!tpu.dma_semaphore, #tpu.memory_space<semaphore_mem>>)
    %dma_start3A_383 = arith.constant 5 : i32
    %dma_start3A_384 = arith.constant 490 : i32
    %dma_start3A_385 = arith.constant 0 : i32
    %dma_start3A_386 = tpu.memref_slice %arg6[%dma_start3A_384, %dma_start3A_385] : memref<784x128xf32, #tpu.memory_space<vmem>> -> memref<98x128xf32, #tpu.memory_space<vmem>>
    %dma_start3A_387 = arith.constant 0 : i32
    %dma_start3A_388 = tpu.memref_slice %arg5[%dma_start3A_383, %dma_start3A_387] : memref<8x98xi32, #tpu.memory_space<vmem>> -> memref<1x98xi32, #tpu.memory_space<vmem>>
    %dma_start3A_389 = tpu.memref_squeeze %dma_start3A_388 : memref<1x98xi32, #tpu.memory_space<vmem>> -> memref<98xi32, #tpu.memory_space<vmem>>
    %dma_start3A_390 = arith.constant 0 : i32
    %dma_start3A_391 = arith.constant 0 : i32
    %dma_start3A_392 = tpu.memref_slice %arg2[%dma_start3A_390, %dma_start3A_391] : memref<200000x128xf32, #tpu.memory_space<hbm>> -> memref<200000x128xf32, #tpu.memory_space<hbm>>
    tpu.enqueue_indirect_dma source(%dma_start3A_392 : memref<200000x128xf32, #tpu.memory_space<hbm>>) target(%dma_start3A_386 : memref<98x128xf32, #tpu.memory_space<vmem>>) offsets(%dma_start3A_389 : memref<98xi32, #tpu.memory_space<vmem>>) semaphore(%arg7 : memref<!tpu.dma_semaphore, #tpu.memory_space<semaphore_mem>>)
    %dma_start3A_393 = arith.constant 6 : i32
    %dma_start3A_394 = arith.constant 588 : i32
    %dma_start3A_395 = arith.constant 0 : i32
    %dma_start3A_396 = tpu.memref_slice %arg6[%dma_start3A_394, %dma_start3A_395] : memref<784x128xf32, #tpu.memory_space<vmem>> -> memref<98x128xf32, #tpu.memory_space<vmem>>
    %dma_start3A_397 = arith.constant 0 : i32
    %dma_start3A_398 = tpu.memref_slice %arg5[%dma_start3A_393, %dma_start3A_397] : memref<8x98xi32, #tpu.memory_space<vmem>> -> memref<1x98xi32, #tpu.memory_space<vmem>>
    %dma_start3A_399 = tpu.memref_squeeze %dma_start3A_398 : memref<1x98xi32, #tpu.memory_space<vmem>> -> memref<98xi32, #tpu.memory_space<vmem>>
    %dma_start3A_400 = arith.constant 0 : i32
    %dma_start3A_401 = arith.constant 0 : i32
    %dma_start3A_402 = tpu.memref_slice %arg2[%dma_start3A_400, %dma_start3A_401] : memref<200000x128xf32, #tpu.memory_space<hbm>> -> memref<200000x128xf32, #tpu.memory_space<hbm>>
    tpu.enqueue_indirect_dma source(%dma_start3A_402 : memref<200000x128xf32, #tpu.memory_space<hbm>>) target(%dma_start3A_396 : memref<98x128xf32, #tpu.memory_space<vmem>>) offsets(%dma_start3A_399 : memref<98xi32, #tpu.memory_space<vmem>>) semaphore(%arg7 : memref<!tpu.dma_semaphore, #tpu.memory_space<semaphore_mem>>)
    %dma_start3A_403 = arith.constant 7 : i32
    %dma_start3A_404 = arith.constant 686 : i32
    %dma_start3A_405 = arith.constant 0 : i32
    %dma_start3A_406 = tpu.memref_slice %arg6[%dma_start3A_404, %dma_start3A_405] : memref<784x128xf32, #tpu.memory_space<vmem>> -> memref<98x128xf32, #tpu.memory_space<vmem>>
    %dma_start3A_407 = arith.constant 0 : i32
    %dma_start3A_408 = tpu.memref_slice %arg5[%dma_start3A_403, %dma_start3A_407] : memref<8x98xi32, #tpu.memory_space<vmem>> -> memref<1x98xi32, #tpu.memory_space<vmem>>
    %dma_start3A_409 = tpu.memref_squeeze %dma_start3A_408 : memref<1x98xi32, #tpu.memory_space<vmem>> -> memref<98xi32, #tpu.memory_space<vmem>>
    %dma_start3A_410 = arith.constant 0 : i32
    %dma_start3A_411 = arith.constant 0 : i32
    %dma_start3A_412 = tpu.memref_slice %arg2[%dma_start3A_410, %dma_start3A_411] : memref<200000x128xf32, #tpu.memory_space<hbm>> -> memref<200000x128xf32, #tpu.memory_space<hbm>>
    tpu.enqueue_indirect_dma source(%dma_start3A_412 : memref<200000x128xf32, #tpu.memory_space<hbm>>) target(%dma_start3A_406 : memref<98x128xf32, #tpu.memory_space<vmem>>) offsets(%dma_start3A_409 : memref<98xi32, #tpu.memory_space<vmem>>) semaphore(%arg7 : memref<!tpu.dma_semaphore, #tpu.memory_space<semaphore_mem>>)
    %dma_wait3A_413 = arith.constant 0 : i32
    %dma_wait3A_414 = arith.constant 0 : i32
    %dma_wait3A_415 = arith.constant 0 : i32
    %dma_wait3A_416 = tpu.memref_slice %arg6[%dma_wait3A_414, %dma_wait3A_415] : memref<784x128xf32, #tpu.memory_space<vmem>> -> memref<98x128xf32, #tpu.memory_space<vmem>>
    %dma_wait3A_417 = arith.constant 0 : i32
    %dma_wait3A_418 = tpu.memref_slice %arg5[%dma_wait3A_413, %dma_wait3A_417] : memref<8x98xi32, #tpu.memory_space<vmem>> -> memref<1x98xi32, #tpu.memory_space<vmem>>
    %dma_wait3A_419 = tpu.memref_squeeze %dma_wait3A_418 : memref<1x98xi32, #tpu.memory_space<vmem>> -> memref<98xi32, #tpu.memory_space<vmem>>
    %dma_wait3A_420 = arith.constant 0 : i32
    %dma_wait3A_421 = arith.constant 0 : i32
    %dma_wait3A_422 = tpu.memref_slice %arg2[%dma_wait3A_420, %dma_wait3A_421] : memref<200000x128xf32, #tpu.memory_space<hbm>> -> memref<200000x128xf32, #tpu.memory_space<hbm>>
    tpu.wait_indirect_dma semaphore(%arg7 : memref<!tpu.dma_semaphore, #tpu.memory_space<semaphore_mem>>) src(%dma_wait3A_422 : memref<200000x128xf32, #tpu.memory_space<hbm>>) dst(%dma_wait3A_416 : memref<98x128xf32, #tpu.memory_space<vmem>>)
    %dma_wait3A_423 = arith.constant 1 : i32
    %dma_wait3A_424 = arith.constant 98 : i32
    %dma_wait3A_425 = arith.constant 0 : i32
    %dma_wait3A_426 = tpu.memref_slice %arg6[%dma_wait3A_424, %dma_wait3A_425] : memref<784x128xf32, #tpu.memory_space<vmem>> -> memref<98x128xf32, #tpu.memory_space<vmem>>
    %dma_wait3A_427 = arith.constant 0 : i32
    %dma_wait3A_428 = tpu.memref_slice %arg5[%dma_wait3A_423, %dma_wait3A_427] : memref<8x98xi32, #tpu.memory_space<vmem>> -> memref<1x98xi32, #tpu.memory_space<vmem>>
    %dma_wait3A_429 = tpu.memref_squeeze %dma_wait3A_428 : memref<1x98xi32, #tpu.memory_space<vmem>> -> memref<98xi32, #tpu.memory_space<vmem>>
    %dma_wait3A_430 = arith.constant 0 : i32
    %dma_wait3A_431 = arith.constant 0 : i32
    %dma_wait3A_432 = tpu.memref_slice %arg2[%dma_wait3A_430, %dma_wait3A_431] : memref<200000x128xf32, #tpu.memory_space<hbm>> -> memref<200000x128xf32, #tpu.memory_space<hbm>>
    tpu.wait_indirect_dma semaphore(%arg7 : memref<!tpu.dma_semaphore, #tpu.memory_space<semaphore_mem>>) src(%dma_wait3A_432 : memref<200000x128xf32, #tpu.memory_space<hbm>>) dst(%dma_wait3A_426 : memref<98x128xf32, #tpu.memory_space<vmem>>)
    %dma_wait3A_433 = arith.constant 2 : i32
    %dma_wait3A_434 = arith.constant 196 : i32
    %dma_wait3A_435 = arith.constant 0 : i32
    %dma_wait3A_436 = tpu.memref_slice %arg6[%dma_wait3A_434, %dma_wait3A_435] : memref<784x128xf32, #tpu.memory_space<vmem>> -> memref<98x128xf32, #tpu.memory_space<vmem>>
    %dma_wait3A_437 = arith.constant 0 : i32
    %dma_wait3A_438 = tpu.memref_slice %arg5[%dma_wait3A_433, %dma_wait3A_437] : memref<8x98xi32, #tpu.memory_space<vmem>> -> memref<1x98xi32, #tpu.memory_space<vmem>>
    %dma_wait3A_439 = tpu.memref_squeeze %dma_wait3A_438 : memref<1x98xi32, #tpu.memory_space<vmem>> -> memref<98xi32, #tpu.memory_space<vmem>>
    %dma_wait3A_440 = arith.constant 0 : i32
    %dma_wait3A_441 = arith.constant 0 : i32
    %dma_wait3A_442 = tpu.memref_slice %arg2[%dma_wait3A_440, %dma_wait3A_441] : memref<200000x128xf32, #tpu.memory_space<hbm>> -> memref<200000x128xf32, #tpu.memory_space<hbm>>
    tpu.wait_indirect_dma semaphore(%arg7 : memref<!tpu.dma_semaphore, #tpu.memory_space<semaphore_mem>>) src(%dma_wait3A_442 : memref<200000x128xf32, #tpu.memory_space<hbm>>) dst(%dma_wait3A_436 : memref<98x128xf32, #tpu.memory_space<vmem>>)
    %dma_wait3A_443 = arith.constant 3 : i32
    %dma_wait3A_444 = arith.constant 294 : i32
    %dma_wait3A_445 = arith.constant 0 : i32
    %dma_wait3A_446 = tpu.memref_slice %arg6[%dma_wait3A_444, %dma_wait3A_445] : memref<784x128xf32, #tpu.memory_space<vmem>> -> memref<98x128xf32, #tpu.memory_space<vmem>>
    %dma_wait3A_447 = arith.constant 0 : i32
    %dma_wait3A_448 = tpu.memref_slice %arg5[%dma_wait3A_443, %dma_wait3A_447] : memref<8x98xi32, #tpu.memory_space<vmem>> -> memref<1x98xi32, #tpu.memory_space<vmem>>
    %dma_wait3A_449 = tpu.memref_squeeze %dma_wait3A_448 : memref<1x98xi32, #tpu.memory_space<vmem>> -> memref<98xi32, #tpu.memory_space<vmem>>
    %dma_wait3A_450 = arith.constant 0 : i32
    %dma_wait3A_451 = arith.constant 0 : i32
    %dma_wait3A_452 = tpu.memref_slice %arg2[%dma_wait3A_450, %dma_wait3A_451] : memref<200000x128xf32, #tpu.memory_space<hbm>> -> memref<200000x128xf32, #tpu.memory_space<hbm>>
    tpu.wait_indirect_dma semaphore(%arg7 : memref<!tpu.dma_semaphore, #tpu.memory_space<semaphore_mem>>) src(%dma_wait3A_452 : memref<200000x128xf32, #tpu.memory_space<hbm>>) dst(%dma_wait3A_446 : memref<98x128xf32, #tpu.memory_space<vmem>>)
    %dma_wait3A_453 = arith.constant 4 : i32
    %dma_wait3A_454 = arith.constant 392 : i32
    %dma_wait3A_455 = arith.constant 0 : i32
    %dma_wait3A_456 = tpu.memref_slice %arg6[%dma_wait3A_454, %dma_wait3A_455] : memref<784x128xf32, #tpu.memory_space<vmem>> -> memref<98x128xf32, #tpu.memory_space<vmem>>
    %dma_wait3A_457 = arith.constant 0 : i32
    %dma_wait3A_458 = tpu.memref_slice %arg5[%dma_wait3A_453, %dma_wait3A_457] : memref<8x98xi32, #tpu.memory_space<vmem>> -> memref<1x98xi32, #tpu.memory_space<vmem>>
    %dma_wait3A_459 = tpu.memref_squeeze %dma_wait3A_458 : memref<1x98xi32, #tpu.memory_space<vmem>> -> memref<98xi32, #tpu.memory_space<vmem>>
    %dma_wait3A_460 = arith.constant 0 : i32
    %dma_wait3A_461 = arith.constant 0 : i32
    %dma_wait3A_462 = tpu.memref_slice %arg2[%dma_wait3A_460, %dma_wait3A_461] : memref<200000x128xf32, #tpu.memory_space<hbm>> -> memref<200000x128xf32, #tpu.memory_space<hbm>>
    tpu.wait_indirect_dma semaphore(%arg7 : memref<!tpu.dma_semaphore, #tpu.memory_space<semaphore_mem>>) src(%dma_wait3A_462 : memref<200000x128xf32, #tpu.memory_space<hbm>>) dst(%dma_wait3A_456 : memref<98x128xf32, #tpu.memory_space<vmem>>)
    %dma_wait3A_463 = arith.constant 5 : i32
    %dma_wait3A_464 = arith.constant 490 : i32
    %dma_wait3A_465 = arith.constant 0 : i32
    %dma_wait3A_466 = tpu.memref_slice %arg6[%dma_wait3A_464, %dma_wait3A_465] : memref<784x128xf32, #tpu.memory_space<vmem>> -> memref<98x128xf32, #tpu.memory_space<vmem>>
    %dma_wait3A_467 = arith.constant 0 : i32
    %dma_wait3A_468 = tpu.memref_slice %arg5[%dma_wait3A_463, %dma_wait3A_467] : memref<8x98xi32, #tpu.memory_space<vmem>> -> memref<1x98xi32, #tpu.memory_space<vmem>>
    %dma_wait3A_469 = tpu.memref_squeeze %dma_wait3A_468 : memref<1x98xi32, #tpu.memory_space<vmem>> -> memref<98xi32, #tpu.memory_space<vmem>>
    %dma_wait3A_470 = arith.constant 0 : i32
    %dma_wait3A_471 = arith.constant 0 : i32
    %dma_wait3A_472 = tpu.memref_slice %arg2[%dma_wait3A_470, %dma_wait3A_471] : memref<200000x128xf32, #tpu.memory_space<hbm>> -> memref<200000x128xf32, #tpu.memory_space<hbm>>
    tpu.wait_indirect_dma semaphore(%arg7 : memref<!tpu.dma_semaphore, #tpu.memory_space<semaphore_mem>>) src(%dma_wait3A_472 : memref<200000x128xf32, #tpu.memory_space<hbm>>) dst(%dma_wait3A_466 : memref<98x128xf32, #tpu.memory_space<vmem>>)
    %dma_wait3A_473 = arith.constant 6 : i32
    %dma_wait3A_474 = arith.constant 588 : i32
    %dma_wait3A_475 = arith.constant 0 : i32
    %dma_wait3A_476 = tpu.memref_slice %arg6[%dma_wait3A_474, %dma_wait3A_475] : memref<784x128xf32, #tpu.memory_space<vmem>> -> memref<98x128xf32, #tpu.memory_space<vmem>>
    %dma_wait3A_477 = arith.constant 0 : i32
    %dma_wait3A_478 = tpu.memref_slice %arg5[%dma_wait3A_473, %dma_wait3A_477] : memref<8x98xi32, #tpu.memory_space<vmem>> -> memref<1x98xi32, #tpu.memory_space<vmem>>
    %dma_wait3A_479 = tpu.memref_squeeze %dma_wait3A_478 : memref<1x98xi32, #tpu.memory_space<vmem>> -> memref<98xi32, #tpu.memory_space<vmem>>
    %dma_wait3A_480 = arith.constant 0 : i32
    %dma_wait3A_481 = arith.constant 0 : i32
    %dma_wait3A_482 = tpu.memref_slice %arg2[%dma_wait3A_480, %dma_wait3A_481] : memref<200000x128xf32, #tpu.memory_space<hbm>> -> memref<200000x128xf32, #tpu.memory_space<hbm>>
    tpu.wait_indirect_dma semaphore(%arg7 : memref<!tpu.dma_semaphore, #tpu.memory_space<semaphore_mem>>) src(%dma_wait3A_482 : memref<200000x128xf32, #tpu.memory_space<hbm>>) dst(%dma_wait3A_476 : memref<98x128xf32, #tpu.memory_space<vmem>>)
    %dma_wait3A_483 = arith.constant 7 : i32
    %dma_wait3A_484 = arith.constant 686 : i32
    %dma_wait3A_485 = arith.constant 0 : i32
    %dma_wait3A_486 = tpu.memref_slice %arg6[%dma_wait3A_484, %dma_wait3A_485] : memref<784x128xf32, #tpu.memory_space<vmem>> -> memref<98x128xf32, #tpu.memory_space<vmem>>
    %dma_wait3A_487 = arith.constant 0 : i32
    %dma_wait3A_488 = tpu.memref_slice %arg5[%dma_wait3A_483, %dma_wait3A_487] : memref<8x98xi32, #tpu.memory_space<vmem>> -> memref<1x98xi32, #tpu.memory_space<vmem>>
    %dma_wait3A_489 = tpu.memref_squeeze %dma_wait3A_488 : memref<1x98xi32, #tpu.memory_space<vmem>> -> memref<98xi32, #tpu.memory_space<vmem>>
    %dma_wait3A_490 = arith.constant 0 : i32
    %dma_wait3A_491 = arith.constant 0 : i32
    %dma_wait3A_492 = tpu.memref_slice %arg2[%dma_wait3A_490, %dma_wait3A_491] : memref<200000x128xf32, #tpu.memory_space<hbm>> -> memref<200000x128xf32, #tpu.memory_space<hbm>>
    tpu.wait_indirect_dma semaphore(%arg7 : memref<!tpu.dma_semaphore, #tpu.memory_space<semaphore_mem>>) src(%dma_wait3A_492 : memref<200000x128xf32, #tpu.memory_space<hbm>>) dst(%dma_wait3A_486 : memref<98x128xf32, #tpu.memory_space<vmem>>)
    %mul3A_493 = arith.constant 784 : i32
    %mul3A_494 = arith.muli %add3A, %mul3A_493 : i32
    %run_scoped3A_495 = arith.constant 2 : i32
    "tpu.region"() ({
      %run_scoped3A_662 = tpu.sem_alloc : memref<!tpu.dma_semaphore, #tpu.memory_space<semaphore_mem>>
      %dma_start3A_663 = arith.constant 0 : i32
      %dma_start3A_664 = tpu.memref_slice %arg4[%run_scoped3A_495, %mul3A_494, %dma_start3A_663] : memref<4x25088x128xf32, #tpu.memory_space<hbm>> -> memref<1x784x128xf32, #tpu.memory_space<hbm>>
      %dma_start3A_665 = tpu.memref_squeeze %dma_start3A_664 : memref<1x784x128xf32, #tpu.memory_space<hbm>> -> memref<784x128xf32, #tpu.memory_space<hbm>>
      %dma_start3A_666 = arith.constant 0 : i32
      %dma_start3A_667 = tpu.memref_slice %arg4[%run_scoped3A_495, %mul3A_494, %dma_start3A_666] : memref<4x25088x128xf32, #tpu.memory_space<hbm>> -> memref<1x784x128xf32, #tpu.memory_space<hbm>>
      %dma_start3A_668 = tpu.memref_squeeze %dma_start3A_667 : memref<1x784x128xf32, #tpu.memory_space<hbm>> -> memref<784x128xf32, #tpu.memory_space<hbm>>
      tpu.enqueue_dma source(%arg6 : memref<784x128xf32, #tpu.memory_space<vmem>>) target(%dma_start3A_668 : memref<784x128xf32, #tpu.memory_space<hbm>>) target_semaphore(%run_scoped3A_662 : memref<!tpu.dma_semaphore, #tpu.memory_space<semaphore_mem>>)
      %dma_wait3A_669 = arith.constant 0 : i32
      %dma_wait3A_670 = tpu.memref_slice %arg4[%run_scoped3A_495, %mul3A_494, %dma_wait3A_669] : memref<4x25088x128xf32, #tpu.memory_space<hbm>> -> memref<1x784x128xf32, #tpu.memory_space<hbm>>
      %dma_wait3A_671 = tpu.memref_squeeze %dma_wait3A_670 : memref<1x784x128xf32, #tpu.memory_space<hbm>> -> memref<784x128xf32, #tpu.memory_space<hbm>>
      %dma_wait3A_672 = arith.constant 0 : i32
      %dma_wait3A_673 = tpu.memref_slice %arg4[%run_scoped3A_495, %mul3A_494, %dma_wait3A_672] : memref<4x25088x128xf32, #tpu.memory_space<hbm>> -> memref<1x784x128xf32, #tpu.memory_space<hbm>>
      %dma_wait3A_674 = tpu.memref_squeeze %dma_wait3A_673 : memref<1x784x128xf32, #tpu.memory_space<hbm>> -> memref<784x128xf32, #tpu.memory_space<hbm>>
      tpu.wait_dma2 semaphore(%run_scoped3A_662 : memref<!tpu.dma_semaphore, #tpu.memory_space<semaphore_mem>>) src(%arg6 : memref<784x128xf32, #tpu.memory_space<vmem>>) dst(%dma_wait3A_674 : memref<784x128xf32, #tpu.memory_space<hbm>>)
      tpu.yield
    }) : () -> ()
    %mul3A_496 = arith.constant 8 : i32
    %mul3A_497 = arith.muli %add3A, %mul3A_496 : i32
    %run_scoped3A_498 = arith.constant 3 : i32
    "tpu.region"() ({
      %run_scoped3A_662 = tpu.sem_alloc : memref<!tpu.dma_semaphore, #tpu.memory_space<semaphore_mem>>
      %dma_start3A_663 = arith.constant 0 : i32
      %dma_start3A_664 = tpu.memref_slice %arg3[%run_scoped3A_498, %mul3A_497, %dma_start3A_663] : memref<4x256x98xi32, #tpu.memory_space<hbm>> -> memref<1x8x98xi32, #tpu.memory_space<hbm>>
      %dma_start3A_665 = tpu.memref_squeeze %dma_start3A_664 : memref<1x8x98xi32, #tpu.memory_space<hbm>> -> memref<8x98xi32, #tpu.memory_space<hbm>>
      %dma_start3A_666 = arith.constant 0 : i32
      %dma_start3A_667 = tpu.memref_slice %arg3[%run_scoped3A_498, %mul3A_497, %dma_start3A_666] : memref<4x256x98xi32, #tpu.memory_space<hbm>> -> memref<1x8x98xi32, #tpu.memory_space<hbm>>
      %dma_start3A_668 = tpu.memref_squeeze %dma_start3A_667 : memref<1x8x98xi32, #tpu.memory_space<hbm>> -> memref<8x98xi32, #tpu.memory_space<hbm>>
      tpu.enqueue_dma source(%dma_start3A_668 : memref<8x98xi32, #tpu.memory_space<hbm>>) target(%arg5 : memref<8x98xi32, #tpu.memory_space<vmem>>) target_semaphore(%run_scoped3A_662 : memref<!tpu.dma_semaphore, #tpu.memory_space<semaphore_mem>>)
      %dma_wait3A_669 = arith.constant 0 : i32
      %dma_wait3A_670 = tpu.memref_slice %arg3[%run_scoped3A_498, %mul3A_497, %dma_wait3A_669] : memref<4x256x98xi32, #tpu.memory_space<hbm>> -> memref<1x8x98xi32, #tpu.memory_space<hbm>>
      %dma_wait3A_671 = tpu.memref_squeeze %dma_wait3A_670 : memref<1x8x98xi32, #tpu.memory_space<hbm>> -> memref<8x98xi32, #tpu.memory_space<hbm>>
      %dma_wait3A_672 = arith.constant 0 : i32
      %dma_wait3A_673 = tpu.memref_slice %arg3[%run_scoped3A_498, %mul3A_497, %dma_wait3A_672] : memref<4x256x98xi32, #tpu.memory_space<hbm>> -> memref<1x8x98xi32, #tpu.memory_space<hbm>>
      %dma_wait3A_674 = tpu.memref_squeeze %dma_wait3A_673 : memref<1x8x98xi32, #tpu.memory_space<hbm>> -> memref<8x98xi32, #tpu.memory_space<hbm>>
      tpu.wait_dma2 semaphore(%run_scoped3A_662 : memref<!tpu.dma_semaphore, #tpu.memory_space<semaphore_mem>>) src(%dma_wait3A_674 : memref<8x98xi32, #tpu.memory_space<hbm>>) dst(%arg5 : memref<8x98xi32, #tpu.memory_space<vmem>>)
      tpu.yield
    }) : () -> ()
    %dma_start3A_499 = arith.constant 0 : i32
    %dma_start3A_500 = arith.constant 0 : i32
    %dma_start3A_501 = arith.constant 0 : i32
    %dma_start3A_502 = tpu.memref_slice %arg6[%dma_start3A_500, %dma_start3A_501] : memref<784x128xf32, #tpu.memory_space<vmem>> -> memref<98x128xf32, #tpu.memory_space<vmem>>
    %dma_start3A_503 = arith.constant 0 : i32
    %dma_start3A_504 = tpu.memref_slice %arg5[%dma_start3A_499, %dma_start3A_503] : memref<8x98xi32, #tpu.memory_space<vmem>> -> memref<1x98xi32, #tpu.memory_space<vmem>>
    %dma_start3A_505 = tpu.memref_squeeze %dma_start3A_504 : memref<1x98xi32, #tpu.memory_space<vmem>> -> memref<98xi32, #tpu.memory_space<vmem>>
    %dma_start3A_506 = arith.constant 0 : i32
    %dma_start3A_507 = arith.constant 0 : i32
    %dma_start3A_508 = tpu.memref_slice %arg2[%dma_start3A_506, %dma_start3A_507] : memref<200000x128xf32, #tpu.memory_space<hbm>> -> memref<200000x128xf32, #tpu.memory_space<hbm>>
    tpu.enqueue_indirect_dma source(%dma_start3A_508 : memref<200000x128xf32, #tpu.memory_space<hbm>>) target(%dma_start3A_502 : memref<98x128xf32, #tpu.memory_space<vmem>>) offsets(%dma_start3A_505 : memref<98xi32, #tpu.memory_space<vmem>>) semaphore(%arg7 : memref<!tpu.dma_semaphore, #tpu.memory_space<semaphore_mem>>)
    %dma_start3A_509 = arith.constant 1 : i32
    %dma_start3A_510 = arith.constant 98 : i32
    %dma_start3A_511 = arith.constant 0 : i32
    %dma_start3A_512 = tpu.memref_slice %arg6[%dma_start3A_510, %dma_start3A_511] : memref<784x128xf32, #tpu.memory_space<vmem>> -> memref<98x128xf32, #tpu.memory_space<vmem>>
    %dma_start3A_513 = arith.constant 0 : i32
    %dma_start3A_514 = tpu.memref_slice %arg5[%dma_start3A_509, %dma_start3A_513] : memref<8x98xi32, #tpu.memory_space<vmem>> -> memref<1x98xi32, #tpu.memory_space<vmem>>
    %dma_start3A_515 = tpu.memref_squeeze %dma_start3A_514 : memref<1x98xi32, #tpu.memory_space<vmem>> -> memref<98xi32, #tpu.memory_space<vmem>>
    %dma_start3A_516 = arith.constant 0 : i32
    %dma_start3A_517 = arith.constant 0 : i32
    %dma_start3A_518 = tpu.memref_slice %arg2[%dma_start3A_516, %dma_start3A_517] : memref<200000x128xf32, #tpu.memory_space<hbm>> -> memref<200000x128xf32, #tpu.memory_space<hbm>>
    tpu.enqueue_indirect_dma source(%dma_start3A_518 : memref<200000x128xf32, #tpu.memory_space<hbm>>) target(%dma_start3A_512 : memref<98x128xf32, #tpu.memory_space<vmem>>) offsets(%dma_start3A_515 : memref<98xi32, #tpu.memory_space<vmem>>) semaphore(%arg7 : memref<!tpu.dma_semaphore, #tpu.memory_space<semaphore_mem>>)
    %dma_start3A_519 = arith.constant 2 : i32
    %dma_start3A_520 = arith.constant 196 : i32
    %dma_start3A_521 = arith.constant 0 : i32
    %dma_start3A_522 = tpu.memref_slice %arg6[%dma_start3A_520, %dma_start3A_521] : memref<784x128xf32, #tpu.memory_space<vmem>> -> memref<98x128xf32, #tpu.memory_space<vmem>>
    %dma_start3A_523 = arith.constant 0 : i32
    %dma_start3A_524 = tpu.memref_slice %arg5[%dma_start3A_519, %dma_start3A_523] : memref<8x98xi32, #tpu.memory_space<vmem>> -> memref<1x98xi32, #tpu.memory_space<vmem>>
    %dma_start3A_525 = tpu.memref_squeeze %dma_start3A_524 : memref<1x98xi32, #tpu.memory_space<vmem>> -> memref<98xi32, #tpu.memory_space<vmem>>
    %dma_start3A_526 = arith.constant 0 : i32
    %dma_start3A_527 = arith.constant 0 : i32
    %dma_start3A_528 = tpu.memref_slice %arg2[%dma_start3A_526, %dma_start3A_527] : memref<200000x128xf32, #tpu.memory_space<hbm>> -> memref<200000x128xf32, #tpu.memory_space<hbm>>
    tpu.enqueue_indirect_dma source(%dma_start3A_528 : memref<200000x128xf32, #tpu.memory_space<hbm>>) target(%dma_start3A_522 : memref<98x128xf32, #tpu.memory_space<vmem>>) offsets(%dma_start3A_525 : memref<98xi32, #tpu.memory_space<vmem>>) semaphore(%arg7 : memref<!tpu.dma_semaphore, #tpu.memory_space<semaphore_mem>>)
    %dma_start3A_529 = arith.constant 3 : i32
    %dma_start3A_530 = arith.constant 294 : i32
    %dma_start3A_531 = arith.constant 0 : i32
    %dma_start3A_532 = tpu.memref_slice %arg6[%dma_start3A_530, %dma_start3A_531] : memref<784x128xf32, #tpu.memory_space<vmem>> -> memref<98x128xf32, #tpu.memory_space<vmem>>
    %dma_start3A_533 = arith.constant 0 : i32
    %dma_start3A_534 = tpu.memref_slice %arg5[%dma_start3A_529, %dma_start3A_533] : memref<8x98xi32, #tpu.memory_space<vmem>> -> memref<1x98xi32, #tpu.memory_space<vmem>>
    %dma_start3A_535 = tpu.memref_squeeze %dma_start3A_534 : memref<1x98xi32, #tpu.memory_space<vmem>> -> memref<98xi32, #tpu.memory_space<vmem>>
    %dma_start3A_536 = arith.constant 0 : i32
    %dma_start3A_537 = arith.constant 0 : i32
    %dma_start3A_538 = tpu.memref_slice %arg2[%dma_start3A_536, %dma_start3A_537] : memref<200000x128xf32, #tpu.memory_space<hbm>> -> memref<200000x128xf32, #tpu.memory_space<hbm>>
    tpu.enqueue_indirect_dma source(%dma_start3A_538 : memref<200000x128xf32, #tpu.memory_space<hbm>>) target(%dma_start3A_532 : memref<98x128xf32, #tpu.memory_space<vmem>>) offsets(%dma_start3A_535 : memref<98xi32, #tpu.memory_space<vmem>>) semaphore(%arg7 : memref<!tpu.dma_semaphore, #tpu.memory_space<semaphore_mem>>)
    %dma_start3A_539 = arith.constant 4 : i32
    %dma_start3A_540 = arith.constant 392 : i32
    %dma_start3A_541 = arith.constant 0 : i32
    %dma_start3A_542 = tpu.memref_slice %arg6[%dma_start3A_540, %dma_start3A_541] : memref<784x128xf32, #tpu.memory_space<vmem>> -> memref<98x128xf32, #tpu.memory_space<vmem>>
    %dma_start3A_543 = arith.constant 0 : i32
    %dma_start3A_544 = tpu.memref_slice %arg5[%dma_start3A_539, %dma_start3A_543] : memref<8x98xi32, #tpu.memory_space<vmem>> -> memref<1x98xi32, #tpu.memory_space<vmem>>
    %dma_start3A_545 = tpu.memref_squeeze %dma_start3A_544 : memref<1x98xi32, #tpu.memory_space<vmem>> -> memref<98xi32, #tpu.memory_space<vmem>>
    %dma_start3A_546 = arith.constant 0 : i32
    %dma_start3A_547 = arith.constant 0 : i32
    %dma_start3A_548 = tpu.memref_slice %arg2[%dma_start3A_546, %dma_start3A_547] : memref<200000x128xf32, #tpu.memory_space<hbm>> -> memref<200000x128xf32, #tpu.memory_space<hbm>>
    tpu.enqueue_indirect_dma source(%dma_start3A_548 : memref<200000x128xf32, #tpu.memory_space<hbm>>) target(%dma_start3A_542 : memref<98x128xf32, #tpu.memory_space<vmem>>) offsets(%dma_start3A_545 : memref<98xi32, #tpu.memory_space<vmem>>) semaphore(%arg7 : memref<!tpu.dma_semaphore, #tpu.memory_space<semaphore_mem>>)
    %dma_start3A_549 = arith.constant 5 : i32
    %dma_start3A_550 = arith.constant 490 : i32
    %dma_start3A_551 = arith.constant 0 : i32
    %dma_start3A_552 = tpu.memref_slice %arg6[%dma_start3A_550, %dma_start3A_551] : memref<784x128xf32, #tpu.memory_space<vmem>> -> memref<98x128xf32, #tpu.memory_space<vmem>>
    %dma_start3A_553 = arith.constant 0 : i32
    %dma_start3A_554 = tpu.memref_slice %arg5[%dma_start3A_549, %dma_start3A_553] : memref<8x98xi32, #tpu.memory_space<vmem>> -> memref<1x98xi32, #tpu.memory_space<vmem>>
    %dma_start3A_555 = tpu.memref_squeeze %dma_start3A_554 : memref<1x98xi32, #tpu.memory_space<vmem>> -> memref<98xi32, #tpu.memory_space<vmem>>
    %dma_start3A_556 = arith.constant 0 : i32
    %dma_start3A_557 = arith.constant 0 : i32
    %dma_start3A_558 = tpu.memref_slice %arg2[%dma_start3A_556, %dma_start3A_557] : memref<200000x128xf32, #tpu.memory_space<hbm>> -> memref<200000x128xf32, #tpu.memory_space<hbm>>
    tpu.enqueue_indirect_dma source(%dma_start3A_558 : memref<200000x128xf32, #tpu.memory_space<hbm>>) target(%dma_start3A_552 : memref<98x128xf32, #tpu.memory_space<vmem>>) offsets(%dma_start3A_555 : memref<98xi32, #tpu.memory_space<vmem>>) semaphore(%arg7 : memref<!tpu.dma_semaphore, #tpu.memory_space<semaphore_mem>>)
    %dma_start3A_559 = arith.constant 6 : i32
    %dma_start3A_560 = arith.constant 588 : i32
    %dma_start3A_561 = arith.constant 0 : i32
    %dma_start3A_562 = tpu.memref_slice %arg6[%dma_start3A_560, %dma_start3A_561] : memref<784x128xf32, #tpu.memory_space<vmem>> -> memref<98x128xf32, #tpu.memory_space<vmem>>
    %dma_start3A_563 = arith.constant 0 : i32
    %dma_start3A_564 = tpu.memref_slice %arg5[%dma_start3A_559, %dma_start3A_563] : memref<8x98xi32, #tpu.memory_space<vmem>> -> memref<1x98xi32, #tpu.memory_space<vmem>>
    %dma_start3A_565 = tpu.memref_squeeze %dma_start3A_564 : memref<1x98xi32, #tpu.memory_space<vmem>> -> memref<98xi32, #tpu.memory_space<vmem>>
    %dma_start3A_566 = arith.constant 0 : i32
    %dma_start3A_567 = arith.constant 0 : i32
    %dma_start3A_568 = tpu.memref_slice %arg2[%dma_start3A_566, %dma_start3A_567] : memref<200000x128xf32, #tpu.memory_space<hbm>> -> memref<200000x128xf32, #tpu.memory_space<hbm>>
    tpu.enqueue_indirect_dma source(%dma_start3A_568 : memref<200000x128xf32, #tpu.memory_space<hbm>>) target(%dma_start3A_562 : memref<98x128xf32, #tpu.memory_space<vmem>>) offsets(%dma_start3A_565 : memref<98xi32, #tpu.memory_space<vmem>>) semaphore(%arg7 : memref<!tpu.dma_semaphore, #tpu.memory_space<semaphore_mem>>)
    %dma_start3A_569 = arith.constant 7 : i32
    %dma_start3A_570 = arith.constant 686 : i32
    %dma_start3A_571 = arith.constant 0 : i32
    %dma_start3A_572 = tpu.memref_slice %arg6[%dma_start3A_570, %dma_start3A_571] : memref<784x128xf32, #tpu.memory_space<vmem>> -> memref<98x128xf32, #tpu.memory_space<vmem>>
    %dma_start3A_573 = arith.constant 0 : i32
    %dma_start3A_574 = tpu.memref_slice %arg5[%dma_start3A_569, %dma_start3A_573] : memref<8x98xi32, #tpu.memory_space<vmem>> -> memref<1x98xi32, #tpu.memory_space<vmem>>
    %dma_start3A_575 = tpu.memref_squeeze %dma_start3A_574 : memref<1x98xi32, #tpu.memory_space<vmem>> -> memref<98xi32, #tpu.memory_space<vmem>>
    %dma_start3A_576 = arith.constant 0 : i32
    %dma_start3A_577 = arith.constant 0 : i32
    %dma_start3A_578 = tpu.memref_slice %arg2[%dma_start3A_576, %dma_start3A_577] : memref<200000x128xf32, #tpu.memory_space<hbm>> -> memref<200000x128xf32, #tpu.memory_space<hbm>>
    tpu.enqueue_indirect_dma source(%dma_start3A_578 : memref<200000x128xf32, #tpu.memory_space<hbm>>) target(%dma_start3A_572 : memref<98x128xf32, #tpu.memory_space<vmem>>) offsets(%dma_start3A_575 : memref<98xi32, #tpu.memory_space<vmem>>) semaphore(%arg7 : memref<!tpu.dma_semaphore, #tpu.memory_space<semaphore_mem>>)
    %dma_wait3A_579 = arith.constant 0 : i32
    %dma_wait3A_580 = arith.constant 0 : i32
    %dma_wait3A_581 = arith.constant 0 : i32
    %dma_wait3A_582 = tpu.memref_slice %arg6[%dma_wait3A_580, %dma_wait3A_581] : memref<784x128xf32, #tpu.memory_space<vmem>> -> memref<98x128xf32, #tpu.memory_space<vmem>>
    %dma_wait3A_583 = arith.constant 0 : i32
    %dma_wait3A_584 = tpu.memref_slice %arg5[%dma_wait3A_579, %dma_wait3A_583] : memref<8x98xi32, #tpu.memory_space<vmem>> -> memref<1x98xi32, #tpu.memory_space<vmem>>
    %dma_wait3A_585 = tpu.memref_squeeze %dma_wait3A_584 : memref<1x98xi32, #tpu.memory_space<vmem>> -> memref<98xi32, #tpu.memory_space<vmem>>
    %dma_wait3A_586 = arith.constant 0 : i32
    %dma_wait3A_587 = arith.constant 0 : i32
    %dma_wait3A_588 = tpu.memref_slice %arg2[%dma_wait3A_586, %dma_wait3A_587] : memref<200000x128xf32, #tpu.memory_space<hbm>> -> memref<200000x128xf32, #tpu.memory_space<hbm>>
    tpu.wait_indirect_dma semaphore(%arg7 : memref<!tpu.dma_semaphore, #tpu.memory_space<semaphore_mem>>) src(%dma_wait3A_588 : memref<200000x128xf32, #tpu.memory_space<hbm>>) dst(%dma_wait3A_582 : memref<98x128xf32, #tpu.memory_space<vmem>>)
    %dma_wait3A_589 = arith.constant 1 : i32
    %dma_wait3A_590 = arith.constant 98 : i32
    %dma_wait3A_591 = arith.constant 0 : i32
    %dma_wait3A_592 = tpu.memref_slice %arg6[%dma_wait3A_590, %dma_wait3A_591] : memref<784x128xf32, #tpu.memory_space<vmem>> -> memref<98x128xf32, #tpu.memory_space<vmem>>
    %dma_wait3A_593 = arith.constant 0 : i32
    %dma_wait3A_594 = tpu.memref_slice %arg5[%dma_wait3A_589, %dma_wait3A_593] : memref<8x98xi32, #tpu.memory_space<vmem>> -> memref<1x98xi32, #tpu.memory_space<vmem>>
    %dma_wait3A_595 = tpu.memref_squeeze %dma_wait3A_594 : memref<1x98xi32, #tpu.memory_space<vmem>> -> memref<98xi32, #tpu.memory_space<vmem>>
    %dma_wait3A_596 = arith.constant 0 : i32
    %dma_wait3A_597 = arith.constant 0 : i32
    %dma_wait3A_598 = tpu.memref_slice %arg2[%dma_wait3A_596, %dma_wait3A_597] : memref<200000x128xf32, #tpu.memory_space<hbm>> -> memref<200000x128xf32, #tpu.memory_space<hbm>>
    tpu.wait_indirect_dma semaphore(%arg7 : memref<!tpu.dma_semaphore, #tpu.memory_space<semaphore_mem>>) src(%dma_wait3A_598 : memref<200000x128xf32, #tpu.memory_space<hbm>>) dst(%dma_wait3A_592 : memref<98x128xf32, #tpu.memory_space<vmem>>)
    %dma_wait3A_599 = arith.constant 2 : i32
    %dma_wait3A_600 = arith.constant 196 : i32
    %dma_wait3A_601 = arith.constant 0 : i32
    %dma_wait3A_602 = tpu.memref_slice %arg6[%dma_wait3A_600, %dma_wait3A_601] : memref<784x128xf32, #tpu.memory_space<vmem>> -> memref<98x128xf32, #tpu.memory_space<vmem>>
    %dma_wait3A_603 = arith.constant 0 : i32
    %dma_wait3A_604 = tpu.memref_slice %arg5[%dma_wait3A_599, %dma_wait3A_603] : memref<8x98xi32, #tpu.memory_space<vmem>> -> memref<1x98xi32, #tpu.memory_space<vmem>>
    %dma_wait3A_605 = tpu.memref_squeeze %dma_wait3A_604 : memref<1x98xi32, #tpu.memory_space<vmem>> -> memref<98xi32, #tpu.memory_space<vmem>>
    %dma_wait3A_606 = arith.constant 0 : i32
    %dma_wait3A_607 = arith.constant 0 : i32
    %dma_wait3A_608 = tpu.memref_slice %arg2[%dma_wait3A_606, %dma_wait3A_607] : memref<200000x128xf32, #tpu.memory_space<hbm>> -> memref<200000x128xf32, #tpu.memory_space<hbm>>
    tpu.wait_indirect_dma semaphore(%arg7 : memref<!tpu.dma_semaphore, #tpu.memory_space<semaphore_mem>>) src(%dma_wait3A_608 : memref<200000x128xf32, #tpu.memory_space<hbm>>) dst(%dma_wait3A_602 : memref<98x128xf32, #tpu.memory_space<vmem>>)
    %dma_wait3A_609 = arith.constant 3 : i32
    %dma_wait3A_610 = arith.constant 294 : i32
    %dma_wait3A_611 = arith.constant 0 : i32
    %dma_wait3A_612 = tpu.memref_slice %arg6[%dma_wait3A_610, %dma_wait3A_611] : memref<784x128xf32, #tpu.memory_space<vmem>> -> memref<98x128xf32, #tpu.memory_space<vmem>>
    %dma_wait3A_613 = arith.constant 0 : i32
    %dma_wait3A_614 = tpu.memref_slice %arg5[%dma_wait3A_609, %dma_wait3A_613] : memref<8x98xi32, #tpu.memory_space<vmem>> -> memref<1x98xi32, #tpu.memory_space<vmem>>
    %dma_wait3A_615 = tpu.memref_squeeze %dma_wait3A_614 : memref<1x98xi32, #tpu.memory_space<vmem>> -> memref<98xi32, #tpu.memory_space<vmem>>
    %dma_wait3A_616 = arith.constant 0 : i32
    %dma_wait3A_617 = arith.constant 0 : i32
    %dma_wait3A_618 = tpu.memref_slice %arg2[%dma_wait3A_616, %dma_wait3A_617] : memref<200000x128xf32, #tpu.memory_space<hbm>> -> memref<200000x128xf32, #tpu.memory_space<hbm>>
    tpu.wait_indirect_dma semaphore(%arg7 : memref<!tpu.dma_semaphore, #tpu.memory_space<semaphore_mem>>) src(%dma_wait3A_618 : memref<200000x128xf32, #tpu.memory_space<hbm>>) dst(%dma_wait3A_612 : memref<98x128xf32, #tpu.memory_space<vmem>>)
    %dma_wait3A_619 = arith.constant 4 : i32
    %dma_wait3A_620 = arith.constant 392 : i32
    %dma_wait3A_621 = arith.constant 0 : i32
    %dma_wait3A_622 = tpu.memref_slice %arg6[%dma_wait3A_620, %dma_wait3A_621] : memref<784x128xf32, #tpu.memory_space<vmem>> -> memref<98x128xf32, #tpu.memory_space<vmem>>
    %dma_wait3A_623 = arith.constant 0 : i32
    %dma_wait3A_624 = tpu.memref_slice %arg5[%dma_wait3A_619, %dma_wait3A_623] : memref<8x98xi32, #tpu.memory_space<vmem>> -> memref<1x98xi32, #tpu.memory_space<vmem>>
    %dma_wait3A_625 = tpu.memref_squeeze %dma_wait3A_624 : memref<1x98xi32, #tpu.memory_space<vmem>> -> memref<98xi32, #tpu.memory_space<vmem>>
    %dma_wait3A_626 = arith.constant 0 : i32
    %dma_wait3A_627 = arith.constant 0 : i32
    %dma_wait3A_628 = tpu.memref_slice %arg2[%dma_wait3A_626, %dma_wait3A_627] : memref<200000x128xf32, #tpu.memory_space<hbm>> -> memref<200000x128xf32, #tpu.memory_space<hbm>>
    tpu.wait_indirect_dma semaphore(%arg7 : memref<!tpu.dma_semaphore, #tpu.memory_space<semaphore_mem>>) src(%dma_wait3A_628 : memref<200000x128xf32, #tpu.memory_space<hbm>>) dst(%dma_wait3A_622 : memref<98x128xf32, #tpu.memory_space<vmem>>)
    %dma_wait3A_629 = arith.constant 5 : i32
    %dma_wait3A_630 = arith.constant 490 : i32
    %dma_wait3A_631 = arith.constant 0 : i32
    %dma_wait3A_632 = tpu.memref_slice %arg6[%dma_wait3A_630, %dma_wait3A_631] : memref<784x128xf32, #tpu.memory_space<vmem>> -> memref<98x128xf32, #tpu.memory_space<vmem>>
    %dma_wait3A_633 = arith.constant 0 : i32
    %dma_wait3A_634 = tpu.memref_slice %arg5[%dma_wait3A_629, %dma_wait3A_633] : memref<8x98xi32, #tpu.memory_space<vmem>> -> memref<1x98xi32, #tpu.memory_space<vmem>>
    %dma_wait3A_635 = tpu.memref_squeeze %dma_wait3A_634 : memref<1x98xi32, #tpu.memory_space<vmem>> -> memref<98xi32, #tpu.memory_space<vmem>>
    %dma_wait3A_636 = arith.constant 0 : i32
    %dma_wait3A_637 = arith.constant 0 : i32
    %dma_wait3A_638 = tpu.memref_slice %arg2[%dma_wait3A_636, %dma_wait3A_637] : memref<200000x128xf32, #tpu.memory_space<hbm>> -> memref<200000x128xf32, #tpu.memory_space<hbm>>
    tpu.wait_indirect_dma semaphore(%arg7 : memref<!tpu.dma_semaphore, #tpu.memory_space<semaphore_mem>>) src(%dma_wait3A_638 : memref<200000x128xf32, #tpu.memory_space<hbm>>) dst(%dma_wait3A_632 : memref<98x128xf32, #tpu.memory_space<vmem>>)
    %dma_wait3A_639 = arith.constant 6 : i32
    %dma_wait3A_640 = arith.constant 588 : i32
    %dma_wait3A_641 = arith.constant 0 : i32
    %dma_wait3A_642 = tpu.memref_slice %arg6[%dma_wait3A_640, %dma_wait3A_641] : memref<784x128xf32, #tpu.memory_space<vmem>> -> memref<98x128xf32, #tpu.memory_space<vmem>>
    %dma_wait3A_643 = arith.constant 0 : i32
    %dma_wait3A_644 = tpu.memref_slice %arg5[%dma_wait3A_639, %dma_wait3A_643] : memref<8x98xi32, #tpu.memory_space<vmem>> -> memref<1x98xi32, #tpu.memory_space<vmem>>
    %dma_wait3A_645 = tpu.memref_squeeze %dma_wait3A_644 : memref<1x98xi32, #tpu.memory_space<vmem>> -> memref<98xi32, #tpu.memory_space<vmem>>
    %dma_wait3A_646 = arith.constant 0 : i32
    %dma_wait3A_647 = arith.constant 0 : i32
    %dma_wait3A_648 = tpu.memref_slice %arg2[%dma_wait3A_646, %dma_wait3A_647] : memref<200000x128xf32, #tpu.memory_space<hbm>> -> memref<200000x128xf32, #tpu.memory_space<hbm>>
    tpu.wait_indirect_dma semaphore(%arg7 : memref<!tpu.dma_semaphore, #tpu.memory_space<semaphore_mem>>) src(%dma_wait3A_648 : memref<200000x128xf32, #tpu.memory_space<hbm>>) dst(%dma_wait3A_642 : memref<98x128xf32, #tpu.memory_space<vmem>>)
    %dma_wait3A_649 = arith.constant 7 : i32
    %dma_wait3A_650 = arith.constant 686 : i32
    %dma_wait3A_651 = arith.constant 0 : i32
    %dma_wait3A_652 = tpu.memref_slice %arg6[%dma_wait3A_650, %dma_wait3A_651] : memref<784x128xf32, #tpu.memory_space<vmem>> -> memref<98x128xf32, #tpu.memory_space<vmem>>
    %dma_wait3A_653 = arith.constant 0 : i32
    %dma_wait3A_654 = tpu.memref_slice %arg5[%dma_wait3A_649, %dma_wait3A_653] : memref<8x98xi32, #tpu.memory_space<vmem>> -> memref<1x98xi32, #tpu.memory_space<vmem>>
    %dma_wait3A_655 = tpu.memref_squeeze %dma_wait3A_654 : memref<1x98xi32, #tpu.memory_space<vmem>> -> memref<98xi32, #tpu.memory_space<vmem>>
    %dma_wait3A_656 = arith.constant 0 : i32
    %dma_wait3A_657 = arith.constant 0 : i32
    %dma_wait3A_658 = tpu.memref_slice %arg2[%dma_wait3A_656, %dma_wait3A_657] : memref<200000x128xf32, #tpu.memory_space<hbm>> -> memref<200000x128xf32, #tpu.memory_space<hbm>>
    tpu.wait_indirect_dma semaphore(%arg7 : memref<!tpu.dma_semaphore, #tpu.memory_space<semaphore_mem>>) src(%dma_wait3A_658 : memref<200000x128xf32, #tpu.memory_space<hbm>>) dst(%dma_wait3A_652 : memref<98x128xf32, #tpu.memory_space<vmem>>)
    %mul3A_659 = arith.constant 784 : i32
    %mul3A_660 = arith.muli %add3A, %mul3A_659 : i32
    %run_scoped3A_661 = arith.constant 3 : i32
    "tpu.region"() ({
      %run_scoped3A_662 = tpu.sem_alloc : memref<!tpu.dma_semaphore, #tpu.memory_space<semaphore_mem>>
      %dma_start3A_663 = arith.constant 0 : i32
      %dma_start3A_664 = tpu.memref_slice %arg4[%run_scoped3A_661, %mul3A_660, %dma_start3A_663] : memref<4x25088x128xf32, #tpu.memory_space<hbm>> -> memref<1x784x128xf32, #tpu.memory_space<hbm>>
      %dma_start3A_665 = tpu.memref_squeeze %dma_start3A_664 : memref<1x784x128xf32, #tpu.memory_space<hbm>> -> memref<784x128xf32, #tpu.memory_space<hbm>>
      %dma_start3A_666 = arith.constant 0 : i32
      %dma_start3A_667 = tpu.memref_slice %arg4[%run_scoped3A_661, %mul3A_660, %dma_start3A_666] : memref<4x25088x128xf32, #tpu.memory_space<hbm>> -> memref<1x784x128xf32, #tpu.memory_space<hbm>>
      %dma_start3A_668 = tpu.memref_squeeze %dma_start3A_667 : memref<1x784x128xf32, #tpu.memory_space<hbm>> -> memref<784x128xf32, #tpu.memory_space<hbm>>
      tpu.enqueue_dma source(%arg6 : memref<784x128xf32, #tpu.memory_space<vmem>>) target(%dma_start3A_668 : memref<784x128xf32, #tpu.memory_space<hbm>>) target_semaphore(%run_scoped3A_662 : memref<!tpu.dma_semaphore, #tpu.memory_space<semaphore_mem>>)
      %dma_wait3A_669 = arith.constant 0 : i32
      %dma_wait3A_670 = tpu.memref_slice %arg4[%run_scoped3A_661, %mul3A_660, %dma_wait3A_669] : memref<4x25088x128xf32, #tpu.memory_space<hbm>> -> memref<1x784x128xf32, #tpu.memory_space<hbm>>
      %dma_wait3A_671 = tpu.memref_squeeze %dma_wait3A_670 : memref<1x784x128xf32, #tpu.memory_space<hbm>> -> memref<784x128xf32, #tpu.memory_space<hbm>>
      %dma_wait3A_672 = arith.constant 0 : i32
      %dma_wait3A_673 = tpu.memref_slice %arg4[%run_scoped3A_661, %mul3A_660, %dma_wait3A_672] : memref<4x25088x128xf32, #tpu.memory_space<hbm>> -> memref<1x784x128xf32, #tpu.memory_space<hbm>>
      %dma_wait3A_674 = tpu.memref_squeeze %dma_wait3A_673 : memref<1x784x128xf32, #tpu.memory_space<hbm>> -> memref<784x128xf32, #tpu.memory_space<hbm>>
      tpu.wait_dma2 semaphore(%run_scoped3A_662 : memref<!tpu.dma_semaphore, #tpu.memory_space<semaphore_mem>>) src(%arg6 : memref<784x128xf32, #tpu.memory_space<vmem>>) dst(%dma_wait3A_674 : memref<784x128xf32, #tpu.memory_space<hbm>>)
      tpu.yield
    }) : () -> ()
    return
  }
}

module attributes {stable_mosaic.version = 14 : i64} {
  func.func @_score_body(%arg0: i32, %arg1: i32, %arg2: memref<1x2000x128xf32, #tpu.memory_space<vmem>>, %arg3: memref<128x128xf32, #tpu.memory_space<vmem>>, %arg4: memref<1x1xf32, #tpu.memory_space<smem>>, %arg5: memref<1x1x2000xf32, #tpu.memory_space<vmem>>) attributes {dimension_semantics = [#tpu.dimension_semantics<arbitrary>, #tpu.dimension_semantics<arbitrary>], iteration_bounds = array<i64: 4, 25>, scalar_prefetch = 0 : i64, scratch_operands = 0 : i64, tpu.core_type = #tpu.core_type<tc>, window_params = [{transform_indices = @transform_0, window_bounds = array<i64: 1, 2000, 128>}, {pipeline_mode = #tpu.pipeline_mode<synchronous>, transform_indices = @transform_1, window_bounds = array<i64: 128, 128>}, {transform_indices = @transform_2, window_bounds = array<i64: 1, 1>}, {transform_indices = @transform_3, window_bounds = array<i64: 1, 1, 2000>}]} {
    %get3A = arith.constant 0 : index
    %get3A_0 = arith.constant 0 : index
    %get3A_1 = arith.constant 0 : index
    %get3A_2 = vector.load %arg2[%get3A, %get3A_0, %get3A_1] : memref<1x2000x128xf32, #tpu.memory_space<vmem>>, vector<1x2000x128xf32>
    %get3A_3 = vector.shape_cast %get3A_2 : vector<1x2000x128xf32> to vector<2000x128xf32>
    %convert_element_type3A = arith.truncf %get3A_3 : vector<2000x128xf32> to vector<2000x128xbf16>
    %get3A_4 = arith.constant 0 : index
    %get3A_5 = arith.constant 0 : index
    %get3A_6 = vector.load %arg3[%get3A_4, %get3A_5] : memref<128x128xf32, #tpu.memory_space<vmem>>, vector<128x128xf32>
    %convert_element_type3A_7 = arith.truncf %get3A_6 : vector<128x128xf32> to vector<128x128xbf16>
    %dot_general3A = arith.constant dense<0.000000e+00> : vector<2000x128xf32>
    %dot_general3A_8 = tpu.matmul %convert_element_type3A, %convert_element_type3A_7, %dot_general3A {dimension_numbers = #tpu.dot_dimension_numbers<[1], [0], [0], [1], [0, 0, 1, 1], [], []>, transpose_lhs_hint = false} : vector<2000x128xbf16>, vector<128x128xbf16>, vector<2000x128xf32> -> vector<2000x128xf32>
    %slice3A = vector.extract_strided_slice %dot_general3A_8 {offsets = [0, 0], sizes = [2000, 1], strides = [1, 1]} : vector<2000x128xf32> to vector<2000x1xf32>
    %squeeze3A = vector.shape_cast %slice3A : vector<2000x1xf32> to vector<2000xf32>
    %get3A_9 = arith.constant 0 : index
    %get3A_10 = arith.constant 0 : index
    %get3A_11 = memref.load %arg4[%get3A_9, %get3A_10] : memref<1x1xf32, #tpu.memory_space<smem>>
    %add3A = vector.broadcast %get3A_11 : f32 to vector<2000xf32>
    %add3A_12 = arith.addf %squeeze3A, %add3A : vector<2000xf32>
    %logistic3A = arith.negf %add3A_12 : vector<2000xf32>
    %logistic3A_13 = math.exp %logistic3A : vector<2000xf32>
    %logistic3A_14 = arith.constant 1.000000e+00 : f32
    %logistic3A_15 = vector.broadcast %logistic3A_14 : f32 to vector<2000xf32>
    %logistic3A_16 = arith.addf %logistic3A_15, %logistic3A_13 : vector<2000xf32>
    %logistic3A_17 = arith.divf %logistic3A_15, %logistic3A_16 : vector<2000xf32>
    %swap3A = arith.constant 0 : index
    %swap3A_18 = arith.constant 0 : index
    %swap3A_19 = arith.constant 0 : index
    %swap3A_20 = vector.load %arg5[%swap3A, %swap3A_18, %swap3A_19] : memref<1x1x2000xf32, #tpu.memory_space<vmem>>, vector<1x1x2000xf32>
    %swap3A_21 = vector.shape_cast %swap3A_20 : vector<1x1x2000xf32> to vector<2000xf32>
    %swap3A_22 = vector.shape_cast %logistic3A_17 : vector<2000xf32> to vector<1x1x2000xf32>
    tpu.vector_store %arg5[%swap3A, %swap3A_18, %swap3A_19], %swap3A_22 {strides = array<i32>} : memref<1x1x2000xf32, #tpu.memory_space<vmem>>, vector<1x1x2000xf32>,
    return
  }
  func.func @transform_0(%arg0: i32, %arg1: i32) -> (i32, i32, i32) {
    %c0_i32 = arith.constant 0 : i32
    %c0_i32_0 = arith.constant 0 : i32
    return %arg0, %arg1, %c0_i32 : i32, i32, i32
  }
  func.func @transform_1(%arg0: i32, %arg1: i32) -> (i32, i32) {
    %c0_i32 = arith.constant 0 : i32
    %c0_i32_0 = arith.constant 0 : i32
    %c0_i32_1 = arith.constant 0 : i32
    return %c0_i32, %c0_i32_0 : i32, i32
  }
  func.func @transform_2(%arg0: i32, %arg1: i32) -> (i32, i32) {
    %c0_i32 = arith.constant 0 : i32
    %c0_i32_0 = arith.constant 0 : i32
    %c0_i32_1 = arith.constant 0 : i32
    return %c0_i32, %c0_i32_0 : i32, i32
  }
  func.func @transform_3(%arg0: i32, %arg1: i32) -> (i32, i32, i32) {
    %mul3A = arith.constant 25 : i32
    %mul3A_0 = arith.muli %arg0, %mul3A : i32
    %add3A = arith.addi %mul3A_0, %arg1 : i32
    %c0_i32 = arith.constant 0 : i32
    %c0_i32_1 = arith.constant 0 : i32
    %c0_i32_2 = arith.constant 0 : i32
    return %add3A, %c0_i32, %c0_i32_1 : i32, i32, i32
  }
}

module attributes {stable_mosaic.version = 14 : i64} {
  func.func @_sort_body(%arg0: i32, %arg1: memref<1x512x128xf32, #tpu.memory_space<vmem>>, %arg2: memref<1x512x128xf32, #tpu.memory_space<vmem>>, %arg3: memref<1x512x128xi32, #tpu.memory_space<vmem>>) attributes {dimension_semantics = [#tpu.dimension_semantics<arbitrary>], iteration_bounds = array<i64: 4>, scalar_prefetch = 0 : i64, scratch_operands = 0 : i64, tpu.core_type = #tpu.core_type<tc>, window_params = [{transform_indices = @transform_0, window_bounds = array<i64: 1, 512, 128>}, {transform_indices = @transform_1, window_bounds = array<i64: 1, 512, 128>}, {transform_indices = @transform_2, window_bounds = array<i64: 1, 512, 128>}]} {
    %get3A = arith.constant 0 : index
    %get3A_0 = arith.constant 0 : index
    %get3A_1 = arith.constant 0 : index
    %get3A_2 = vector.load %arg1[%get3A, %get3A_0, %get3A_1] : memref<1x512x128xf32, #tpu.memory_space<vmem>>, vector<1x512x128xf32>
    %get3A_3 = vector.shape_cast %get3A_2 : vector<1x512x128xf32> to vector<512x128xf32>
    %iota3A = tpu.iota {dimensions = array<i32: 0>} : vector<512x128xi32>
    %iota3A_4 = tpu.iota {dimensions = array<i32: 1>} : vector<512x128xi32>
    %mul3A = arith.constant 128 : i32
    %mul3A_5 = vector.broadcast %mul3A : i32 to vector<512x128xi32>
    %mul3A_6 = arith.muli %iota3A, %mul3A_5 : vector<512x128xi32>
    %add3A = arith.addi %mul3A_6, %iota3A_4 : vector<512x128xi32>
    %and3A = arith.constant 2 : i32
    %and3A_7 = vector.broadcast %and3A : i32 to vector<512x128xi32>
    %and3A_8 = arith.andi %add3A, %and3A_7 : vector<512x128xi32>
    %eq3A = arith.constant 0 : i32
    %eq3A_9 = vector.broadcast %eq3A : i32 to vector<512x128xi32>
    %eq3A_10 = arith.cmpi eq, %and3A_8, %eq3A_9 : vector<512x128xi32>
    %scan3A = arith.constant 0 : i32
    %sub3A = arith.constant 0 : i32
    %sub3A_11 = arith.subi %sub3A, %scan3A : i32
    %shift_left3A = arith.constant 1 : i32
    %shift_left3A_12 = arith.shli %shift_left3A, %sub3A_11 : i32
    %shift_right_logical3A = arith.constant 0 : i32
    %shift_right_logical3A_13 = arith.shrui %shift_left3A_12, %shift_right_logical3A : i32
    %and3A_14 = vector.broadcast %shift_left3A_12 : i32 to vector<512x128xi32>
    %and3A_15 = arith.andi %add3A, %and3A_14 : vector<512x128xi32>
    %eq3A_16 = arith.constant 0 : i32
    %eq3A_17 = vector.broadcast %eq3A_16 : i32 to vector<512x128xi32>
    %eq3A_18 = arith.cmpi eq, %and3A_15, %eq3A_17 : vector<512x128xi32>
    %sub3A_19 = arith.constant 128 : i32
    %sub3A_20 = arith.subi %sub3A_19, %shift_right_logical3A_13 : i32
    %roll3A = tpu.dynamic_rotate %get3A_3 by %sub3A_20 dim 1 : vector<512x128xf32>, i32 -> vector<512x128xf32>
    %roll3A_21 = tpu.dynamic_rotate %get3A_3 by %shift_right_logical3A_13 dim 1 : vector<512x128xf32>, i32 -> vector<512x128xf32>
    %select_n3A = arith.select %eq3A_18, %roll3A, %roll3A_21 : vector<512x128xi1>, vector<512x128xf32>
    %sub3A_22 = arith.constant 128 : i32
    %sub3A_23 = arith.subi %sub3A_22, %shift_right_logical3A_13 : i32
    %roll3A_24 = tpu.dynamic_rotate %add3A by %sub3A_23 dim 1 : vector<512x128xi32>, i32 -> vector<512x128xi32>
    %roll3A_25 = tpu.dynamic_rotate %add3A by %shift_right_logical3A_13 dim 1 : vector<512x128xi32>, i32 -> vector<512x128xi32>
    %select_n3A_26 = arith.select %eq3A_18, %roll3A_24, %roll3A_25 : vector<512x128xi1>, vector<512x128xi32>
    %gt3A = arith.cmpf ogt, %get3A_3, %select_n3A : vector<512x128xf32>
    %eq3A_27 = arith.cmpf oeq, %get3A_3, %select_n3A : vector<512x128xf32>
    %lt3A = arith.cmpi slt, %add3A, %select_n3A_26 : vector<512x128xi32>
    %and3A_28 = arith.andi %eq3A_27, %lt3A : vector<512x128xi1>
    %or3A = arith.ori %gt3A, %and3A_28 : vector<512x128xi1>
    %eq3A_29 = arith.xori %eq3A_18, %or3A : vector<512x128xi1>
    %eq3A_30 = arith.constant dense<true> : vector<512x128xi1>
    %eq3A_31 = arith.xori %eq3A_29, %eq3A_30 : vector<512x128xi1>
    %eq3A_32 = arith.xori %eq3A_10, %eq3A_31 : vector<512x128xi1>
    %eq3A_33 = arith.constant dense<true> : vector<512x128xi1>
    %eq3A_34 = arith.xori %eq3A_32, %eq3A_33 : vector<512x128xi1>
    %select_n3A_35 = arith.select %eq3A_34, %get3A_3, %select_n3A : vector<512x128xi1>, vector<512x128xf32>
    %select_n3A_36 = arith.select %eq3A_34, %add3A, %select_n3A_26 : vector<512x128xi1>, vector<512x128xi32>
    %scan3A_37 = arith.constant 1 : i32
    %and3A_38 = arith.constant 4 : i32
    %and3A_39 = vector.broadcast %and3A_38 : i32 to vector<512x128xi32>
    %and3A_40 = arith.andi %add3A, %and3A_39 : vector<512x128xi32>
    %eq3A_41 = arith.constant 0 : i32
    %eq3A_42 = vector.broadcast %eq3A_41 : i32 to vector<512x128xi32>
    %eq3A_43 = arith.cmpi eq, %and3A_40, %eq3A_42 : vector<512x128xi32>
    %scan3A_44 = arith.constant 0 : i32
    %scan3A_45 = arith.constant 2 : i32
    %scan3A_46 = arith.addi %scan3A_44, %scan3A_45 : i32
    %scan3A_47 = arith.constant 1 : i32
    %scan3A_48:2 = scf.for %scan3A_313 = %scan3A_44 to %scan3A_46 step %scan3A_47 iter_args(%scan3A_314 = %select_n3A_35, %scan3A_315 = %select_n3A_36) -> (vector<512x128xf32>, vector<512x128xi32>)  : i32 {
      %sub3A_316 = arith.constant 1 : i32
      %sub3A_317 = arith.subi %sub3A_316, %scan3A_313 : i32
      %shift_left3A_318 = arith.constant 1 : i32
      %shift_left3A_319 = arith.shli %shift_left3A_318, %sub3A_317 : i32
      %shift_right_logical3A_320 = arith.constant 0 : i32
      %shift_right_logical3A_321 = arith.shrui %shift_left3A_319, %shift_right_logical3A_320 : i32
      %and3A_322 = vector.broadcast %shift_left3A_319 : i32 to vector<512x128xi32>
      %and3A_323 = arith.andi %add3A, %and3A_322 : vector<512x128xi32>
      %eq3A_324 = arith.constant 0 : i32
      %eq3A_325 = vector.broadcast %eq3A_324 : i32 to vector<512x128xi32>
      %eq3A_326 = arith.cmpi eq, %and3A_323, %eq3A_325 : vector<512x128xi32>
      %sub3A_327 = arith.constant 128 : i32
      %sub3A_328 = arith.subi %sub3A_327, %shift_right_logical3A_321 : i32
      %roll3A_329 = tpu.dynamic_rotate %scan3A_314 by %sub3A_328 dim 1 : vector<512x128xf32>, i32 -> vector<512x128xf32>
      %roll3A_330 = tpu.dynamic_rotate %scan3A_314 by %shift_right_logical3A_321 dim 1 : vector<512x128xf32>, i32 -> vector<512x128xf32>
      %select_n3A_331 = arith.select %eq3A_326, %roll3A_329, %roll3A_330 : vector<512x128xi1>, vector<512x128xf32>
      %sub3A_332 = arith.constant 128 : i32
      %sub3A_333 = arith.subi %sub3A_332, %shift_right_logical3A_321 : i32
      %roll3A_334 = tpu.dynamic_rotate %scan3A_315 by %sub3A_333 dim 1 : vector<512x128xi32>, i32 -> vector<512x128xi32>
      %roll3A_335 = tpu.dynamic_rotate %scan3A_315 by %shift_right_logical3A_321 dim 1 : vector<512x128xi32>, i32 -> vector<512x128xi32>
      %select_n3A_336 = arith.select %eq3A_326, %roll3A_334, %roll3A_335 : vector<512x128xi1>, vector<512x128xi32>
      %gt3A_337 = arith.cmpf ogt, %scan3A_314, %select_n3A_331 : vector<512x128xf32>
      %eq3A_338 = arith.cmpf oeq, %scan3A_314, %select_n3A_331 : vector<512x128xf32>
      %lt3A_339 = arith.cmpi slt, %scan3A_315, %select_n3A_336 : vector<512x128xi32>
      %and3A_340 = arith.andi %eq3A_338, %lt3A_339 : vector<512x128xi1>
      %or3A_341 = arith.ori %gt3A_337, %and3A_340 : vector<512x128xi1>
      %eq3A_342 = arith.xori %eq3A_326, %or3A_341 : vector<512x128xi1>
      %eq3A_343 = arith.constant dense<true> : vector<512x128xi1>
      %eq3A_344 = arith.xori %eq3A_342, %eq3A_343 : vector<512x128xi1>
      %eq3A_345 = arith.xori %eq3A_43, %eq3A_344 : vector<512x128xi1>
      %eq3A_346 = arith.constant dense<true> : vector<512x128xi1>
      %eq3A_347 = arith.xori %eq3A_345, %eq3A_346 : vector<512x128xi1>
      %select_n3A_348 = arith.select %eq3A_347, %scan3A_314, %select_n3A_331 : vector<512x128xi1>, vector<512x128xf32>
      %select_n3A_349 = arith.select %eq3A_347, %scan3A_315, %select_n3A_336 : vector<512x128xi1>, vector<512x128xi32>
      scf.yield %select_n3A_348, %select_n3A_349 : vector<512x128xf32>, vector<512x128xi32>
    }
    %scan3A_49 = arith.constant 2 : i32
    %and3A_50 = arith.constant 8 : i32
    %and3A_51 = vector.broadcast %and3A_50 : i32 to vector<512x128xi32>
    %and3A_52 = arith.andi %add3A, %and3A_51 : vector<512x128xi32>
    %eq3A_53 = arith.constant 0 : i32
    %eq3A_54 = vector.broadcast %eq3A_53 : i32 to vector<512x128xi32>
    %eq3A_55 = arith.cmpi eq, %and3A_52, %eq3A_54 : vector<512x128xi32>
    %scan3A_56 = arith.constant 0 : i32
    %scan3A_57 = arith.constant 3 : i32
    %scan3A_58 = arith.addi %scan3A_56, %scan3A_57 : i32
    %scan3A_59 = arith.constant 1 : i32
    %scan3A_60:2 = scf.for %scan3A_313 = %scan3A_56 to %scan3A_58 step %scan3A_59 iter_args(%scan3A_314 = %scan3A_48#0, %scan3A_315 = %scan3A_48#1) -> (vector<512x128xf32>, vector<512x128xi32>)  : i32 {
      %sub3A_316 = arith.constant 2 : i32
      %sub3A_317 = arith.subi %sub3A_316, %scan3A_313 : i32
      %shift_left3A_318 = arith.constant 1 : i32
      %shift_left3A_319 = arith.shli %shift_left3A_318, %sub3A_317 : i32
      %shift_right_logical3A_320 = arith.constant 0 : i32
      %shift_right_logical3A_321 = arith.shrui %shift_left3A_319, %shift_right_logical3A_320 : i32
      %and3A_322 = vector.broadcast %shift_left3A_319 : i32 to vector<512x128xi32>
      %and3A_323 = arith.andi %add3A, %and3A_322 : vector<512x128xi32>
      %eq3A_324 = arith.constant 0 : i32
      %eq3A_325 = vector.broadcast %eq3A_324 : i32 to vector<512x128xi32>
      %eq3A_326 = arith.cmpi eq, %and3A_323, %eq3A_325 : vector<512x128xi32>
      %sub3A_327 = arith.constant 128 : i32
      %sub3A_328 = arith.subi %sub3A_327, %shift_right_logical3A_321 : i32
      %roll3A_329 = tpu.dynamic_rotate %scan3A_314 by %sub3A_328 dim 1 : vector<512x128xf32>, i32 -> vector<512x128xf32>
      %roll3A_330 = tpu.dynamic_rotate %scan3A_314 by %shift_right_logical3A_321 dim 1 : vector<512x128xf32>, i32 -> vector<512x128xf32>
      %select_n3A_331 = arith.select %eq3A_326, %roll3A_329, %roll3A_330 : vector<512x128xi1>, vector<512x128xf32>
      %sub3A_332 = arith.constant 128 : i32
      %sub3A_333 = arith.subi %sub3A_332, %shift_right_logical3A_321 : i32
      %roll3A_334 = tpu.dynamic_rotate %scan3A_315 by %sub3A_333 dim 1 : vector<512x128xi32>, i32 -> vector<512x128xi32>
      %roll3A_335 = tpu.dynamic_rotate %scan3A_315 by %shift_right_logical3A_321 dim 1 : vector<512x128xi32>, i32 -> vector<512x128xi32>
      %select_n3A_336 = arith.select %eq3A_326, %roll3A_334, %roll3A_335 : vector<512x128xi1>, vector<512x128xi32>
      %gt3A_337 = arith.cmpf ogt, %scan3A_314, %select_n3A_331 : vector<512x128xf32>
      %eq3A_338 = arith.cmpf oeq, %scan3A_314, %select_n3A_331 : vector<512x128xf32>
      %lt3A_339 = arith.cmpi slt, %scan3A_315, %select_n3A_336 : vector<512x128xi32>
      %and3A_340 = arith.andi %eq3A_338, %lt3A_339 : vector<512x128xi1>
      %or3A_341 = arith.ori %gt3A_337, %and3A_340 : vector<512x128xi1>
      %eq3A_342 = arith.xori %eq3A_326, %or3A_341 : vector<512x128xi1>
      %eq3A_343 = arith.constant dense<true> : vector<512x128xi1>
      %eq3A_344 = arith.xori %eq3A_342, %eq3A_343 : vector<512x128xi1>
      %eq3A_345 = arith.xori %eq3A_55, %eq3A_344 : vector<512x128xi1>
      %eq3A_346 = arith.constant dense<true> : vector<512x128xi1>
      %eq3A_347 = arith.xori %eq3A_345, %eq3A_346 : vector<512x128xi1>
      %select_n3A_348 = arith.select %eq3A_347, %scan3A_314, %select_n3A_331 : vector<512x128xi1>, vector<512x128xf32>
      %select_n3A_349 = arith.select %eq3A_347, %scan3A_315, %select_n3A_336 : vector<512x128xi1>, vector<512x128xi32>
      scf.yield %select_n3A_348, %select_n3A_349 : vector<512x128xf32>, vector<512x128xi32>
    }
    %scan3A_61 = arith.constant 3 : i32
    %and3A_62 = arith.constant 16 : i32
    %and3A_63 = vector.broadcast %and3A_62 : i32 to vector<512x128xi32>
    %and3A_64 = arith.andi %add3A, %and3A_63 : vector<512x128xi32>
    %eq3A_65 = arith.constant 0 : i32
    %eq3A_66 = vector.broadcast %eq3A_65 : i32 to vector<512x128xi32>
    %eq3A_67 = arith.cmpi eq, %and3A_64, %eq3A_66 : vector<512x128xi32>
    %scan3A_68 = arith.constant 0 : i32
    %scan3A_69 = arith.constant 4 : i32
    %scan3A_70 = arith.addi %scan3A_68, %scan3A_69 : i32
    %scan3A_71 = arith.constant 1 : i32
    %scan3A_72:2 = scf.for %scan3A_313 = %scan3A_68 to %scan3A_70 step %scan3A_71 iter_args(%scan3A_314 = %scan3A_60#0, %scan3A_315 = %scan3A_60#1) -> (vector<512x128xf32>, vector<512x128xi32>)  : i32 {
      %sub3A_316 = arith.constant 3 : i32
      %sub3A_317 = arith.subi %sub3A_316, %scan3A_313 : i32
      %shift_left3A_318 = arith.constant 1 : i32
      %shift_left3A_319 = arith.shli %shift_left3A_318, %sub3A_317 : i32
      %shift_right_logical3A_320 = arith.constant 0 : i32
      %shift_right_logical3A_321 = arith.shrui %shift_left3A_319, %shift_right_logical3A_320 : i32
      %and3A_322 = vector.broadcast %shift_left3A_319 : i32 to vector<512x128xi32>
      %and3A_323 = arith.andi %add3A, %and3A_322 : vector<512x128xi32>
      %eq3A_324 = arith.constant 0 : i32
      %eq3A_325 = vector.broadcast %eq3A_324 : i32 to vector<512x128xi32>
      %eq3A_326 = arith.cmpi eq, %and3A_323, %eq3A_325 : vector<512x128xi32>
      %sub3A_327 = arith.constant 128 : i32
      %sub3A_328 = arith.subi %sub3A_327, %shift_right_logical3A_321 : i32
      %roll3A_329 = tpu.dynamic_rotate %scan3A_314 by %sub3A_328 dim 1 : vector<512x128xf32>, i32 -> vector<512x128xf32>
      %roll3A_330 = tpu.dynamic_rotate %scan3A_314 by %shift_right_logical3A_321 dim 1 : vector<512x128xf32>, i32 -> vector<512x128xf32>
      %select_n3A_331 = arith.select %eq3A_326, %roll3A_329, %roll3A_330 : vector<512x128xi1>, vector<512x128xf32>
      %sub3A_332 = arith.constant 128 : i32
      %sub3A_333 = arith.subi %sub3A_332, %shift_right_logical3A_321 : i32
      %roll3A_334 = tpu.dynamic_rotate %scan3A_315 by %sub3A_333 dim 1 : vector<512x128xi32>, i32 -> vector<512x128xi32>
      %roll3A_335 = tpu.dynamic_rotate %scan3A_315 by %shift_right_logical3A_321 dim 1 : vector<512x128xi32>, i32 -> vector<512x128xi32>
      %select_n3A_336 = arith.select %eq3A_326, %roll3A_334, %roll3A_335 : vector<512x128xi1>, vector<512x128xi32>
      %gt3A_337 = arith.cmpf ogt, %scan3A_314, %select_n3A_331 : vector<512x128xf32>
      %eq3A_338 = arith.cmpf oeq, %scan3A_314, %select_n3A_331 : vector<512x128xf32>
      %lt3A_339 = arith.cmpi slt, %scan3A_315, %select_n3A_336 : vector<512x128xi32>
      %and3A_340 = arith.andi %eq3A_338, %lt3A_339 : vector<512x128xi1>
      %or3A_341 = arith.ori %gt3A_337, %and3A_340 : vector<512x128xi1>
      %eq3A_342 = arith.xori %eq3A_326, %or3A_341 : vector<512x128xi1>
      %eq3A_343 = arith.constant dense<true> : vector<512x128xi1>
      %eq3A_344 = arith.xori %eq3A_342, %eq3A_343 : vector<512x128xi1>
      %eq3A_345 = arith.xori %eq3A_67, %eq3A_344 : vector<512x128xi1>
      %eq3A_346 = arith.constant dense<true> : vector<512x128xi1>
      %eq3A_347 = arith.xori %eq3A_345, %eq3A_346 : vector<512x128xi1>
      %select_n3A_348 = arith.select %eq3A_347, %scan3A_314, %select_n3A_331 : vector<512x128xi1>, vector<512x128xf32>
      %select_n3A_349 = arith.select %eq3A_347, %scan3A_315, %select_n3A_336 : vector<512x128xi1>, vector<512x128xi32>
      scf.yield %select_n3A_348, %select_n3A_349 : vector<512x128xf32>, vector<512x128xi32>
    }
    %scan3A_73 = arith.constant 4 : i32
    %and3A_74 = arith.constant 32 : i32
    %and3A_75 = vector.broadcast %and3A_74 : i32 to vector<512x128xi32>
    %and3A_76 = arith.andi %add3A, %and3A_75 : vector<512x128xi32>
    %eq3A_77 = arith.constant 0 : i32
    %eq3A_78 = vector.broadcast %eq3A_77 : i32 to vector<512x128xi32>
    %eq3A_79 = arith.cmpi eq, %and3A_76, %eq3A_78 : vector<512x128xi32>
    %scan3A_80 = arith.constant 0 : i32
    %scan3A_81 = arith.constant 5 : i32
    %scan3A_82 = arith.addi %scan3A_80, %scan3A_81 : i32
    %scan3A_83 = arith.constant 1 : i32
    %scan3A_84:2 = scf.for %scan3A_313 = %scan3A_80 to %scan3A_82 step %scan3A_83 iter_args(%scan3A_314 = %scan3A_72#0, %scan3A_315 = %scan3A_72#1) -> (vector<512x128xf32>, vector<512x128xi32>)  : i32 {
      %sub3A_316 = arith.constant 4 : i32
      %sub3A_317 = arith.subi %sub3A_316, %scan3A_313 : i32
      %shift_left3A_318 = arith.constant 1 : i32
      %shift_left3A_319 = arith.shli %shift_left3A_318, %sub3A_317 : i32
      %shift_right_logical3A_320 = arith.constant 0 : i32
      %shift_right_logical3A_321 = arith.shrui %shift_left3A_319, %shift_right_logical3A_320 : i32
      %and3A_322 = vector.broadcast %shift_left3A_319 : i32 to vector<512x128xi32>
      %and3A_323 = arith.andi %add3A, %and3A_322 : vector<512x128xi32>
      %eq3A_324 = arith.constant 0 : i32
      %eq3A_325 = vector.broadcast %eq3A_324 : i32 to vector<512x128xi32>
      %eq3A_326 = arith.cmpi eq, %and3A_323, %eq3A_325 : vector<512x128xi32>
      %sub3A_327 = arith.constant 128 : i32
      %sub3A_328 = arith.subi %sub3A_327, %shift_right_logical3A_321 : i32
      %roll3A_329 = tpu.dynamic_rotate %scan3A_314 by %sub3A_328 dim 1 : vector<512x128xf32>, i32 -> vector<512x128xf32>
      %roll3A_330 = tpu.dynamic_rotate %scan3A_314 by %shift_right_logical3A_321 dim 1 : vector<512x128xf32>, i32 -> vector<512x128xf32>
      %select_n3A_331 = arith.select %eq3A_326, %roll3A_329, %roll3A_330 : vector<512x128xi1>, vector<512x128xf32>
      %sub3A_332 = arith.constant 128 : i32
      %sub3A_333 = arith.subi %sub3A_332, %shift_right_logical3A_321 : i32
      %roll3A_334 = tpu.dynamic_rotate %scan3A_315 by %sub3A_333 dim 1 : vector<512x128xi32>, i32 -> vector<512x128xi32>
      %roll3A_335 = tpu.dynamic_rotate %scan3A_315 by %shift_right_logical3A_321 dim 1 : vector<512x128xi32>, i32 -> vector<512x128xi32>
      %select_n3A_336 = arith.select %eq3A_326, %roll3A_334, %roll3A_335 : vector<512x128xi1>, vector<512x128xi32>
      %gt3A_337 = arith.cmpf ogt, %scan3A_314, %select_n3A_331 : vector<512x128xf32>
      %eq3A_338 = arith.cmpf oeq, %scan3A_314, %select_n3A_331 : vector<512x128xf32>
      %lt3A_339 = arith.cmpi slt, %scan3A_315, %select_n3A_336 : vector<512x128xi32>
      %and3A_340 = arith.andi %eq3A_338, %lt3A_339 : vector<512x128xi1>
      %or3A_341 = arith.ori %gt3A_337, %and3A_340 : vector<512x128xi1>
      %eq3A_342 = arith.xori %eq3A_326, %or3A_341 : vector<512x128xi1>
      %eq3A_343 = arith.constant dense<true> : vector<512x128xi1>
      %eq3A_344 = arith.xori %eq3A_342, %eq3A_343 : vector<512x128xi1>
      %eq3A_345 = arith.xori %eq3A_79, %eq3A_344 : vector<512x128xi1>
      %eq3A_346 = arith.constant dense<true> : vector<512x128xi1>
      %eq3A_347 = arith.xori %eq3A_345, %eq3A_346 : vector<512x128xi1>
      %select_n3A_348 = arith.select %eq3A_347, %scan3A_314, %select_n3A_331 : vector<512x128xi1>, vector<512x128xf32>
      %select_n3A_349 = arith.select %eq3A_347, %scan3A_315, %select_n3A_336 : vector<512x128xi1>, vector<512x128xi32>
      scf.yield %select_n3A_348, %select_n3A_349 : vector<512x128xf32>, vector<512x128xi32>
    }
    %scan3A_85 = arith.constant 5 : i32
    %and3A_86 = arith.constant 64 : i32
    %and3A_87 = vector.broadcast %and3A_86 : i32 to vector<512x128xi32>
    %and3A_88 = arith.andi %add3A, %and3A_87 : vector<512x128xi32>
    %eq3A_89 = arith.constant 0 : i32
    %eq3A_90 = vector.broadcast %eq3A_89 : i32 to vector<512x128xi32>
    %eq3A_91 = arith.cmpi eq, %and3A_88, %eq3A_90 : vector<512x128xi32>
    %scan3A_92 = arith.constant 0 : i32
    %scan3A_93 = arith.constant 6 : i32
    %scan3A_94 = arith.addi %scan3A_92, %scan3A_93 : i32
    %scan3A_95 = arith.constant 1 : i32
    %scan3A_96:2 = scf.for %scan3A_313 = %scan3A_92 to %scan3A_94 step %scan3A_95 iter_args(%scan3A_314 = %scan3A_84#0, %scan3A_315 = %scan3A_84#1) -> (vector<512x128xf32>, vector<512x128xi32>)  : i32 {
      %sub3A_316 = arith.constant 5 : i32
      %sub3A_317 = arith.subi %sub3A_316, %scan3A_313 : i32
      %shift_left3A_318 = arith.constant 1 : i32
      %shift_left3A_319 = arith.shli %shift_left3A_318, %sub3A_317 : i32
      %shift_right_logical3A_320 = arith.constant 0 : i32
      %shift_right_logical3A_321 = arith.shrui %shift_left3A_319, %shift_right_logical3A_320 : i32
      %and3A_322 = vector.broadcast %shift_left3A_319 : i32 to vector<512x128xi32>
      %and3A_323 = arith.andi %add3A, %and3A_322 : vector<512x128xi32>
      %eq3A_324 = arith.constant 0 : i32
      %eq3A_325 = vector.broadcast %eq3A_324 : i32 to vector<512x128xi32>
      %eq3A_326 = arith.cmpi eq, %and3A_323, %eq3A_325 : vector<512x128xi32>
      %sub3A_327 = arith.constant 128 : i32
      %sub3A_328 = arith.subi %sub3A_327, %shift_right_logical3A_321 : i32
      %roll3A_329 = tpu.dynamic_rotate %scan3A_314 by %sub3A_328 dim 1 : vector<512x128xf32>, i32 -> vector<512x128xf32>
      %roll3A_330 = tpu.dynamic_rotate %scan3A_314 by %shift_right_logical3A_321 dim 1 : vector<512x128xf32>, i32 -> vector<512x128xf32>
      %select_n3A_331 = arith.select %eq3A_326, %roll3A_329, %roll3A_330 : vector<512x128xi1>, vector<512x128xf32>
      %sub3A_332 = arith.constant 128 : i32
      %sub3A_333 = arith.subi %sub3A_332, %shift_right_logical3A_321 : i32
      %roll3A_334 = tpu.dynamic_rotate %scan3A_315 by %sub3A_333 dim 1 : vector<512x128xi32>, i32 -> vector<512x128xi32>
      %roll3A_335 = tpu.dynamic_rotate %scan3A_315 by %shift_right_logical3A_321 dim 1 : vector<512x128xi32>, i32 -> vector<512x128xi32>
      %select_n3A_336 = arith.select %eq3A_326, %roll3A_334, %roll3A_335 : vector<512x128xi1>, vector<512x128xi32>
      %gt3A_337 = arith.cmpf ogt, %scan3A_314, %select_n3A_331 : vector<512x128xf32>
      %eq3A_338 = arith.cmpf oeq, %scan3A_314, %select_n3A_331 : vector<512x128xf32>
      %lt3A_339 = arith.cmpi slt, %scan3A_315, %select_n3A_336 : vector<512x128xi32>
      %and3A_340 = arith.andi %eq3A_338, %lt3A_339 : vector<512x128xi1>
      %or3A_341 = arith.ori %gt3A_337, %and3A_340 : vector<512x128xi1>
      %eq3A_342 = arith.xori %eq3A_326, %or3A_341 : vector<512x128xi1>
      %eq3A_343 = arith.constant dense<true> : vector<512x128xi1>
      %eq3A_344 = arith.xori %eq3A_342, %eq3A_343 : vector<512x128xi1>
      %eq3A_345 = arith.xori %eq3A_91, %eq3A_344 : vector<512x128xi1>
      %eq3A_346 = arith.constant dense<true> : vector<512x128xi1>
      %eq3A_347 = arith.xori %eq3A_345, %eq3A_346 : vector<512x128xi1>
      %select_n3A_348 = arith.select %eq3A_347, %scan3A_314, %select_n3A_331 : vector<512x128xi1>, vector<512x128xf32>
      %select_n3A_349 = arith.select %eq3A_347, %scan3A_315, %select_n3A_336 : vector<512x128xi1>, vector<512x128xi32>
      scf.yield %select_n3A_348, %select_n3A_349 : vector<512x128xf32>, vector<512x128xi32>
    }
    %scan3A_97 = arith.constant 6 : i32
    %and3A_98 = arith.constant 128 : i32
    %and3A_99 = vector.broadcast %and3A_98 : i32 to vector<512x128xi32>
    %and3A_100 = arith.andi %add3A, %and3A_99 : vector<512x128xi32>
    %eq3A_101 = arith.constant 0 : i32
    %eq3A_102 = vector.broadcast %eq3A_101 : i32 to vector<512x128xi32>
    %eq3A_103 = arith.cmpi eq, %and3A_100, %eq3A_102 : vector<512x128xi32>
    %scan3A_104 = arith.constant 0 : i32
    %scan3A_105 = arith.constant 7 : i32
    %scan3A_106 = arith.addi %scan3A_104, %scan3A_105 : i32
    %scan3A_107 = arith.constant 1 : i32
    %scan3A_108:2 = scf.for %scan3A_313 = %scan3A_104 to %scan3A_106 step %scan3A_107 iter_args(%scan3A_314 = %scan3A_96#0, %scan3A_315 = %scan3A_96#1) -> (vector<512x128xf32>, vector<512x128xi32>)  : i32 {
      %sub3A_316 = arith.constant 6 : i32
      %sub3A_317 = arith.subi %sub3A_316, %scan3A_313 : i32
      %shift_left3A_318 = arith.constant 1 : i32
      %shift_left3A_319 = arith.shli %shift_left3A_318, %sub3A_317 : i32
      %shift_right_logical3A_320 = arith.constant 0 : i32
      %shift_right_logical3A_321 = arith.shrui %shift_left3A_319, %shift_right_logical3A_320 : i32
      %and3A_322 = vector.broadcast %shift_left3A_319 : i32 to vector<512x128xi32>
      %and3A_323 = arith.andi %add3A, %and3A_322 : vector<512x128xi32>
      %eq3A_324 = arith.constant 0 : i32
      %eq3A_325 = vector.broadcast %eq3A_324 : i32 to vector<512x128xi32>
      %eq3A_326 = arith.cmpi eq, %and3A_323, %eq3A_325 : vector<512x128xi32>
      %sub3A_327 = arith.constant 128 : i32
      %sub3A_328 = arith.subi %sub3A_327, %shift_right_logical3A_321 : i32
      %roll3A_329 = tpu.dynamic_rotate %scan3A_314 by %sub3A_328 dim 1 : vector<512x128xf32>, i32 -> vector<512x128xf32>
      %roll3A_330 = tpu.dynamic_rotate %scan3A_314 by %shift_right_logical3A_321 dim 1 : vector<512x128xf32>, i32 -> vector<512x128xf32>
      %select_n3A_331 = arith.select %eq3A_326, %roll3A_329, %roll3A_330 : vector<512x128xi1>, vector<512x128xf32>
      %sub3A_332 = arith.constant 128 : i32
      %sub3A_333 = arith.subi %sub3A_332, %shift_right_logical3A_321 : i32
      %roll3A_334 = tpu.dynamic_rotate %scan3A_315 by %sub3A_333 dim 1 : vector<512x128xi32>, i32 -> vector<512x128xi32>
      %roll3A_335 = tpu.dynamic_rotate %scan3A_315 by %shift_right_logical3A_321 dim 1 : vector<512x128xi32>, i32 -> vector<512x128xi32>
      %select_n3A_336 = arith.select %eq3A_326, %roll3A_334, %roll3A_335 : vector<512x128xi1>, vector<512x128xi32>
      %gt3A_337 = arith.cmpf ogt, %scan3A_314, %select_n3A_331 : vector<512x128xf32>
      %eq3A_338 = arith.cmpf oeq, %scan3A_314, %select_n3A_331 : vector<512x128xf32>
      %lt3A_339 = arith.cmpi slt, %scan3A_315, %select_n3A_336 : vector<512x128xi32>
      %and3A_340 = arith.andi %eq3A_338, %lt3A_339 : vector<512x128xi1>
      %or3A_341 = arith.ori %gt3A_337, %and3A_340 : vector<512x128xi1>
      %eq3A_342 = arith.xori %eq3A_326, %or3A_341 : vector<512x128xi1>
      %eq3A_343 = arith.constant dense<true> : vector<512x128xi1>
      %eq3A_344 = arith.xori %eq3A_342, %eq3A_343 : vector<512x128xi1>
      %eq3A_345 = arith.xori %eq3A_103, %eq3A_344 : vector<512x128xi1>
      %eq3A_346 = arith.constant dense<true> : vector<512x128xi1>
      %eq3A_347 = arith.xori %eq3A_345, %eq3A_346 : vector<512x128xi1>
      %select_n3A_348 = arith.select %eq3A_347, %scan3A_314, %select_n3A_331 : vector<512x128xi1>, vector<512x128xf32>
      %select_n3A_349 = arith.select %eq3A_347, %scan3A_315, %select_n3A_336 : vector<512x128xi1>, vector<512x128xi32>
      scf.yield %select_n3A_348, %select_n3A_349 : vector<512x128xf32>, vector<512x128xi32>
    }
    %scan3A_109 = arith.constant 7 : i32
    %and3A_110 = arith.constant 256 : i32
    %and3A_111 = vector.broadcast %and3A_110 : i32 to vector<512x128xi32>
    %and3A_112 = arith.andi %add3A, %and3A_111 : vector<512x128xi32>
    %eq3A_113 = arith.constant 0 : i32
    %eq3A_114 = vector.broadcast %eq3A_113 : i32 to vector<512x128xi32>
    %eq3A_115 = arith.cmpi eq, %and3A_112, %eq3A_114 : vector<512x128xi32>
    %scan3A_116 = arith.constant 0 : i32
    %sub3A_117 = arith.constant 7 : i32
    %sub3A_118 = arith.subi %sub3A_117, %scan3A_116 : i32
    %shift_left3A_119 = arith.constant 1 : i32
    %shift_left3A_120 = arith.shli %shift_left3A_119, %sub3A_118 : i32
    %shift_right_logical3A_121 = arith.constant 7 : i32
    %shift_right_logical3A_122 = arith.shrui %shift_left3A_120, %shift_right_logical3A_121 : i32
    %and3A_123 = vector.broadcast %shift_left3A_120 : i32 to vector<512x128xi32>
    %and3A_124 = arith.andi %add3A, %and3A_123 : vector<512x128xi32>
    %eq3A_125 = arith.constant 0 : i32
    %eq3A_126 = vector.broadcast %eq3A_125 : i32 to vector<512x128xi32>
    %eq3A_127 = arith.cmpi eq, %and3A_124, %eq3A_126 : vector<512x128xi32>
    %sub3A_128 = arith.constant 512 : i32
    %sub3A_129 = arith.subi %sub3A_128, %shift_right_logical3A_122 : i32
    %roll3A_130 = tpu.dynamic_rotate %scan3A_108#0 by %sub3A_129 dim 0 : vector<512x128xf32>, i32 -> vector<512x128xf32>
    %roll3A_131 = tpu.dynamic_rotate %scan3A_108#0 by %shift_right_logical3A_122 dim 0 : vector<512x128xf32>, i32 -> vector<512x128xf32>
    %select_n3A_132 = arith.select %eq3A_127, %roll3A_130, %roll3A_131 : vector<512x128xi1>, vector<512x128xf32>
    %sub3A_133 = arith.constant 512 : i32
    %sub3A_134 = arith.subi %sub3A_133, %shift_right_logical3A_122 : i32
    %roll3A_135 = tpu.dynamic_rotate %scan3A_108#1 by %sub3A_134 dim 0 : vector<512x128xi32>, i32 -> vector<512x128xi32>
    %roll3A_136 = tpu.dynamic_rotate %scan3A_108#1 by %shift_right_logical3A_122 dim 0 : vector<512x128xi32>, i32 -> vector<512x128xi32>
    %select_n3A_137 = arith.select %eq3A_127, %roll3A_135, %roll3A_136 : vector<512x128xi1>, vector<512x128xi32>
    %gt3A_138 = arith.cmpf ogt, %scan3A_108#0, %select_n3A_132 : vector<512x128xf32>
    %eq3A_139 = arith.cmpf oeq, %scan3A_108#0, %select_n3A_132 : vector<512x128xf32>
    %lt3A_140 = arith.cmpi slt, %scan3A_108#1, %select_n3A_137 : vector<512x128xi32>
    %and3A_141 = arith.andi %eq3A_139, %lt3A_140 : vector<512x128xi1>
    %or3A_142 = arith.ori %gt3A_138, %and3A_141 : vector<512x128xi1>
    %eq3A_143 = arith.xori %eq3A_127, %or3A_142 : vector<512x128xi1>
    %eq3A_144 = arith.constant dense<true> : vector<512x128xi1>
    %eq3A_145 = arith.xori %eq3A_143, %eq3A_144 : vector<512x128xi1>
    %eq3A_146 = arith.xori %eq3A_115, %eq3A_145 : vector<512x128xi1>
    %eq3A_147 = arith.constant dense<true> : vector<512x128xi1>
    %eq3A_148 = arith.xori %eq3A_146, %eq3A_147 : vector<512x128xi1>
    %select_n3A_149 = arith.select %eq3A_148, %scan3A_108#0, %select_n3A_132 : vector<512x128xi1>, vector<512x128xf32>
    %select_n3A_150 = arith.select %eq3A_148, %scan3A_108#1, %select_n3A_137 : vector<512x128xi1>, vector<512x128xi32>
    %scan3A_151 = arith.constant 1 : i32
    %scan3A_152 = arith.constant 0 : i32
    %scan3A_153 = arith.constant 7 : i32
    %scan3A_154 = arith.addi %scan3A_152, %scan3A_153 : i32
    %scan3A_155 = arith.constant 1 : i32
    %scan3A_156:2 = scf.for %scan3A_313 = %scan3A_152 to %scan3A_154 step %scan3A_155 iter_args(%scan3A_314 = %select_n3A_149, %scan3A_315 = %select_n3A_150) -> (vector<512x128xf32>, vector<512x128xi32>)  : i32 {
      %sub3A_316 = arith.constant 6 : i32
      %sub3A_317 = arith.subi %sub3A_316, %scan3A_313 : i32
      %shift_left3A_318 = arith.constant 1 : i32
      %shift_left3A_319 = arith.shli %shift_left3A_318, %sub3A_317 : i32
      %shift_right_logical3A_320 = arith.constant 0 : i32
      %shift_right_logical3A_321 = arith.shrui %shift_left3A_319, %shift_right_logical3A_320 : i32
      %and3A_322 = vector.broadcast %shift_left3A_319 : i32 to vector<512x128xi32>
      %and3A_323 = arith.andi %add3A, %and3A_322 : vector<512x128xi32>
      %eq3A_324 = arith.constant 0 : i32
      %eq3A_325 = vector.broadcast %eq3A_324 : i32 to vector<512x128xi32>
      %eq3A_326 = arith.cmpi eq, %and3A_323, %eq3A_325 : vector<512x128xi32>
      %sub3A_327 = arith.constant 128 : i32
      %sub3A_328 = arith.subi %sub3A_327, %shift_right_logical3A_321 : i32
      %roll3A_329 = tpu.dynamic_rotate %scan3A_314 by %sub3A_328 dim 1 : vector<512x128xf32>, i32 -> vector<512x128xf32>
      %roll3A_330 = tpu.dynamic_rotate %scan3A_314 by %shift_right_logical3A_321 dim 1 : vector<512x128xf32>, i32 -> vector<512x128xf32>
      %select_n3A_331 = arith.select %eq3A_326, %roll3A_329, %roll3A_330 : vector<512x128xi1>, vector<512x128xf32>
      %sub3A_332 = arith.constant 128 : i32
      %sub3A_333 = arith.subi %sub3A_332, %shift_right_logical3A_321 : i32
      %roll3A_334 = tpu.dynamic_rotate %scan3A_315 by %sub3A_333 dim 1 : vector<512x128xi32>, i32 -> vector<512x128xi32>
      %roll3A_335 = tpu.dynamic_rotate %scan3A_315 by %shift_right_logical3A_321 dim 1 : vector<512x128xi32>, i32 -> vector<512x128xi32>
      %select_n3A_336 = arith.select %eq3A_326, %roll3A_334, %roll3A_335 : vector<512x128xi1>, vector<512x128xi32>
      %gt3A_337 = arith.cmpf ogt, %scan3A_314, %select_n3A_331 : vector<512x128xf32>
      %eq3A_338 = arith.cmpf oeq, %scan3A_314, %select_n3A_331 : vector<512x128xf32>
      %lt3A_339 = arith.cmpi slt, %scan3A_315, %select_n3A_336 : vector<512x128xi32>
      %and3A_340 = arith.andi %eq3A_338, %lt3A_339 : vector<512x128xi1>
      %or3A_341 = arith.ori %gt3A_337, %and3A_340 : vector<512x128xi1>
      %eq3A_342 = arith.xori %eq3A_326, %or3A_341 : vector<512x128xi1>
      %eq3A_343 = arith.constant dense<true> : vector<512x128xi1>
      %eq3A_344 = arith.xori %eq3A_342, %eq3A_343 : vector<512x128xi1>
      %eq3A_345 = arith.xori %eq3A_115, %eq3A_344 : vector<512x128xi1>
      %eq3A_346 = arith.constant dense<true> : vector<512x128xi1>
      %eq3A_347 = arith.xori %eq3A_345, %eq3A_346 : vector<512x128xi1>
      %select_n3A_348 = arith.select %eq3A_347, %scan3A_314, %select_n3A_331 : vector<512x128xi1>, vector<512x128xf32>
      %select_n3A_349 = arith.select %eq3A_347, %scan3A_315, %select_n3A_336 : vector<512x128xi1>, vector<512x128xi32>
      scf.yield %select_n3A_348, %select_n3A_349 : vector<512x128xf32>, vector<512x128xi32>
    }
    %scan3A_157 = arith.constant 7 : i32
    %and3A_158 = arith.constant 512 : i32
    %and3A_159 = vector.broadcast %and3A_158 : i32 to vector<512x128xi32>
    %and3A_160 = arith.andi %add3A, %and3A_159 : vector<512x128xi32>
    %eq3A_161 = arith.constant 0 : i32
    %eq3A_162 = vector.broadcast %eq3A_161 : i32 to vector<512x128xi32>
    %eq3A_163 = arith.cmpi eq, %and3A_160, %eq3A_162 : vector<512x128xi32>
    %scan3A_164 = arith.constant 0 : i32
    %scan3A_165 = arith.constant 2 : i32
    %scan3A_166 = arith.addi %scan3A_164, %scan3A_165 : i32
    %scan3A_167 = arith.constant 1 : i32
    %scan3A_168:2 = scf.for %scan3A_313 = %scan3A_164 to %scan3A_166 step %scan3A_167 iter_args(%scan3A_314 = %scan3A_156#0, %scan3A_315 = %scan3A_156#1) -> (vector<512x128xf32>, vector<512x128xi32>)  : i32 {
      %sub3A_316 = arith.constant 8 : i32
      %sub3A_317 = arith.subi %sub3A_316, %scan3A_313 : i32
      %shift_left3A_318 = arith.constant 1 : i32
      %shift_left3A_319 = arith.shli %shift_left3A_318, %sub3A_317 : i32
      %shift_right_logical3A_320 = arith.constant 7 : i32
      %shift_right_logical3A_321 = arith.shrui %shift_left3A_319, %shift_right_logical3A_320 : i32
      %and3A_322 = vector.broadcast %shift_left3A_319 : i32 to vector<512x128xi32>
      %and3A_323 = arith.andi %add3A, %and3A_322 : vector<512x128xi32>
      %eq3A_324 = arith.constant 0 : i32
      %eq3A_325 = vector.broadcast %eq3A_324 : i32 to vector<512x128xi32>
      %eq3A_326 = arith.cmpi eq, %and3A_323, %eq3A_325 : vector<512x128xi32>
      %sub3A_327 = arith.constant 512 : i32
      %sub3A_328 = arith.subi %sub3A_327, %shift_right_logical3A_321 : i32
      %roll3A_329 = tpu.dynamic_rotate %scan3A_314 by %sub3A_328 dim 0 : vector<512x128xf32>, i32 -> vector<512x128xf32>
      %roll3A_330 = tpu.dynamic_rotate %scan3A_314 by %shift_right_logical3A_321 dim 0 : vector<512x128xf32>, i32 -> vector<512x128xf32>
      %select_n3A_331 = arith.select %eq3A_326, %roll3A_329, %roll3A_330 : vector<512x128xi1>, vector<512x128xf32>
      %sub3A_332 = arith.constant 512 : i32
      %sub3A_333 = arith.subi %sub3A_332, %shift_right_logical3A_321 : i32
      %roll3A_334 = tpu.dynamic_rotate %scan3A_315 by %sub3A_333 dim 0 : vector<512x128xi32>, i32 -> vector<512x128xi32>
      %roll3A_335 = tpu.dynamic_rotate %scan3A_315 by %shift_right_logical3A_321 dim 0 : vector<512x128xi32>, i32 -> vector<512x128xi32>
      %select_n3A_336 = arith.select %eq3A_326, %roll3A_334, %roll3A_335 : vector<512x128xi1>, vector<512x128xi32>
      %gt3A_337 = arith.cmpf ogt, %scan3A_314, %select_n3A_331 : vector<512x128xf32>
      %eq3A_338 = arith.cmpf oeq, %scan3A_314, %select_n3A_331 : vector<512x128xf32>
      %lt3A_339 = arith.cmpi slt, %scan3A_315, %select_n3A_336 : vector<512x128xi32>
      %and3A_340 = arith.andi %eq3A_338, %lt3A_339 : vector<512x128xi1>
      %or3A_341 = arith.ori %gt3A_337, %and3A_340 : vector<512x128xi1>
      %eq3A_342 = arith.xori %eq3A_326, %or3A_341 : vector<512x128xi1>
      %eq3A_343 = arith.constant dense<true> : vector<512x128xi1>
      %eq3A_344 = arith.xori %eq3A_342, %eq3A_343 : vector<512x128xi1>
      %eq3A_345 = arith.xori %eq3A_163, %eq3A_344 : vector<512x128xi1>
      %eq3A_346 = arith.constant dense<true> : vector<512x128xi1>
      %eq3A_347 = arith.xori %eq3A_345, %eq3A_346 : vector<512x128xi1>
      %select_n3A_348 = arith.select %eq3A_347, %scan3A_314, %select_n3A_331 : vector<512x128xi1>, vector<512x128xf32>
      %select_n3A_349 = arith.select %eq3A_347, %scan3A_315, %select_n3A_336 : vector<512x128xi1>, vector<512x128xi32>
      scf.yield %select_n3A_348, %select_n3A_349 : vector<512x128xf32>, vector<512x128xi32>
    }
    %scan3A_169 = arith.constant 2 : i32
    %scan3A_170 = arith.constant 0 : i32
    %scan3A_171 = arith.constant 7 : i32
    %scan3A_172 = arith.addi %scan3A_170, %scan3A_171 : i32
    %scan3A_173 = arith.constant 1 : i32
    %scan3A_174:2 = scf.for %scan3A_313 = %scan3A_170 to %scan3A_172 step %scan3A_173 iter_args(%scan3A_314 = %scan3A_168#0, %scan3A_315 = %scan3A_168#1) -> (vector<512x128xf32>, vector<512x128xi32>)  : i32 {
      %sub3A_316 = arith.constant 6 : i32
      %sub3A_317 = arith.subi %sub3A_316, %scan3A_313 : i32
      %shift_left3A_318 = arith.constant 1 : i32
      %shift_left3A_319 = arith.shli %shift_left3A_318, %sub3A_317 : i32
      %shift_right_logical3A_320 = arith.constant 0 : i32
      %shift_right_logical3A_321 = arith.shrui %shift_left3A_319, %shift_right_logical3A_320 : i32
      %and3A_322 = vector.broadcast %shift_left3A_319 : i32 to vector<512x128xi32>
      %and3A_323 = arith.andi %add3A, %and3A_322 : vector<512x128xi32>
      %eq3A_324 = arith.constant 0 : i32
      %eq3A_325 = vector.broadcast %eq3A_324 : i32 to vector<512x128xi32>
      %eq3A_326 = arith.cmpi eq, %and3A_323, %eq3A_325 : vector<512x128xi32>
      %sub3A_327 = arith.constant 128 : i32
      %sub3A_328 = arith.subi %sub3A_327, %shift_right_logical3A_321 : i32
      %roll3A_329 = tpu.dynamic_rotate %scan3A_314 by %sub3A_328 dim 1 : vector<512x128xf32>, i32 -> vector<512x128xf32>
      %roll3A_330 = tpu.dynamic_rotate %scan3A_314 by %shift_right_logical3A_321 dim 1 : vector<512x128xf32>, i32 -> vector<512x128xf32>
      %select_n3A_331 = arith.select %eq3A_326, %roll3A_329, %roll3A_330 : vector<512x128xi1>, vector<512x128xf32>
      %sub3A_332 = arith.constant 128 : i32
      %sub3A_333 = arith.subi %sub3A_332, %shift_right_logical3A_321 : i32
      %roll3A_334 = tpu.dynamic_rotate %scan3A_315 by %sub3A_333 dim 1 : vector<512x128xi32>, i32 -> vector<512x128xi32>
      %roll3A_335 = tpu.dynamic_rotate %scan3A_315 by %shift_right_logical3A_321 dim 1 : vector<512x128xi32>, i32 -> vector<512x128xi32>
      %select_n3A_336 = arith.select %eq3A_326, %roll3A_334, %roll3A_335 : vector<512x128xi1>, vector<512x128xi32>
      %gt3A_337 = arith.cmpf ogt, %scan3A_314, %select_n3A_331 : vector<512x128xf32>
      %eq3A_338 = arith.cmpf oeq, %scan3A_314, %select_n3A_331 : vector<512x128xf32>
      %lt3A_339 = arith.cmpi slt, %scan3A_315, %select_n3A_336 : vector<512x128xi32>
      %and3A_340 = arith.andi %eq3A_338, %lt3A_339 : vector<512x128xi1>
      %or3A_341 = arith.ori %gt3A_337, %and3A_340 : vector<512x128xi1>
      %eq3A_342 = arith.xori %eq3A_326, %or3A_341 : vector<512x128xi1>
      %eq3A_343 = arith.constant dense<true> : vector<512x128xi1>
      %eq3A_344 = arith.xori %eq3A_342, %eq3A_343 : vector<512x128xi1>
      %eq3A_345 = arith.xori %eq3A_163, %eq3A_344 : vector<512x128xi1>
      %eq3A_346 = arith.constant dense<true> : vector<512x128xi1>
      %eq3A_347 = arith.xori %eq3A_345, %eq3A_346 : vector<512x128xi1>
      %select_n3A_348 = arith.select %eq3A_347, %scan3A_314, %select_n3A_331 : vector<512x128xi1>, vector<512x128xf32>
      %select_n3A_349 = arith.select %eq3A_347, %scan3A_315, %select_n3A_336 : vector<512x128xi1>, vector<512x128xi32>
      scf.yield %select_n3A_348, %select_n3A_349 : vector<512x128xf32>, vector<512x128xi32>
    }
    %scan3A_175 = arith.constant 7 : i32
    %and3A_176 = arith.constant 1024 : i32
    %and3A_177 = vector.broadcast %and3A_176 : i32 to vector<512x128xi32>
    %and3A_178 = arith.andi %add3A, %and3A_177 : vector<512x128xi32>
    %eq3A_179 = arith.constant 0 : i32
    %eq3A_180 = vector.broadcast %eq3A_179 : i32 to vector<512x128xi32>
    %eq3A_181 = arith.cmpi eq, %and3A_178, %eq3A_180 : vector<512x128xi32>
    %scan3A_182 = arith.constant 0 : i32
    %scan3A_183 = arith.constant 3 : i32
    %scan3A_184 = arith.addi %scan3A_182, %scan3A_183 : i32
    %scan3A_185 = arith.constant 1 : i32
    %scan3A_186:2 = scf.for %scan3A_313 = %scan3A_182 to %scan3A_184 step %scan3A_185 iter_args(%scan3A_314 = %scan3A_174#0, %scan3A_315 = %scan3A_174#1) -> (vector<512x128xf32>, vector<512x128xi32>)  : i32 {
      %sub3A_316 = arith.constant 9 : i32
      %sub3A_317 = arith.subi %sub3A_316, %scan3A_313 : i32
      %shift_left3A_318 = arith.constant 1 : i32
      %shift_left3A_319 = arith.shli %shift_left3A_318, %sub3A_317 : i32
      %shift_right_logical3A_320 = arith.constant 7 : i32
      %shift_right_logical3A_321 = arith.shrui %shift_left3A_319, %shift_right_logical3A_320 : i32
      %and3A_322 = vector.broadcast %shift_left3A_319 : i32 to vector<512x128xi32>
      %and3A_323 = arith.andi %add3A, %and3A_322 : vector<512x128xi32>
      %eq3A_324 = arith.constant 0 : i32
      %eq3A_325 = vector.broadcast %eq3A_324 : i32 to vector<512x128xi32>
      %eq3A_326 = arith.cmpi eq, %and3A_323, %eq3A_325 : vector<512x128xi32>
      %sub3A_327 = arith.constant 512 : i32
      %sub3A_328 = arith.subi %sub3A_327, %shift_right_logical3A_321 : i32
      %roll3A_329 = tpu.dynamic_rotate %scan3A_314 by %sub3A_328 dim 0 : vector<512x128xf32>, i32 -> vector<512x128xf32>
      %roll3A_330 = tpu.dynamic_rotate %scan3A_314 by %shift_right_logical3A_321 dim 0 : vector<512x128xf32>, i32 -> vector<512x128xf32>
      %select_n3A_331 = arith.select %eq3A_326, %roll3A_329, %roll3A_330 : vector<512x128xi1>, vector<512x128xf32>
      %sub3A_332 = arith.constant 512 : i32
      %sub3A_333 = arith.subi %sub3A_332, %shift_right_logical3A_321 : i32
      %roll3A_334 = tpu.dynamic_rotate %scan3A_315 by %sub3A_333 dim 0 : vector<512x128xi32>, i32 -> vector<512x128xi32>
      %roll3A_335 = tpu.dynamic_rotate %scan3A_315 by %shift_right_logical3A_321 dim 0 : vector<512x128xi32>, i32 -> vector<512x128xi32>
      %select_n3A_336 = arith.select %eq3A_326, %roll3A_334, %roll3A_335 : vector<512x128xi1>, vector<512x128xi32>
      %gt3A_337 = arith.cmpf ogt, %scan3A_314, %select_n3A_331 : vector<512x128xf32>
      %eq3A_338 = arith.cmpf oeq, %scan3A_314, %select_n3A_331 : vector<512x128xf32>
      %lt3A_339 = arith.cmpi slt, %scan3A_315, %select_n3A_336 : vector<512x128xi32>
      %and3A_340 = arith.andi %eq3A_338, %lt3A_339 : vector<512x128xi1>
      %or3A_341 = arith.ori %gt3A_337, %and3A_340 : vector<512x128xi1>
      %eq3A_342 = arith.xori %eq3A_326, %or3A_341 : vector<512x128xi1>
      %eq3A_343 = arith.constant dense<true> : vector<512x128xi1>
      %eq3A_344 = arith.xori %eq3A_342, %eq3A_343 : vector<512x128xi1>
      %eq3A_345 = arith.xori %eq3A_181, %eq3A_344 : vector<512x128xi1>
      %eq3A_346 = arith.constant dense<true> : vector<512x128xi1>
      %eq3A_347 = arith.xori %eq3A_345, %eq3A_346 : vector<512x128xi1>
      %select_n3A_348 = arith.select %eq3A_347, %scan3A_314, %select_n3A_331 : vector<512x128xi1>, vector<512x128xf32>
      %select_n3A_349 = arith.select %eq3A_347, %scan3A_315, %select_n3A_336 : vector<512x128xi1>, vector<512x128xi32>
      scf.yield %select_n3A_348, %select_n3A_349 : vector<512x128xf32>, vector<512x128xi32>
    }
    %scan3A_187 = arith.constant 3 : i32
    %scan3A_188 = arith.constant 0 : i32
    %scan3A_189 = arith.constant 7 : i32
    %scan3A_190 = arith.addi %scan3A_188, %scan3A_189 : i32
    %scan3A_191 = arith.constant 1 : i32
    %scan3A_192:2 = scf.for %scan3A_313 = %scan3A_188 to %scan3A_190 step %scan3A_191 iter_args(%scan3A_314 = %scan3A_186#0, %scan3A_315 = %scan3A_186#1) -> (vector<512x128xf32>, vector<512x128xi32>)  : i32 {
      %sub3A_316 = arith.constant 6 : i32
      %sub3A_317 = arith.subi %sub3A_316, %scan3A_313 : i32
      %shift_left3A_318 = arith.constant 1 : i32
      %shift_left3A_319 = arith.shli %shift_left3A_318, %sub3A_317 : i32
      %shift_right_logical3A_320 = arith.constant 0 : i32
      %shift_right_logical3A_321 = arith.shrui %shift_left3A_319, %shift_right_logical3A_320 : i32
      %and3A_322 = vector.broadcast %shift_left3A_319 : i32 to vector<512x128xi32>
      %and3A_323 = arith.andi %add3A, %and3A_322 : vector<512x128xi32>
      %eq3A_324 = arith.constant 0 : i32
      %eq3A_325 = vector.broadcast %eq3A_324 : i32 to vector<512x128xi32>
      %eq3A_326 = arith.cmpi eq, %and3A_323, %eq3A_325 : vector<512x128xi32>
      %sub3A_327 = arith.constant 128 : i32
      %sub3A_328 = arith.subi %sub3A_327, %shift_right_logical3A_321 : i32
      %roll3A_329 = tpu.dynamic_rotate %scan3A_314 by %sub3A_328 dim 1 : vector<512x128xf32>, i32 -> vector<512x128xf32>
      %roll3A_330 = tpu.dynamic_rotate %scan3A_314 by %shift_right_logical3A_321 dim 1 : vector<512x128xf32>, i32 -> vector<512x128xf32>
      %select_n3A_331 = arith.select %eq3A_326, %roll3A_329, %roll3A_330 : vector<512x128xi1>, vector<512x128xf32>
      %sub3A_332 = arith.constant 128 : i32
      %sub3A_333 = arith.subi %sub3A_332, %shift_right_logical3A_321 : i32
      %roll3A_334 = tpu.dynamic_rotate %scan3A_315 by %sub3A_333 dim 1 : vector<512x128xi32>, i32 -> vector<512x128xi32>
      %roll3A_335 = tpu.dynamic_rotate %scan3A_315 by %shift_right_logical3A_321 dim 1 : vector<512x128xi32>, i32 -> vector<512x128xi32>
      %select_n3A_336 = arith.select %eq3A_326, %roll3A_334, %roll3A_335 : vector<512x128xi1>, vector<512x128xi32>
      %gt3A_337 = arith.cmpf ogt, %scan3A_314, %select_n3A_331 : vector<512x128xf32>
      %eq3A_338 = arith.cmpf oeq, %scan3A_314, %select_n3A_331 : vector<512x128xf32>
      %lt3A_339 = arith.cmpi slt, %scan3A_315, %select_n3A_336 : vector<512x128xi32>
      %and3A_340 = arith.andi %eq3A_338, %lt3A_339 : vector<512x128xi1>
      %or3A_341 = arith.ori %gt3A_337, %and3A_340 : vector<512x128xi1>
      %eq3A_342 = arith.xori %eq3A_326, %or3A_341 : vector<512x128xi1>
      %eq3A_343 = arith.constant dense<true> : vector<512x128xi1>
      %eq3A_344 = arith.xori %eq3A_342, %eq3A_343 : vector<512x128xi1>
      %eq3A_345 = arith.xori %eq3A_181, %eq3A_344 : vector<512x128xi1>
      %eq3A_346 = arith.constant dense<true> : vector<512x128xi1>
      %eq3A_347 = arith.xori %eq3A_345, %eq3A_346 : vector<512x128xi1>
      %select_n3A_348 = arith.select %eq3A_347, %scan3A_314, %select_n3A_331 : vector<512x128xi1>, vector<512x128xf32>
      %select_n3A_349 = arith.select %eq3A_347, %scan3A_315, %select_n3A_336 : vector<512x128xi1>, vector<512x128xi32>
      scf.yield %select_n3A_348, %select_n3A_349 : vector<512x128xf32>, vector<512x128xi32>
    }
    %scan3A_193 = arith.constant 7 : i32
    %and3A_194 = arith.constant 2048 : i32
    %and3A_195 = vector.broadcast %and3A_194 : i32 to vector<512x128xi32>
    %and3A_196 = arith.andi %add3A, %and3A_195 : vector<512x128xi32>
    %eq3A_197 = arith.constant 0 : i32
    %eq3A_198 = vector.broadcast %eq3A_197 : i32 to vector<512x128xi32>
    %eq3A_199 = arith.cmpi eq, %and3A_196, %eq3A_198 : vector<512x128xi32>
    %scan3A_200 = arith.constant 0 : i32
    %scan3A_201 = arith.constant 4 : i32
    %scan3A_202 = arith.addi %scan3A_200, %scan3A_201 : i32
    %scan3A_203 = arith.constant 1 : i32
    %scan3A_204:2 = scf.for %scan3A_313 = %scan3A_200 to %scan3A_202 step %scan3A_203 iter_args(%scan3A_314 = %scan3A_192#0, %scan3A_315 = %scan3A_192#1) -> (vector<512x128xf32>, vector<512x128xi32>)  : i32 {
      %sub3A_316 = arith.constant 10 : i32
      %sub3A_317 = arith.subi %sub3A_316, %scan3A_313 : i32
      %shift_left3A_318 = arith.constant 1 : i32
      %shift_left3A_319 = arith.shli %shift_left3A_318, %sub3A_317 : i32
      %shift_right_logical3A_320 = arith.constant 7 : i32
      %shift_right_logical3A_321 = arith.shrui %shift_left3A_319, %shift_right_logical3A_320 : i32
      %and3A_322 = vector.broadcast %shift_left3A_319 : i32 to vector<512x128xi32>
      %and3A_323 = arith.andi %add3A, %and3A_322 : vector<512x128xi32>
      %eq3A_324 = arith.constant 0 : i32
      %eq3A_325 = vector.broadcast %eq3A_324 : i32 to vector<512x128xi32>
      %eq3A_326 = arith.cmpi eq, %and3A_323, %eq3A_325 : vector<512x128xi32>
      %sub3A_327 = arith.constant 512 : i32
      %sub3A_328 = arith.subi %sub3A_327, %shift_right_logical3A_321 : i32
      %roll3A_329 = tpu.dynamic_rotate %scan3A_314 by %sub3A_328 dim 0 : vector<512x128xf32>, i32 -> vector<512x128xf32>
      %roll3A_330 = tpu.dynamic_rotate %scan3A_314 by %shift_right_logical3A_321 dim 0 : vector<512x128xf32>, i32 -> vector<512x128xf32>
      %select_n3A_331 = arith.select %eq3A_326, %roll3A_329, %roll3A_330 : vector<512x128xi1>, vector<512x128xf32>
      %sub3A_332 = arith.constant 512 : i32
      %sub3A_333 = arith.subi %sub3A_332, %shift_right_logical3A_321 : i32
      %roll3A_334 = tpu.dynamic_rotate %scan3A_315 by %sub3A_333 dim 0 : vector<512x128xi32>, i32 -> vector<512x128xi32>
      %roll3A_335 = tpu.dynamic_rotate %scan3A_315 by %shift_right_logical3A_321 dim 0 : vector<512x128xi32>, i32 -> vector<512x128xi32>
      %select_n3A_336 = arith.select %eq3A_326, %roll3A_334, %roll3A_335 : vector<512x128xi1>, vector<512x128xi32>
      %gt3A_337 = arith.cmpf ogt, %scan3A_314, %select_n3A_331 : vector<512x128xf32>
      %eq3A_338 = arith.cmpf oeq, %scan3A_314, %select_n3A_331 : vector<512x128xf32>
      %lt3A_339 = arith.cmpi slt, %scan3A_315, %select_n3A_336 : vector<512x128xi32>
      %and3A_340 = arith.andi %eq3A_338, %lt3A_339 : vector<512x128xi1>
      %or3A_341 = arith.ori %gt3A_337, %and3A_340 : vector<512x128xi1>
      %eq3A_342 = arith.xori %eq3A_326, %or3A_341 : vector<512x128xi1>
      %eq3A_343 = arith.constant dense<true> : vector<512x128xi1>
      %eq3A_344 = arith.xori %eq3A_342, %eq3A_343 : vector<512x128xi1>
      %eq3A_345 = arith.xori %eq3A_199, %eq3A_344 : vector<512x128xi1>
      %eq3A_346 = arith.constant dense<true> : vector<512x128xi1>
      %eq3A_347 = arith.xori %eq3A_345, %eq3A_346 : vector<512x128xi1>
      %select_n3A_348 = arith.select %eq3A_347, %scan3A_314, %select_n3A_331 : vector<512x128xi1>, vector<512x128xf32>
      %select_n3A_349 = arith.select %eq3A_347, %scan3A_315, %select_n3A_336 : vector<512x128xi1>, vector<512x128xi32>
      scf.yield %select_n3A_348, %select_n3A_349 : vector<512x128xf32>, vector<512x128xi32>
    }
    %scan3A_205 = arith.constant 4 : i32
    %scan3A_206 = arith.constant 0 : i32
    %scan3A_207 = arith.constant 7 : i32
    %scan3A_208 = arith.addi %scan3A_206, %scan3A_207 : i32
    %scan3A_209 = arith.constant 1 : i32
    %scan3A_210:2 = scf.for %scan3A_313 = %scan3A_206 to %scan3A_208 step %scan3A_209 iter_args(%scan3A_314 = %scan3A_204#0, %scan3A_315 = %scan3A_204#1) -> (vector<512x128xf32>, vector<512x128xi32>)  : i32 {
      %sub3A_316 = arith.constant 6 : i32
      %sub3A_317 = arith.subi %sub3A_316, %scan3A_313 : i32
      %shift_left3A_318 = arith.constant 1 : i32
      %shift_left3A_319 = arith.shli %shift_left3A_318, %sub3A_317 : i32
      %shift_right_logical3A_320 = arith.constant 0 : i32
      %shift_right_logical3A_321 = arith.shrui %shift_left3A_319, %shift_right_logical3A_320 : i32
      %and3A_322 = vector.broadcast %shift_left3A_319 : i32 to vector<512x128xi32>
      %and3A_323 = arith.andi %add3A, %and3A_322 : vector<512x128xi32>
      %eq3A_324 = arith.constant 0 : i32
      %eq3A_325 = vector.broadcast %eq3A_324 : i32 to vector<512x128xi32>
      %eq3A_326 = arith.cmpi eq, %and3A_323, %eq3A_325 : vector<512x128xi32>
      %sub3A_327 = arith.constant 128 : i32
      %sub3A_328 = arith.subi %sub3A_327, %shift_right_logical3A_321 : i32
      %roll3A_329 = tpu.dynamic_rotate %scan3A_314 by %sub3A_328 dim 1 : vector<512x128xf32>, i32 -> vector<512x128xf32>
      %roll3A_330 = tpu.dynamic_rotate %scan3A_314 by %shift_right_logical3A_321 dim 1 : vector<512x128xf32>, i32 -> vector<512x128xf32>
      %select_n3A_331 = arith.select %eq3A_326, %roll3A_329, %roll3A_330 : vector<512x128xi1>, vector<512x128xf32>
      %sub3A_332 = arith.constant 128 : i32
      %sub3A_333 = arith.subi %sub3A_332, %shift_right_logical3A_321 : i32
      %roll3A_334 = tpu.dynamic_rotate %scan3A_315 by %sub3A_333 dim 1 : vector<512x128xi32>, i32 -> vector<512x128xi32>
      %roll3A_335 = tpu.dynamic_rotate %scan3A_315 by %shift_right_logical3A_321 dim 1 : vector<512x128xi32>, i32 -> vector<512x128xi32>
      %select_n3A_336 = arith.select %eq3A_326, %roll3A_334, %roll3A_335 : vector<512x128xi1>, vector<512x128xi32>
      %gt3A_337 = arith.cmpf ogt, %scan3A_314, %select_n3A_331 : vector<512x128xf32>
      %eq3A_338 = arith.cmpf oeq, %scan3A_314, %select_n3A_331 : vector<512x128xf32>
      %lt3A_339 = arith.cmpi slt, %scan3A_315, %select_n3A_336 : vector<512x128xi32>
      %and3A_340 = arith.andi %eq3A_338, %lt3A_339 : vector<512x128xi1>
      %or3A_341 = arith.ori %gt3A_337, %and3A_340 : vector<512x128xi1>
      %eq3A_342 = arith.xori %eq3A_326, %or3A_341 : vector<512x128xi1>
      %eq3A_343 = arith.constant dense<true> : vector<512x128xi1>
      %eq3A_344 = arith.xori %eq3A_342, %eq3A_343 : vector<512x128xi1>
      %eq3A_345 = arith.xori %eq3A_199, %eq3A_344 : vector<512x128xi1>
      %eq3A_346 = arith.constant dense<true> : vector<512x128xi1>
      %eq3A_347 = arith.xori %eq3A_345, %eq3A_346 : vector<512x128xi1>
      %select_n3A_348 = arith.select %eq3A_347, %scan3A_314, %select_n3A_331 : vector<512x128xi1>, vector<512x128xf32>
      %select_n3A_349 = arith.select %eq3A_347, %scan3A_315, %select_n3A_336 : vector<512x128xi1>, vector<512x128xi32>
      scf.yield %select_n3A_348, %select_n3A_349 : vector<512x128xf32>, vector<512x128xi32>
    }
    %scan3A_211 = arith.constant 7 : i32
    %and3A_212 = arith.constant 4096 : i32
    %and3A_213 = vector.broadcast %and3A_212 : i32 to vector<512x128xi32>
    %and3A_214 = arith.andi %add3A, %and3A_213 : vector<512x128xi32>
    %eq3A_215 = arith.constant 0 : i32
    %eq3A_216 = vector.broadcast %eq3A_215 : i32 to vector<512x128xi32>
    %eq3A_217 = arith.cmpi eq, %and3A_214, %eq3A_216 : vector<512x128xi32>
    %scan3A_218 = arith.constant 0 : i32
    %scan3A_219 = arith.constant 5 : i32
    %scan3A_220 = arith.addi %scan3A_218, %scan3A_219 : i32
    %scan3A_221 = arith.constant 1 : i32
    %scan3A_222:2 = scf.for %scan3A_313 = %scan3A_218 to %scan3A_220 step %scan3A_221 iter_args(%scan3A_314 = %scan3A_210#0, %scan3A_315 = %scan3A_210#1) -> (vector<512x128xf32>, vector<512x128xi32>)  : i32 {
      %sub3A_316 = arith.constant 11 : i32
      %sub3A_317 = arith.subi %sub3A_316, %scan3A_313 : i32
      %shift_left3A_318 = arith.constant 1 : i32
      %shift_left3A_319 = arith.shli %shift_left3A_318, %sub3A_317 : i32
      %shift_right_logical3A_320 = arith.constant 7 : i32
      %shift_right_logical3A_321 = arith.shrui %shift_left3A_319, %shift_right_logical3A_320 : i32
      %and3A_322 = vector.broadcast %shift_left3A_319 : i32 to vector<512x128xi32>
      %and3A_323 = arith.andi %add3A, %and3A_322 : vector<512x128xi32>
      %eq3A_324 = arith.constant 0 : i32
      %eq3A_325 = vector.broadcast %eq3A_324 : i32 to vector<512x128xi32>
      %eq3A_326 = arith.cmpi eq, %and3A_323, %eq3A_325 : vector<512x128xi32>
      %sub3A_327 = arith.constant 512 : i32
      %sub3A_328 = arith.subi %sub3A_327, %shift_right_logical3A_321 : i32
      %roll3A_329 = tpu.dynamic_rotate %scan3A_314 by %sub3A_328 dim 0 : vector<512x128xf32>, i32 -> vector<512x128xf32>
      %roll3A_330 = tpu.dynamic_rotate %scan3A_314 by %shift_right_logical3A_321 dim 0 : vector<512x128xf32>, i32 -> vector<512x128xf32>
      %select_n3A_331 = arith.select %eq3A_326, %roll3A_329, %roll3A_330 : vector<512x128xi1>, vector<512x128xf32>
      %sub3A_332 = arith.constant 512 : i32
      %sub3A_333 = arith.subi %sub3A_332, %shift_right_logical3A_321 : i32
      %roll3A_334 = tpu.dynamic_rotate %scan3A_315 by %sub3A_333 dim 0 : vector<512x128xi32>, i32 -> vector<512x128xi32>
      %roll3A_335 = tpu.dynamic_rotate %scan3A_315 by %shift_right_logical3A_321 dim 0 : vector<512x128xi32>, i32 -> vector<512x128xi32>
      %select_n3A_336 = arith.select %eq3A_326, %roll3A_334, %roll3A_335 : vector<512x128xi1>, vector<512x128xi32>
      %gt3A_337 = arith.cmpf ogt, %scan3A_314, %select_n3A_331 : vector<512x128xf32>
      %eq3A_338 = arith.cmpf oeq, %scan3A_314, %select_n3A_331 : vector<512x128xf32>
      %lt3A_339 = arith.cmpi slt, %scan3A_315, %select_n3A_336 : vector<512x128xi32>
      %and3A_340 = arith.andi %eq3A_338, %lt3A_339 : vector<512x128xi1>
      %or3A_341 = arith.ori %gt3A_337, %and3A_340 : vector<512x128xi1>
      %eq3A_342 = arith.xori %eq3A_326, %or3A_341 : vector<512x128xi1>
      %eq3A_343 = arith.constant dense<true> : vector<512x128xi1>
      %eq3A_344 = arith.xori %eq3A_342, %eq3A_343 : vector<512x128xi1>
      %eq3A_345 = arith.xori %eq3A_217, %eq3A_344 : vector<512x128xi1>
      %eq3A_346 = arith.constant dense<true> : vector<512x128xi1>
      %eq3A_347 = arith.xori %eq3A_345, %eq3A_346 : vector<512x128xi1>
      %select_n3A_348 = arith.select %eq3A_347, %scan3A_314, %select_n3A_331 : vector<512x128xi1>, vector<512x128xf32>
      %select_n3A_349 = arith.select %eq3A_347, %scan3A_315, %select_n3A_336 : vector<512x128xi1>, vector<512x128xi32>
      scf.yield %select_n3A_348, %select_n3A_349 : vector<512x128xf32>, vector<512x128xi32>
    }
    %scan3A_223 = arith.constant 5 : i32
    %scan3A_224 = arith.constant 0 : i32
    %scan3A_225 = arith.constant 7 : i32
    %scan3A_226 = arith.addi %scan3A_224, %scan3A_225 : i32
    %scan3A_227 = arith.constant 1 : i32
    %scan3A_228:2 = scf.for %scan3A_313 = %scan3A_224 to %scan3A_226 step %scan3A_227 iter_args(%scan3A_314 = %scan3A_222#0, %scan3A_315 = %scan3A_222#1) -> (vector<512x128xf32>, vector<512x128xi32>)  : i32 {
      %sub3A_316 = arith.constant 6 : i32
      %sub3A_317 = arith.subi %sub3A_316, %scan3A_313 : i32
      %shift_left3A_318 = arith.constant 1 : i32
      %shift_left3A_319 = arith.shli %shift_left3A_318, %sub3A_317 : i32
      %shift_right_logical3A_320 = arith.constant 0 : i32
      %shift_right_logical3A_321 = arith.shrui %shift_left3A_319, %shift_right_logical3A_320 : i32
      %and3A_322 = vector.broadcast %shift_left3A_319 : i32 to vector<512x128xi32>
      %and3A_323 = arith.andi %add3A, %and3A_322 : vector<512x128xi32>
      %eq3A_324 = arith.constant 0 : i32
      %eq3A_325 = vector.broadcast %eq3A_324 : i32 to vector<512x128xi32>
      %eq3A_326 = arith.cmpi eq, %and3A_323, %eq3A_325 : vector<512x128xi32>
      %sub3A_327 = arith.constant 128 : i32
      %sub3A_328 = arith.subi %sub3A_327, %shift_right_logical3A_321 : i32
      %roll3A_329 = tpu.dynamic_rotate %scan3A_314 by %sub3A_328 dim 1 : vector<512x128xf32>, i32 -> vector<512x128xf32>
      %roll3A_330 = tpu.dynamic_rotate %scan3A_314 by %shift_right_logical3A_321 dim 1 : vector<512x128xf32>, i32 -> vector<512x128xf32>
      %select_n3A_331 = arith.select %eq3A_326, %roll3A_329, %roll3A_330 : vector<512x128xi1>, vector<512x128xf32>
      %sub3A_332 = arith.constant 128 : i32
      %sub3A_333 = arith.subi %sub3A_332, %shift_right_logical3A_321 : i32
      %roll3A_334 = tpu.dynamic_rotate %scan3A_315 by %sub3A_333 dim 1 : vector<512x128xi32>, i32 -> vector<512x128xi32>
      %roll3A_335 = tpu.dynamic_rotate %scan3A_315 by %shift_right_logical3A_321 dim 1 : vector<512x128xi32>, i32 -> vector<512x128xi32>
      %select_n3A_336 = arith.select %eq3A_326, %roll3A_334, %roll3A_335 : vector<512x128xi1>, vector<512x128xi32>
      %gt3A_337 = arith.cmpf ogt, %scan3A_314, %select_n3A_331 : vector<512x128xf32>
      %eq3A_338 = arith.cmpf oeq, %scan3A_314, %select_n3A_331 : vector<512x128xf32>
      %lt3A_339 = arith.cmpi slt, %scan3A_315, %select_n3A_336 : vector<512x128xi32>
      %and3A_340 = arith.andi %eq3A_338, %lt3A_339 : vector<512x128xi1>
      %or3A_341 = arith.ori %gt3A_337, %and3A_340 : vector<512x128xi1>
      %eq3A_342 = arith.xori %eq3A_326, %or3A_341 : vector<512x128xi1>
      %eq3A_343 = arith.constant dense<true> : vector<512x128xi1>
      %eq3A_344 = arith.xori %eq3A_342, %eq3A_343 : vector<512x128xi1>
      %eq3A_345 = arith.xori %eq3A_217, %eq3A_344 : vector<512x128xi1>
      %eq3A_346 = arith.constant dense<true> : vector<512x128xi1>
      %eq3A_347 = arith.xori %eq3A_345, %eq3A_346 : vector<512x128xi1>
      %select_n3A_348 = arith.select %eq3A_347, %scan3A_314, %select_n3A_331 : vector<512x128xi1>, vector<512x128xf32>
      %select_n3A_349 = arith.select %eq3A_347, %scan3A_315, %select_n3A_336 : vector<512x128xi1>, vector<512x128xi32>
      scf.yield %select_n3A_348, %select_n3A_349 : vector<512x128xf32>, vector<512x128xi32>
    }
    %scan3A_229 = arith.constant 7 : i32
    %and3A_230 = arith.constant 8192 : i32
    %and3A_231 = vector.broadcast %and3A_230 : i32 to vector<512x128xi32>
    %and3A_232 = arith.andi %add3A, %and3A_231 : vector<512x128xi32>
    %eq3A_233 = arith.constant 0 : i32
    %eq3A_234 = vector.broadcast %eq3A_233 : i32 to vector<512x128xi32>
    %eq3A_235 = arith.cmpi eq, %and3A_232, %eq3A_234 : vector<512x128xi32>
    %scan3A_236 = arith.constant 0 : i32
    %scan3A_237 = arith.constant 6 : i32
    %scan3A_238 = arith.addi %scan3A_236, %scan3A_237 : i32
    %scan3A_239 = arith.constant 1 : i32
    %scan3A_240:2 = scf.for %scan3A_313 = %scan3A_236 to %scan3A_238 step %scan3A_239 iter_args(%scan3A_314 = %scan3A_228#0, %scan3A_315 = %scan3A_228#1) -> (vector<512x128xf32>, vector<512x128xi32>)  : i32 {
      %sub3A_316 = arith.constant 12 : i32
      %sub3A_317 = arith.subi %sub3A_316, %scan3A_313 : i32
      %shift_left3A_318 = arith.constant 1 : i32
      %shift_left3A_319 = arith.shli %shift_left3A_318, %sub3A_317 : i32
      %shift_right_logical3A_320 = arith.constant 7 : i32
      %shift_right_logical3A_321 = arith.shrui %shift_left3A_319, %shift_right_logical3A_320 : i32
      %and3A_322 = vector.broadcast %shift_left3A_319 : i32 to vector<512x128xi32>
      %and3A_323 = arith.andi %add3A, %and3A_322 : vector<512x128xi32>
      %eq3A_324 = arith.constant 0 : i32
      %eq3A_325 = vector.broadcast %eq3A_324 : i32 to vector<512x128xi32>
      %eq3A_326 = arith.cmpi eq, %and3A_323, %eq3A_325 : vector<512x128xi32>
      %sub3A_327 = arith.constant 512 : i32
      %sub3A_328 = arith.subi %sub3A_327, %shift_right_logical3A_321 : i32
      %roll3A_329 = tpu.dynamic_rotate %scan3A_314 by %sub3A_328 dim 0 : vector<512x128xf32>, i32 -> vector<512x128xf32>
      %roll3A_330 = tpu.dynamic_rotate %scan3A_314 by %shift_right_logical3A_321 dim 0 : vector<512x128xf32>, i32 -> vector<512x128xf32>
      %select_n3A_331 = arith.select %eq3A_326, %roll3A_329, %roll3A_330 : vector<512x128xi1>, vector<512x128xf32>
      %sub3A_332 = arith.constant 512 : i32
      %sub3A_333 = arith.subi %sub3A_332, %shift_right_logical3A_321 : i32
      %roll3A_334 = tpu.dynamic_rotate %scan3A_315 by %sub3A_333 dim 0 : vector<512x128xi32>, i32 -> vector<512x128xi32>
      %roll3A_335 = tpu.dynamic_rotate %scan3A_315 by %shift_right_logical3A_321 dim 0 : vector<512x128xi32>, i32 -> vector<512x128xi32>
      %select_n3A_336 = arith.select %eq3A_326, %roll3A_334, %roll3A_335 : vector<512x128xi1>, vector<512x128xi32>
      %gt3A_337 = arith.cmpf ogt, %scan3A_314, %select_n3A_331 : vector<512x128xf32>
      %eq3A_338 = arith.cmpf oeq, %scan3A_314, %select_n3A_331 : vector<512x128xf32>
      %lt3A_339 = arith.cmpi slt, %scan3A_315, %select_n3A_336 : vector<512x128xi32>
      %and3A_340 = arith.andi %eq3A_338, %lt3A_339 : vector<512x128xi1>
      %or3A_341 = arith.ori %gt3A_337, %and3A_340 : vector<512x128xi1>
      %eq3A_342 = arith.xori %eq3A_326, %or3A_341 : vector<512x128xi1>
      %eq3A_343 = arith.constant dense<true> : vector<512x128xi1>
      %eq3A_344 = arith.xori %eq3A_342, %eq3A_343 : vector<512x128xi1>
      %eq3A_345 = arith.xori %eq3A_235, %eq3A_344 : vector<512x128xi1>
      %eq3A_346 = arith.constant dense<true> : vector<512x128xi1>
      %eq3A_347 = arith.xori %eq3A_345, %eq3A_346 : vector<512x128xi1>
      %select_n3A_348 = arith.select %eq3A_347, %scan3A_314, %select_n3A_331 : vector<512x128xi1>, vector<512x128xf32>
      %select_n3A_349 = arith.select %eq3A_347, %scan3A_315, %select_n3A_336 : vector<512x128xi1>, vector<512x128xi32>
      scf.yield %select_n3A_348, %select_n3A_349 : vector<512x128xf32>, vector<512x128xi32>
    }
    %scan3A_241 = arith.constant 6 : i32
    %scan3A_242 = arith.constant 0 : i32
    %scan3A_243 = arith.constant 7 : i32
    %scan3A_244 = arith.addi %scan3A_242, %scan3A_243 : i32
    %scan3A_245 = arith.constant 1 : i32
    %scan3A_246:2 = scf.for %scan3A_313 = %scan3A_242 to %scan3A_244 step %scan3A_245 iter_args(%scan3A_314 = %scan3A_240#0, %scan3A_315 = %scan3A_240#1) -> (vector<512x128xf32>, vector<512x128xi32>)  : i32 {
      %sub3A_316 = arith.constant 6 : i32
      %sub3A_317 = arith.subi %sub3A_316, %scan3A_313 : i32
      %shift_left3A_318 = arith.constant 1 : i32
      %shift_left3A_319 = arith.shli %shift_left3A_318, %sub3A_317 : i32
      %shift_right_logical3A_320 = arith.constant 0 : i32
      %shift_right_logical3A_321 = arith.shrui %shift_left3A_319, %shift_right_logical3A_320 : i32
      %and3A_322 = vector.broadcast %shift_left3A_319 : i32 to vector<512x128xi32>
      %and3A_323 = arith.andi %add3A, %and3A_322 : vector<512x128xi32>
      %eq3A_324 = arith.constant 0 : i32
      %eq3A_325 = vector.broadcast %eq3A_324 : i32 to vector<512x128xi32>
      %eq3A_326 = arith.cmpi eq, %and3A_323, %eq3A_325 : vector<512x128xi32>
      %sub3A_327 = arith.constant 128 : i32
      %sub3A_328 = arith.subi %sub3A_327, %shift_right_logical3A_321 : i32
      %roll3A_329 = tpu.dynamic_rotate %scan3A_314 by %sub3A_328 dim 1 : vector<512x128xf32>, i32 -> vector<512x128xf32>
      %roll3A_330 = tpu.dynamic_rotate %scan3A_314 by %shift_right_logical3A_321 dim 1 : vector<512x128xf32>, i32 -> vector<512x128xf32>
      %select_n3A_331 = arith.select %eq3A_326, %roll3A_329, %roll3A_330 : vector<512x128xi1>, vector<512x128xf32>
      %sub3A_332 = arith.constant 128 : i32
      %sub3A_333 = arith.subi %sub3A_332, %shift_right_logical3A_321 : i32
      %roll3A_334 = tpu.dynamic_rotate %scan3A_315 by %sub3A_333 dim 1 : vector<512x128xi32>, i32 -> vector<512x128xi32>
      %roll3A_335 = tpu.dynamic_rotate %scan3A_315 by %shift_right_logical3A_321 dim 1 : vector<512x128xi32>, i32 -> vector<512x128xi32>
      %select_n3A_336 = arith.select %eq3A_326, %roll3A_334, %roll3A_335 : vector<512x128xi1>, vector<512x128xi32>
      %gt3A_337 = arith.cmpf ogt, %scan3A_314, %select_n3A_331 : vector<512x128xf32>
      %eq3A_338 = arith.cmpf oeq, %scan3A_314, %select_n3A_331 : vector<512x128xf32>
      %lt3A_339 = arith.cmpi slt, %scan3A_315, %select_n3A_336 : vector<512x128xi32>
      %and3A_340 = arith.andi %eq3A_338, %lt3A_339 : vector<512x128xi1>
      %or3A_341 = arith.ori %gt3A_337, %and3A_340 : vector<512x128xi1>
      %eq3A_342 = arith.xori %eq3A_326, %or3A_341 : vector<512x128xi1>
      %eq3A_343 = arith.constant dense<true> : vector<512x128xi1>
      %eq3A_344 = arith.xori %eq3A_342, %eq3A_343 : vector<512x128xi1>
      %eq3A_345 = arith.xori %eq3A_235, %eq3A_344 : vector<512x128xi1>
      %eq3A_346 = arith.constant dense<true> : vector<512x128xi1>
      %eq3A_347 = arith.xori %eq3A_345, %eq3A_346 : vector<512x128xi1>
      %select_n3A_348 = arith.select %eq3A_347, %scan3A_314, %select_n3A_331 : vector<512x128xi1>, vector<512x128xf32>
      %select_n3A_349 = arith.select %eq3A_347, %scan3A_315, %select_n3A_336 : vector<512x128xi1>, vector<512x128xi32>
      scf.yield %select_n3A_348, %select_n3A_349 : vector<512x128xf32>, vector<512x128xi32>
    }
    %scan3A_247 = arith.constant 7 : i32
    %and3A_248 = arith.constant 16384 : i32
    %and3A_249 = vector.broadcast %and3A_248 : i32 to vector<512x128xi32>
    %and3A_250 = arith.andi %add3A, %and3A_249 : vector<512x128xi32>
    %eq3A_251 = arith.constant 0 : i32
    %eq3A_252 = vector.broadcast %eq3A_251 : i32 to vector<512x128xi32>
    %eq3A_253 = arith.cmpi eq, %and3A_250, %eq3A_252 : vector<512x128xi32>
    %scan3A_254 = arith.constant 0 : i32
    %scan3A_255 = arith.constant 7 : i32
    %scan3A_256 = arith.addi %scan3A_254, %scan3A_255 : i32
    %scan3A_257 = arith.constant 1 : i32
    %scan3A_258:2 = scf.for %scan3A_313 = %scan3A_254 to %scan3A_256 step %scan3A_257 iter_args(%scan3A_314 = %scan3A_246#0, %scan3A_315 = %scan3A_246#1) -> (vector<512x128xf32>, vector<512x128xi32>)  : i32 {
      %sub3A_316 = arith.constant 13 : i32
      %sub3A_317 = arith.subi %sub3A_316, %scan3A_313 : i32
      %shift_left3A_318 = arith.constant 1 : i32
      %shift_left3A_319 = arith.shli %shift_left3A_318, %sub3A_317 : i32
      %shift_right_logical3A_320 = arith.constant 7 : i32
      %shift_right_logical3A_321 = arith.shrui %shift_left3A_319, %shift_right_logical3A_320 : i32
      %and3A_322 = vector.broadcast %shift_left3A_319 : i32 to vector<512x128xi32>
      %and3A_323 = arith.andi %add3A, %and3A_322 : vector<512x128xi32>
      %eq3A_324 = arith.constant 0 : i32
      %eq3A_325 = vector.broadcast %eq3A_324 : i32 to vector<512x128xi32>
      %eq3A_326 = arith.cmpi eq, %and3A_323, %eq3A_325 : vector<512x128xi32>
      %sub3A_327 = arith.constant 512 : i32
      %sub3A_328 = arith.subi %sub3A_327, %shift_right_logical3A_321 : i32
      %roll3A_329 = tpu.dynamic_rotate %scan3A_314 by %sub3A_328 dim 0 : vector<512x128xf32>, i32 -> vector<512x128xf32>
      %roll3A_330 = tpu.dynamic_rotate %scan3A_314 by %shift_right_logical3A_321 dim 0 : vector<512x128xf32>, i32 -> vector<512x128xf32>
      %select_n3A_331 = arith.select %eq3A_326, %roll3A_329, %roll3A_330 : vector<512x128xi1>, vector<512x128xf32>
      %sub3A_332 = arith.constant 512 : i32
      %sub3A_333 = arith.subi %sub3A_332, %shift_right_logical3A_321 : i32
      %roll3A_334 = tpu.dynamic_rotate %scan3A_315 by %sub3A_333 dim 0 : vector<512x128xi32>, i32 -> vector<512x128xi32>
      %roll3A_335 = tpu.dynamic_rotate %scan3A_315 by %shift_right_logical3A_321 dim 0 : vector<512x128xi32>, i32 -> vector<512x128xi32>
      %select_n3A_336 = arith.select %eq3A_326, %roll3A_334, %roll3A_335 : vector<512x128xi1>, vector<512x128xi32>
      %gt3A_337 = arith.cmpf ogt, %scan3A_314, %select_n3A_331 : vector<512x128xf32>
      %eq3A_338 = arith.cmpf oeq, %scan3A_314, %select_n3A_331 : vector<512x128xf32>
      %lt3A_339 = arith.cmpi slt, %scan3A_315, %select_n3A_336 : vector<512x128xi32>
      %and3A_340 = arith.andi %eq3A_338, %lt3A_339 : vector<512x128xi1>
      %or3A_341 = arith.ori %gt3A_337, %and3A_340 : vector<512x128xi1>
      %eq3A_342 = arith.xori %eq3A_326, %or3A_341 : vector<512x128xi1>
      %eq3A_343 = arith.constant dense<true> : vector<512x128xi1>
      %eq3A_344 = arith.xori %eq3A_342, %eq3A_343 : vector<512x128xi1>
      %eq3A_345 = arith.xori %eq3A_253, %eq3A_344 : vector<512x128xi1>
      %eq3A_346 = arith.constant dense<true> : vector<512x128xi1>
      %eq3A_347 = arith.xori %eq3A_345, %eq3A_346 : vector<512x128xi1>
      %select_n3A_348 = arith.select %eq3A_347, %scan3A_314, %select_n3A_331 : vector<512x128xi1>, vector<512x128xf32>
      %select_n3A_349 = arith.select %eq3A_347, %scan3A_315, %select_n3A_336 : vector<512x128xi1>, vector<512x128xi32>
      scf.yield %select_n3A_348, %select_n3A_349 : vector<512x128xf32>, vector<512x128xi32>
    }
    %scan3A_259 = arith.constant 7 : i32
    %scan3A_260 = arith.constant 0 : i32
    %scan3A_261 = arith.constant 7 : i32
    %scan3A_262 = arith.addi %scan3A_260, %scan3A_261 : i32
    %scan3A_263 = arith.constant 1 : i32
    %scan3A_264:2 = scf.for %scan3A_313 = %scan3A_260 to %scan3A_262 step %scan3A_263 iter_args(%scan3A_314 = %scan3A_258#0, %scan3A_315 = %scan3A_258#1) -> (vector<512x128xf32>, vector<512x128xi32>)  : i32 {
      %sub3A_316 = arith.constant 6 : i32
      %sub3A_317 = arith.subi %sub3A_316, %scan3A_313 : i32
      %shift_left3A_318 = arith.constant 1 : i32
      %shift_left3A_319 = arith.shli %shift_left3A_318, %sub3A_317 : i32
      %shift_right_logical3A_320 = arith.constant 0 : i32
      %shift_right_logical3A_321 = arith.shrui %shift_left3A_319, %shift_right_logical3A_320 : i32
      %and3A_322 = vector.broadcast %shift_left3A_319 : i32 to vector<512x128xi32>
      %and3A_323 = arith.andi %add3A, %and3A_322 : vector<512x128xi32>
      %eq3A_324 = arith.constant 0 : i32
      %eq3A_325 = vector.broadcast %eq3A_324 : i32 to vector<512x128xi32>
      %eq3A_326 = arith.cmpi eq, %and3A_323, %eq3A_325 : vector<512x128xi32>
      %sub3A_327 = arith.constant 128 : i32
      %sub3A_328 = arith.subi %sub3A_327, %shift_right_logical3A_321 : i32
      %roll3A_329 = tpu.dynamic_rotate %scan3A_314 by %sub3A_328 dim 1 : vector<512x128xf32>, i32 -> vector<512x128xf32>
      %roll3A_330 = tpu.dynamic_rotate %scan3A_314 by %shift_right_logical3A_321 dim 1 : vector<512x128xf32>, i32 -> vector<512x128xf32>
      %select_n3A_331 = arith.select %eq3A_326, %roll3A_329, %roll3A_330 : vector<512x128xi1>, vector<512x128xf32>
      %sub3A_332 = arith.constant 128 : i32
      %sub3A_333 = arith.subi %sub3A_332, %shift_right_logical3A_321 : i32
      %roll3A_334 = tpu.dynamic_rotate %scan3A_315 by %sub3A_333 dim 1 : vector<512x128xi32>, i32 -> vector<512x128xi32>
      %roll3A_335 = tpu.dynamic_rotate %scan3A_315 by %shift_right_logical3A_321 dim 1 : vector<512x128xi32>, i32 -> vector<512x128xi32>
      %select_n3A_336 = arith.select %eq3A_326, %roll3A_334, %roll3A_335 : vector<512x128xi1>, vector<512x128xi32>
      %gt3A_337 = arith.cmpf ogt, %scan3A_314, %select_n3A_331 : vector<512x128xf32>
      %eq3A_338 = arith.cmpf oeq, %scan3A_314, %select_n3A_331 : vector<512x128xf32>
      %lt3A_339 = arith.cmpi slt, %scan3A_315, %select_n3A_336 : vector<512x128xi32>
      %and3A_340 = arith.andi %eq3A_338, %lt3A_339 : vector<512x128xi1>
      %or3A_341 = arith.ori %gt3A_337, %and3A_340 : vector<512x128xi1>
      %eq3A_342 = arith.xori %eq3A_326, %or3A_341 : vector<512x128xi1>
      %eq3A_343 = arith.constant dense<true> : vector<512x128xi1>
      %eq3A_344 = arith.xori %eq3A_342, %eq3A_343 : vector<512x128xi1>
      %eq3A_345 = arith.xori %eq3A_253, %eq3A_344 : vector<512x128xi1>
      %eq3A_346 = arith.constant dense<true> : vector<512x128xi1>
      %eq3A_347 = arith.xori %eq3A_345, %eq3A_346 : vector<512x128xi1>
      %select_n3A_348 = arith.select %eq3A_347, %scan3A_314, %select_n3A_331 : vector<512x128xi1>, vector<512x128xf32>
      %select_n3A_349 = arith.select %eq3A_347, %scan3A_315, %select_n3A_336 : vector<512x128xi1>, vector<512x128xi32>
      scf.yield %select_n3A_348, %select_n3A_349 : vector<512x128xf32>, vector<512x128xi32>
    }
    %scan3A_265 = arith.constant 7 : i32
    %and3A_266 = arith.constant 32768 : i32
    %and3A_267 = vector.broadcast %and3A_266 : i32 to vector<512x128xi32>
    %and3A_268 = arith.andi %add3A, %and3A_267 : vector<512x128xi32>
    %eq3A_269 = arith.constant 0 : i32
    %eq3A_270 = vector.broadcast %eq3A_269 : i32 to vector<512x128xi32>
    %eq3A_271 = arith.cmpi eq, %and3A_268, %eq3A_270 : vector<512x128xi32>
    %scan3A_272 = arith.constant 0 : i32
    %scan3A_273 = arith.constant 8 : i32
    %scan3A_274 = arith.addi %scan3A_272, %scan3A_273 : i32
    %scan3A_275 = arith.constant 1 : i32
    %scan3A_276:2 = scf.for %scan3A_313 = %scan3A_272 to %scan3A_274 step %scan3A_275 iter_args(%scan3A_314 = %scan3A_264#0, %scan3A_315 = %scan3A_264#1) -> (vector<512x128xf32>, vector<512x128xi32>)  : i32 {
      %sub3A_316 = arith.constant 14 : i32
      %sub3A_317 = arith.subi %sub3A_316, %scan3A_313 : i32
      %shift_left3A_318 = arith.constant 1 : i32
      %shift_left3A_319 = arith.shli %shift_left3A_318, %sub3A_317 : i32
      %shift_right_logical3A_320 = arith.constant 7 : i32
      %shift_right_logical3A_321 = arith.shrui %shift_left3A_319, %shift_right_logical3A_320 : i32
      %and3A_322 = vector.broadcast %shift_left3A_319 : i32 to vector<512x128xi32>
      %and3A_323 = arith.andi %add3A, %and3A_322 : vector<512x128xi32>
      %eq3A_324 = arith.constant 0 : i32
      %eq3A_325 = vector.broadcast %eq3A_324 : i32 to vector<512x128xi32>
      %eq3A_326 = arith.cmpi eq, %and3A_323, %eq3A_325 : vector<512x128xi32>
      %sub3A_327 = arith.constant 512 : i32
      %sub3A_328 = arith.subi %sub3A_327, %shift_right_logical3A_321 : i32
      %roll3A_329 = tpu.dynamic_rotate %scan3A_314 by %sub3A_328 dim 0 : vector<512x128xf32>, i32 -> vector<512x128xf32>
      %roll3A_330 = tpu.dynamic_rotate %scan3A_314 by %shift_right_logical3A_321 dim 0 : vector<512x128xf32>, i32 -> vector<512x128xf32>
      %select_n3A_331 = arith.select %eq3A_326, %roll3A_329, %roll3A_330 : vector<512x128xi1>, vector<512x128xf32>
      %sub3A_332 = arith.constant 512 : i32
      %sub3A_333 = arith.subi %sub3A_332, %shift_right_logical3A_321 : i32
      %roll3A_334 = tpu.dynamic_rotate %scan3A_315 by %sub3A_333 dim 0 : vector<512x128xi32>, i32 -> vector<512x128xi32>
      %roll3A_335 = tpu.dynamic_rotate %scan3A_315 by %shift_right_logical3A_321 dim 0 : vector<512x128xi32>, i32 -> vector<512x128xi32>
      %select_n3A_336 = arith.select %eq3A_326, %roll3A_334, %roll3A_335 : vector<512x128xi1>, vector<512x128xi32>
      %gt3A_337 = arith.cmpf ogt, %scan3A_314, %select_n3A_331 : vector<512x128xf32>
      %eq3A_338 = arith.cmpf oeq, %scan3A_314, %select_n3A_331 : vector<512x128xf32>
      %lt3A_339 = arith.cmpi slt, %scan3A_315, %select_n3A_336 : vector<512x128xi32>
      %and3A_340 = arith.andi %eq3A_338, %lt3A_339 : vector<512x128xi1>
      %or3A_341 = arith.ori %gt3A_337, %and3A_340 : vector<512x128xi1>
      %eq3A_342 = arith.xori %eq3A_326, %or3A_341 : vector<512x128xi1>
      %eq3A_343 = arith.constant dense<true> : vector<512x128xi1>
      %eq3A_344 = arith.xori %eq3A_342, %eq3A_343 : vector<512x128xi1>
      %eq3A_345 = arith.xori %eq3A_271, %eq3A_344 : vector<512x128xi1>
      %eq3A_346 = arith.constant dense<true> : vector<512x128xi1>
      %eq3A_347 = arith.xori %eq3A_345, %eq3A_346 : vector<512x128xi1>
      %select_n3A_348 = arith.select %eq3A_347, %scan3A_314, %select_n3A_331 : vector<512x128xi1>, vector<512x128xf32>
      %select_n3A_349 = arith.select %eq3A_347, %scan3A_315, %select_n3A_336 : vector<512x128xi1>, vector<512x128xi32>
      scf.yield %select_n3A_348, %select_n3A_349 : vector<512x128xf32>, vector<512x128xi32>
    }
    %scan3A_277 = arith.constant 8 : i32
    %scan3A_278 = arith.constant 0 : i32
    %scan3A_279 = arith.constant 7 : i32
    %scan3A_280 = arith.addi %scan3A_278, %scan3A_279 : i32
    %scan3A_281 = arith.constant 1 : i32
    %scan3A_282:2 = scf.for %scan3A_313 = %scan3A_278 to %scan3A_280 step %scan3A_281 iter_args(%scan3A_314 = %scan3A_276#0, %scan3A_315 = %scan3A_276#1) -> (vector<512x128xf32>, vector<512x128xi32>)  : i32 {
      %sub3A_316 = arith.constant 6 : i32
      %sub3A_317 = arith.subi %sub3A_316, %scan3A_313 : i32
      %shift_left3A_318 = arith.constant 1 : i32
      %shift_left3A_319 = arith.shli %shift_left3A_318, %sub3A_317 : i32
      %shift_right_logical3A_320 = arith.constant 0 : i32
      %shift_right_logical3A_321 = arith.shrui %shift_left3A_319, %shift_right_logical3A_320 : i32
      %and3A_322 = vector.broadcast %shift_left3A_319 : i32 to vector<512x128xi32>
      %and3A_323 = arith.andi %add3A, %and3A_322 : vector<512x128xi32>
      %eq3A_324 = arith.constant 0 : i32
      %eq3A_325 = vector.broadcast %eq3A_324 : i32 to vector<512x128xi32>
      %eq3A_326 = arith.cmpi eq, %and3A_323, %eq3A_325 : vector<512x128xi32>
      %sub3A_327 = arith.constant 128 : i32
      %sub3A_328 = arith.subi %sub3A_327, %shift_right_logical3A_321 : i32
      %roll3A_329 = tpu.dynamic_rotate %scan3A_314 by %sub3A_328 dim 1 : vector<512x128xf32>, i32 -> vector<512x128xf32>
      %roll3A_330 = tpu.dynamic_rotate %scan3A_314 by %shift_right_logical3A_321 dim 1 : vector<512x128xf32>, i32 -> vector<512x128xf32>
      %select_n3A_331 = arith.select %eq3A_326, %roll3A_329, %roll3A_330 : vector<512x128xi1>, vector<512x128xf32>
      %sub3A_332 = arith.constant 128 : i32
      %sub3A_333 = arith.subi %sub3A_332, %shift_right_logical3A_321 : i32
      %roll3A_334 = tpu.dynamic_rotate %scan3A_315 by %sub3A_333 dim 1 : vector<512x128xi32>, i32 -> vector<512x128xi32>
      %roll3A_335 = tpu.dynamic_rotate %scan3A_315 by %shift_right_logical3A_321 dim 1 : vector<512x128xi32>, i32 -> vector<512x128xi32>
      %select_n3A_336 = arith.select %eq3A_326, %roll3A_334, %roll3A_335 : vector<512x128xi1>, vector<512x128xi32>
      %gt3A_337 = arith.cmpf ogt, %scan3A_314, %select_n3A_331 : vector<512x128xf32>
      %eq3A_338 = arith.cmpf oeq, %scan3A_314, %select_n3A_331 : vector<512x128xf32>
      %lt3A_339 = arith.cmpi slt, %scan3A_315, %select_n3A_336 : vector<512x128xi32>
      %and3A_340 = arith.andi %eq3A_338, %lt3A_339 : vector<512x128xi1>
      %or3A_341 = arith.ori %gt3A_337, %and3A_340 : vector<512x128xi1>
      %eq3A_342 = arith.xori %eq3A_326, %or3A_341 : vector<512x128xi1>
      %eq3A_343 = arith.constant dense<true> : vector<512x128xi1>
      %eq3A_344 = arith.xori %eq3A_342, %eq3A_343 : vector<512x128xi1>
      %eq3A_345 = arith.xori %eq3A_271, %eq3A_344 : vector<512x128xi1>
      %eq3A_346 = arith.constant dense<true> : vector<512x128xi1>
      %eq3A_347 = arith.xori %eq3A_345, %eq3A_346 : vector<512x128xi1>
      %select_n3A_348 = arith.select %eq3A_347, %scan3A_314, %select_n3A_331 : vector<512x128xi1>, vector<512x128xf32>
      %select_n3A_349 = arith.select %eq3A_347, %scan3A_315, %select_n3A_336 : vector<512x128xi1>, vector<512x128xi32>
      scf.yield %select_n3A_348, %select_n3A_349 : vector<512x128xf32>, vector<512x128xi32>
    }
    %scan3A_283 = arith.constant 7 : i32
    %and3A_284 = arith.constant 65536 : i32
    %and3A_285 = vector.broadcast %and3A_284 : i32 to vector<512x128xi32>
    %and3A_286 = arith.andi %add3A, %and3A_285 : vector<512x128xi32>
    %eq3A_287 = arith.constant 0 : i32
    %eq3A_288 = vector.broadcast %eq3A_287 : i32 to vector<512x128xi32>
    %eq3A_289 = arith.cmpi eq, %and3A_286, %eq3A_288 : vector<512x128xi32>
    %scan3A_290 = arith.constant 0 : i32
    %scan3A_291 = arith.constant 9 : i32
    %scan3A_292 = arith.addi %scan3A_290, %scan3A_291 : i32
    %scan3A_293 = arith.constant 1 : i32
    %scan3A_294:2 = scf.for %scan3A_313 = %scan3A_290 to %scan3A_292 step %scan3A_293 iter_args(%scan3A_314 = %scan3A_282#0, %scan3A_315 = %scan3A_282#1) -> (vector<512x128xf32>, vector<512x128xi32>)  : i32 {
      %sub3A_316 = arith.constant 15 : i32
      %sub3A_317 = arith.subi %sub3A_316, %scan3A_313 : i32
      %shift_left3A_318 = arith.constant 1 : i32
      %shift_left3A_319 = arith.shli %shift_left3A_318, %sub3A_317 : i32
      %shift_right_logical3A_320 = arith.constant 7 : i32
      %shift_right_logical3A_321 = arith.shrui %shift_left3A_319, %shift_right_logical3A_320 : i32
      %and3A_322 = vector.broadcast %shift_left3A_319 : i32 to vector<512x128xi32>
      %and3A_323 = arith.andi %add3A, %and3A_322 : vector<512x128xi32>
      %eq3A_324 = arith.constant 0 : i32
      %eq3A_325 = vector.broadcast %eq3A_324 : i32 to vector<512x128xi32>
      %eq3A_326 = arith.cmpi eq, %and3A_323, %eq3A_325 : vector<512x128xi32>
      %sub3A_327 = arith.constant 512 : i32
      %sub3A_328 = arith.subi %sub3A_327, %shift_right_logical3A_321 : i32
      %roll3A_329 = tpu.dynamic_rotate %scan3A_314 by %sub3A_328 dim 0 : vector<512x128xf32>, i32 -> vector<512x128xf32>
      %roll3A_330 = tpu.dynamic_rotate %scan3A_314 by %shift_right_logical3A_321 dim 0 : vector<512x128xf32>, i32 -> vector<512x128xf32>
      %select_n3A_331 = arith.select %eq3A_326, %roll3A_329, %roll3A_330 : vector<512x128xi1>, vector<512x128xf32>
      %sub3A_332 = arith.constant 512 : i32
      %sub3A_333 = arith.subi %sub3A_332, %shift_right_logical3A_321 : i32
      %roll3A_334 = tpu.dynamic_rotate %scan3A_315 by %sub3A_333 dim 0 : vector<512x128xi32>, i32 -> vector<512x128xi32>
      %roll3A_335 = tpu.dynamic_rotate %scan3A_315 by %shift_right_logical3A_321 dim 0 : vector<512x128xi32>, i32 -> vector<512x128xi32>
      %select_n3A_336 = arith.select %eq3A_326, %roll3A_334, %roll3A_335 : vector<512x128xi1>, vector<512x128xi32>
      %gt3A_337 = arith.cmpf ogt, %scan3A_314, %select_n3A_331 : vector<512x128xf32>
      %eq3A_338 = arith.cmpf oeq, %scan3A_314, %select_n3A_331 : vector<512x128xf32>
      %lt3A_339 = arith.cmpi slt, %scan3A_315, %select_n3A_336 : vector<512x128xi32>
      %and3A_340 = arith.andi %eq3A_338, %lt3A_339 : vector<512x128xi1>
      %or3A_341 = arith.ori %gt3A_337, %and3A_340 : vector<512x128xi1>
      %eq3A_342 = arith.xori %eq3A_326, %or3A_341 : vector<512x128xi1>
      %eq3A_343 = arith.constant dense<true> : vector<512x128xi1>
      %eq3A_344 = arith.xori %eq3A_342, %eq3A_343 : vector<512x128xi1>
      %eq3A_345 = arith.xori %eq3A_289, %eq3A_344 : vector<512x128xi1>
      %eq3A_346 = arith.constant dense<true> : vector<512x128xi1>
      %eq3A_347 = arith.xori %eq3A_345, %eq3A_346 : vector<512x128xi1>
      %select_n3A_348 = arith.select %eq3A_347, %scan3A_314, %select_n3A_331 : vector<512x128xi1>, vector<512x128xf32>
      %select_n3A_349 = arith.select %eq3A_347, %scan3A_315, %select_n3A_336 : vector<512x128xi1>, vector<512x128xi32>
      scf.yield %select_n3A_348, %select_n3A_349 : vector<512x128xf32>, vector<512x128xi32>
    }
    %scan3A_295 = arith.constant 9 : i32
    %scan3A_296 = arith.constant 0 : i32
    %scan3A_297 = arith.constant 7 : i32
    %scan3A_298 = arith.addi %scan3A_296, %scan3A_297 : i32
    %scan3A_299 = arith.constant 1 : i32
    %scan3A_300:2 = scf.for %scan3A_313 = %scan3A_296 to %scan3A_298 step %scan3A_299 iter_args(%scan3A_314 = %scan3A_294#0, %scan3A_315 = %scan3A_294#1) -> (vector<512x128xf32>, vector<512x128xi32>)  : i32 {
      %sub3A_316 = arith.constant 6 : i32
      %sub3A_317 = arith.subi %sub3A_316, %scan3A_313 : i32
      %shift_left3A_318 = arith.constant 1 : i32
      %shift_left3A_319 = arith.shli %shift_left3A_318, %sub3A_317 : i32
      %shift_right_logical3A_320 = arith.constant 0 : i32
      %shift_right_logical3A_321 = arith.shrui %shift_left3A_319, %shift_right_logical3A_320 : i32
      %and3A_322 = vector.broadcast %shift_left3A_319 : i32 to vector<512x128xi32>
      %and3A_323 = arith.andi %add3A, %and3A_322 : vector<512x128xi32>
      %eq3A_324 = arith.constant 0 : i32
      %eq3A_325 = vector.broadcast %eq3A_324 : i32 to vector<512x128xi32>
      %eq3A_326 = arith.cmpi eq, %and3A_323, %eq3A_325 : vector<512x128xi32>
      %sub3A_327 = arith.constant 128 : i32
      %sub3A_328 = arith.subi %sub3A_327, %shift_right_logical3A_321 : i32
      %roll3A_329 = tpu.dynamic_rotate %scan3A_314 by %sub3A_328 dim 1 : vector<512x128xf32>, i32 -> vector<512x128xf32>
      %roll3A_330 = tpu.dynamic_rotate %scan3A_314 by %shift_right_logical3A_321 dim 1 : vector<512x128xf32>, i32 -> vector<512x128xf32>
      %select_n3A_331 = arith.select %eq3A_326, %roll3A_329, %roll3A_330 : vector<512x128xi1>, vector<512x128xf32>
      %sub3A_332 = arith.constant 128 : i32
      %sub3A_333 = arith.subi %sub3A_332, %shift_right_logical3A_321 : i32
      %roll3A_334 = tpu.dynamic_rotate %scan3A_315 by %sub3A_333 dim 1 : vector<512x128xi32>, i32 -> vector<512x128xi32>
      %roll3A_335 = tpu.dynamic_rotate %scan3A_315 by %shift_right_logical3A_321 dim 1 : vector<512x128xi32>, i32 -> vector<512x128xi32>
      %select_n3A_336 = arith.select %eq3A_326, %roll3A_334, %roll3A_335 : vector<512x128xi1>, vector<512x128xi32>
      %gt3A_337 = arith.cmpf ogt, %scan3A_314, %select_n3A_331 : vector<512x128xf32>
      %eq3A_338 = arith.cmpf oeq, %scan3A_314, %select_n3A_331 : vector<512x128xf32>
      %lt3A_339 = arith.cmpi slt, %scan3A_315, %select_n3A_336 : vector<512x128xi32>
      %and3A_340 = arith.andi %eq3A_338, %lt3A_339 : vector<512x128xi1>
      %or3A_341 = arith.ori %gt3A_337, %and3A_340 : vector<512x128xi1>
      %eq3A_342 = arith.xori %eq3A_326, %or3A_341 : vector<512x128xi1>
      %eq3A_343 = arith.constant dense<true> : vector<512x128xi1>
      %eq3A_344 = arith.xori %eq3A_342, %eq3A_343 : vector<512x128xi1>
      %eq3A_345 = arith.xori %eq3A_289, %eq3A_344 : vector<512x128xi1>
      %eq3A_346 = arith.constant dense<true> : vector<512x128xi1>
      %eq3A_347 = arith.xori %eq3A_345, %eq3A_346 : vector<512x128xi1>
      %select_n3A_348 = arith.select %eq3A_347, %scan3A_314, %select_n3A_331 : vector<512x128xi1>, vector<512x128xf32>
      %select_n3A_349 = arith.select %eq3A_347, %scan3A_315, %select_n3A_336 : vector<512x128xi1>, vector<512x128xi32>
      scf.yield %select_n3A_348, %select_n3A_349 : vector<512x128xf32>, vector<512x128xi32>
    }
    %scan3A_301 = arith.constant 7 : i32
    %swap3A = arith.constant 0 : index
    %swap3A_302 = arith.constant 0 : index
    %swap3A_303 = arith.constant 0 : index
    %swap3A_304 = vector.load %arg2[%swap3A, %swap3A_302, %swap3A_303] : memref<1x512x128xf32, #tpu.memory_space<vmem>>, vector<1x512x128xf32>
    %swap3A_305 = vector.shape_cast %swap3A_304 : vector<1x512x128xf32> to vector<512x128xf32>
    %swap3A_306 = vector.shape_cast %scan3A_300#0 : vector<512x128xf32> to vector<1x512x128xf32>
    tpu.vector_store %arg2[%swap3A, %swap3A_302, %swap3A_303], %swap3A_306 {strides = array<i32>} : memref<1x512x128xf32, #tpu.memory_space<vmem>>, vector<1x512x128xf32>,
    %swap3A_307 = arith.constant 0 : index
    %swap3A_308 = arith.constant 0 : index
    %swap3A_309 = arith.constant 0 : index
    %swap3A_310 = vector.load %arg3[%swap3A_307, %swap3A_308, %swap3A_309] : memref<1x512x128xi32, #tpu.memory_space<vmem>>, vector<1x512x128xi32>
    %swap3A_311 = vector.shape_cast %swap3A_310 : vector<1x512x128xi32> to vector<512x128xi32>
    %swap3A_312 = vector.shape_cast %scan3A_300#1 : vector<512x128xi32> to vector<1x512x128xi32>
    tpu.vector_store %arg3[%swap3A_307, %swap3A_308, %swap3A_309], %swap3A_312 {strides = array<i32>} : memref<1x512x128xi32, #tpu.memory_space<vmem>>, vector<1x512x128xi32>,
    return
  }
  func.func @transform_0(%arg0: i32) -> (i32, i32, i32) {
    %c0_i32 = arith.constant 0 : i32
    %c0_i32_0 = arith.constant 0 : i32
    %c0_i32_1 = arith.constant 0 : i32
    return %arg0, %c0_i32, %c0_i32_0 : i32, i32, i32
  }
  func.func @transform_1(%arg0: i32) -> (i32, i32, i32) {
    %c0_i32 = arith.constant 0 : i32
    %c0_i32_0 = arith.constant 0 : i32
    %c0_i32_1 = arith.constant 0 : i32
    return %arg0, %c0_i32, %c0_i32_0 : i32, i32, i32
  }
  func.func @transform_2(%arg0: i32) -> (i32, i32, i32) {
    %c0_i32 = arith.constant 0 : i32
    %c0_i32_0 = arith.constant 0 : i32
    %c0_i32_1 = arith.constant 0 : i32
    return %arg0, %c0_i32, %c0_i32_0 : i32, i32, i32
  }
}

module attributes {stable_mosaic.version = 14 : i64} {
  func.func @_scale_body(%arg0: i32, %arg1: i32, %arg2: memref<1x1000x128xf32, #tpu.memory_space<vmem>>, %arg3: memref<1x1x1000xf32, #tpu.memory_space<vmem>>, %arg4: memref<1x1000x128xf32, #tpu.memory_space<vmem>>) attributes {dimension_semantics = [#tpu.dimension_semantics<arbitrary>, #tpu.dimension_semantics<arbitrary>], iteration_bounds = array<i64: 4, 25>, scalar_prefetch = 0 : i64, scratch_operands = 0 : i64, tpu.core_type = #tpu.core_type<tc>, window_params = [{transform_indices = @transform_0, window_bounds = array<i64: 1, 1000, 128>}, {transform_indices = @transform_1, window_bounds = array<i64: 1, 1, 1000>}, {transform_indices = @transform_2, window_bounds = array<i64: 1, 1000, 128>}]} {
    %get3A = arith.constant 0 : index
    %get3A_0 = arith.constant 0 : index
    %get3A_1 = arith.constant 0 : index
    %get3A_2 = vector.load %arg2[%get3A, %get3A_0, %get3A_1] : memref<1x1000x128xf32, #tpu.memory_space<vmem>>, vector<1x1000x128xf32>
    %get3A_3 = vector.shape_cast %get3A_2 : vector<1x1000x128xf32> to vector<1000x128xf32>
    %get3A_4 = arith.constant 0 : index
    %get3A_5 = arith.constant 0 : index
    %get3A_6 = arith.constant 0 : index
    %get3A_7 = vector.load %arg3[%get3A_4, %get3A_5, %get3A_6] : memref<1x1x1000xf32, #tpu.memory_space<vmem>>, vector<1x1x1000xf32>
    %get3A_8 = vector.shape_cast %get3A_7 : vector<1x1x1000xf32> to vector<1000xf32>
    %broadcast_in_dim3A = vector.shape_cast %get3A_8 : vector<1000xf32> to vector<1000x1xf32>
    %mul3A = vector.broadcast %broadcast_in_dim3A : vector<1000x1xf32> to vector<1000x128xf32>
    %mul3A_9 = arith.mulf %get3A_3, %mul3A : vector<1000x128xf32>
    %swap3A = arith.constant 0 : index
    %swap3A_10 = arith.constant 0 : index
    %swap3A_11 = arith.constant 0 : index
    %swap3A_12 = vector.load %arg4[%swap3A, %swap3A_10, %swap3A_11] : memref<1x1000x128xf32, #tpu.memory_space<vmem>>, vector<1x1000x128xf32>
    %swap3A_13 = vector.shape_cast %swap3A_12 : vector<1x1000x128xf32> to vector<1000x128xf32>
    %swap3A_14 = vector.shape_cast %mul3A_9 : vector<1000x128xf32> to vector<1x1000x128xf32>
    tpu.vector_store %arg4[%swap3A, %swap3A_10, %swap3A_11], %swap3A_14 {strides = array<i32>} : memref<1x1000x128xf32, #tpu.memory_space<vmem>>, vector<1x1000x128xf32>,
    return
  }
  func.func @transform_0(%arg0: i32, %arg1: i32) -> (i32, i32, i32) {
    %c0_i32 = arith.constant 0 : i32
    %c0_i32_0 = arith.constant 0 : i32
    return %arg0, %arg1, %c0_i32 : i32, i32, i32
  }
  func.func @transform_1(%arg0: i32, %arg1: i32) -> (i32, i32, i32) {
    %mul3A = arith.constant 25 : i32
    %mul3A_0 = arith.muli %arg0, %mul3A : i32
    %add3A = arith.addi %mul3A_0, %arg1 : i32
    %c0_i32 = arith.constant 0 : i32
    %c0_i32_1 = arith.constant 0 : i32
    %c0_i32_2 = arith.constant 0 : i32
    return %add3A, %c0_i32, %c0_i32_1 : i32, i32, i32
  }
  func.func @transform_2(%arg0: i32, %arg1: i32) -> (i32, i32, i32) {
    %c0_i32 = arith.constant 0 : i32
    %c0_i32_0 = arith.constant 0 : i32
    return %arg0, %arg1, %c0_i32 : i32, i32, i32
  }
}

</mosaic_0001>

<sc_bundles>
// kernel: kernel.6.cloned.1.call-start
scs
__scs_entry_jumppad:
0x0: {  	(pc) =	sbr.rel $0x88, $3  }
0x1: {  	(tag) =	ssettag $0x0;
	lr =	simm.s32 $0x1  }
0x2: {  	[smem:$0x3F9E] =	sst lr;
	_ =	strace $0xD0000000  }
0x3: {  	_ = 	snop  }
0x4: {  	_ = 	snop  }
0x5: {  	_ = 	snop  }
0x6: {  	_ = 	snop  }
0x7: {  	_ = 	snop  }
__scs_overlays_trampoline_lowered:
0x8: {  	[smem:$0x3FAD] =	sst s0  }
0x9: {  	[smem:$0x3FAE] =	sst s1  }
0xa: {  	[smem:$0x3FAF] =	sst s2  }
0xb: {  	[smem:$0x3FB0] =	sst s3  }
0xc: {  	[smem:$0x3FB1] =	sst s4  }
0xd: {  	[smem:$0x3FB2] =	sst s5  }
0xe: {  	[smem:$0x3FB3] =	sst s6  }
0xf: {  	[smem:$0x3FB4] =	sst s7  }
0x10: {  	[smem:$0x3FB5] =	sst s8  }
0x11: {  	[smem:$0x3FB6] =	sst s9;
	s0 =	simm.s32 @!p0 $0x0  }
0x12: {  	s1 =	sld [smem:$0x3F9C];
	s0 =	simm.s32 @p0 $0x1  }
0x13: {  	[smem:$0x3FB7] =	sst s0;
	s0 =	simm.s32 @!p1 $0x0  }
0x14: {  	s2 =	sld [smem:$0x3F9B];
	s0 =	simm.s32 @p1 $0x1  }
0x15: {  	[smem:$0x3FB8] =	sst s0;
	s0 =	simm.s32 @!p2 $0x0  }
0x16: {  	s3 =	sld [smem:$0x3FDB];
	s0 =	simm.s32 @p2 $0x1  }
0x17: {  	s4 =	simm.s32 $0x1BF5;
	[smem:$0x3FBA] =	sst s0  }
0x18: {  	s0 =	sld [smem:$0x3F9D];
	_ =	swait.ge [sflag:s4], $0x0  }
0x19: {  	s7 =	sld [smem:$0x3F9E]  }
0x1a: {  	s8 =	sadd.s32 $0xFFFFE003, lr  }
0x1b: {  	s9 =	sadd.s32 $0xFFFFFEF7, lr;
	s5 =	simm.s32 $0xFFFFFFFF;
	p2 =	slt.u32 s8, $0xFFFFF086  }
0x1c: {  	p1 =	slt.u32 s9, $0xF7A;
	s5 =	simm.s32 @!p2 $0x0  }
0x1d: {  	s5 =	simm.s32 @p1 $0x1;
	p0 =	seq.s32 s7, s2  }
0x1e: {  	s7 =	smul.u32 @!p0 $0xF7A, s2;
	p2 =	seq.s32 @!p0 s5, $0x0  }
0x1f: {  	s9 =	smul.u32 $0xF7A, s1;
	s8 =	simm.s32 @!p0 $0x1BF5;
	p2 =	por !p2, p0  }
0x20: {  	[sflag:s8] =	ssyncset.s32 @!p0 $0xFFFFF086;
	s6 =	sadd.s32 @!p0 s3, s7;
	s7 =	simm.s32 @!p0 $0x108  }
0x21: {  	s3 =	sadd.s32 s3, s9;
	s6 =	sadd.s32 @!p0 $0x88, s6;
	s7 =	simm.s32 @p2 $0x1082  }
0x22: {  	[simem:s7], [sflag:s8] =	dma.local @!p0 [hbm:s6], $0xF7A  }
0x23: {  	s9 =	sor.u32 $0xD0000000, s2;
	s6 =	simm.s32 $0x108;
	_ =	swait.ge @!p0 [sflag:s8], $0x0  }
0x24: {  	s3 =	sadd.s32 $0x88, s3;
	s6 =	simm.s32 @!p1 $0x1082;
	[sflag:s4] =	ssyncset.s32 $0xFFFFF086  }
0x25: {  	[simem:s6], [sflag:s4] =	dma.local [hbm:s3], $0xF7A  }
0x26: {  	[smem:$0x3F9E] =	sst s1;
	(tag) =	ssettag s2;
	_ =	strace s9  }
0x27: {  	s1 =	sld [smem:$0x3FAE]  }
0x28: {  	s2 =	sld [smem:$0x3FAF]  }
0x29: {  	s4 =	sld [smem:$0x3FB1]  }
0x2a: {  	p0 =	seq.s32 s5, $0x0;
	s5 =	sld [smem:$0x3FB2]  }
0x2b: {  	s6 =	sld [smem:$0x3FB3]  }
0x2c: {  	s7 =	sld [smem:$0x3FB4]  }
0x2d: {  	s3 =	simm.s32 $0x108;
	s8 =	sld [smem:$0x3FB5]  }
0x2e: {  	s3 =	simm.s32 @!p0 $0x1082;
	s9 =	sld [smem:$0x3FB6]  }
0x2f: {  	lr =	sadd.s32 s0, s3;
	s0 =	sld [smem:$0x3FAD]  }
0x30: {  	s3 =	sld [smem:$0x3FB0]  }
0x31: {  	[smem:$0x3FB9] =	sst s10  }
0x32: {  	s10 =	sld [smem:$0x3FB7];
	_ =	sdelay $0x3  }
0x33: {  	p0 =	seq.s32 s10, $0x1;
	s10 =	sld [smem:$0x3FB9];
	_ =	sdelay $0x3  }
0x34: {  	[smem:$0x3FB9] =	sst s10  }
0x35: {  	s10 =	sld [smem:$0x3FB8];
	_ =	sdelay $0x3  }
0x36: {  	p1 =	seq.s32 s10, $0x1;
	s10 =	sld [smem:$0x3FB9];
	_ =	sdelay $0x3  }
0x37: {  	[smem:$0x3FB9] =	sst s10  }
0x38: {  	s10 =	sld [smem:$0x3FBA]  }
0x39: {  	_ = 	snop;
	(pc) =	sbr.ind lr, $3  }
0x3a: {  	_ = 	snop  }
0x3b: {  	_ = 	snop  }
0x3c: {  	p2 =	seq.s32 s10, $0x1;
	s10 =	sld [smem:$0x3FB9]  }
0x3d: {  	_ =	shalt  }
0x3e: {  	_ =	shalt  }
0x3f: {  	_ =	shalt  }
0x40: {  	_ =	shalt  }
0x41: {  	_ =	shalt  }
0x42: {  	_ =	shalt  }
0x43: {  	_ =	shalt  }
0x44: {  	_ =	shalt  }
0x45: {  	_ =	shalt  }
0x46: {  	_ =	shalt  }
0x47: {  	_ =	shalt  }
0x48: {  	_ =	shalt  }
0x49: {  	_ =	shalt  }
0x4a: {  	_ =	shalt  }
0x4b: {  	_ =	shalt  }
0x4c: {  	_ =	shalt  }
0x4d: {  	_ =	shalt  }
0x4e: {  	_ =	shalt  }
0x4f: {  	_ =	shalt  }
0x50: {  	_ =	shalt  }
0x51: {  	_ =	shalt  }
0x52: {  	_ =	shalt  }
0x53: {  	_ =	shalt  }
0x54: {  	_ =	shalt  }
0x55: {  	_ =	shalt  }
0x56: {  	_ =	shalt  }
0x57: {  	_ =	shalt  }
0x58: {  	_ =	shalt  }
0x59: {  	_ =	shalt  }
0x5a: {  	_ =	shalt  }
0x5b: {  	_ =	shalt  }
0x5c: {  	_ =	shalt  }
0x5d: {  	_ =	shalt  }
0x5e: {  	_ =	shalt  }
0x5f: {  	_ =	shalt  }
0x60: {  	_ =	shalt  }
0x61: {  	_ =	shalt  }
0x62: {  	_ =	shalt  }
0x63: {  	_ =	shalt  }
0x64: {  	_ =	shalt  }
0x65: {  	_ =	shalt  }
0x66: {  	_ =	shalt  }
0x67: {  	_ =	shalt  }
0x68: {  	_ =	shalt  }
0x69: {  	_ =	shalt  }
0x6a: {  	_ =	shalt  }
0x6b: {  	_ =	shalt  }
0x6c: {  	_ =	shalt  }
0x6d: {  	_ =	shalt  }
0x6e: {  	_ =	shalt  }
0x6f: {  	_ =	shalt  }
0x70: {  	_ =	shalt  }
0x71: {  	_ =	shalt  }
0x72: {  	_ =	shalt  }
0x73: {  	_ =	shalt  }
0x74: {  	_ =	shalt  }
0x75: {  	_ =	shalt  }
0x76: {  	_ =	shalt  }
0x77: {  	_ =	shalt  }
0x78: {  	_ =	shalt  }
0x79: {  	_ =	shalt  }
0x7a: {  	_ =	shalt  }
0x7b: {  	_ =	shalt  }
0x7c: {  	_ =	shalt  }
0x7d: {  	_ =	shalt  }
0x7e: {  	_ =	shalt  }
0x7f: {  	_ =	shalt  }
0x80: {  	_ =	shalt  }
0x81: {  	_ =	shalt  }
0x82: {  	_ =	shalt  }
0x83: {  	_ =	shalt  }
0x84: {  	_ =	shalt  }
0x85: {  	_ =	shalt  }
0x86: {  	_ =	shalt  }
0x87: {  	_ =	shalt  }
.Lfunc_end0:
.L_simem_size_0:
called_computation_lowered:
.L_overlay_start_0:
0x88: {  	s2 =	sld [smem:$0x3FD9]  }
0x89: {  	s3 =	sld [smem:$0x3FFE];
	_ =	sdelay $0x1  }
0x8a: {  	s1 =	srdreg.scid  }
0x8b: {  	s0 =	sand.u32 $0x1, s1  }
0x8c: {  	s17 =	sshll.u32 s0, $0xA;
	s2 =	sadd.s32 s3, s2  }
0x8d: {  	s2 =	sadd.s32 s2, s17  }
0x8e: {  	[smem:$0x3FC5] =	sst s2  }
0x8f: {  	_ = 	snop  }
0x90: {  	s2 =	sld [smem:$0x3FC9]  }
0x91: {  	s18 =	sld [smem:$0x3FD0];
	(tm) =	ssettm $0x1  }
0x92: {  	s4 =	sld [smem:$0x3FFB];
	_ =	sdelay $0x3  }
0x93: {  	_ =	strace s4  }
0x94: {  	s4 =	sld [smem:$0x3FFC];
	_ =	sdelay $0x3  }
0x95: {  	_ =	strace s4  }
0x96: {  	s4 =	sld [smem:$0x3FFD];
	_ =	sdelay $0x3  }
0x97: {  	_ =	strace s4  }
0x98: {  	_ =	strace $0x8FFFFFFF  }
0x99: {  	s19 =	sld [smem:$0x3FDB];
	_ =	sdelay $0x1  }
0x9a: {  	s5 =	simm.s32 $_scs_section_size  }
0x9b: {  	s6 =	simm.s32 $_size__tile_overlayer_lowered;
	s7 =	simm.s32 $_tile_overlayer_lowered  }
0x9c: {  	s22 =	simm.s32 $0x1BFF;
	s21 =	sshll.u32 s7, $0x1;
	s4 =	sadd.s32 s5, s19  }
0x9d: {  	s8 =	simm.s32 $0x0;
	s20 =	sshll.u32 s6, $0x1;
	s6 =	sadd.s32 s21, s4  }
0x9e: {  	[timem:s8], [sflag:s22] =	dma.local [hbm:s6], s20  }
0x9f: {  	_ =	swait.ge [sflag:s22], s20  }
0xa0: {  	s5 =	ssub.s32 $0x0, s20;
	[sflag:s22] =	ssyncset.done $0x0  }
0xa1: {  	[sflag:s22] =	ssyncadd.s32 s5;
	_ =	sdelay $0x1  }
0xa2: {  	s23 =	simm.s32 $0x1B8B  }
0xa3: {  	_ =	swait.ge [sflag:s23], $0x1  }
0xa4: {  	[sflag:s23] =	ssyncset.done $0x0  }
0xa5: {  	s25 =	simm.s32 $0x1B8E;
	s24 =	sld [smem:$0x3FFE];
	[sflag:s23] =	ssyncadd.s32 $0xFFFFFFFF  }
0xa6: {  	s26 =	simm.s32 $execute0_lowered;
	[smem:$0x3FD2] =	sst s25  }
0xa7: {  	s6 =	sshll.u32 s26, $0x1;
	_ =	strace $0x80000046;
	[dreg:$0x1] =	wrdreg $0xFFFFFFFF  }
0xa8: {  	s28 =	simm.s32 $_size_execute0_lowered;
	s4 =	sadd.s32 s4, s6;
	[dreg:$0x0] =	wrdreg $0x0  }
0xa9: {  	s6 =	sshll.u32 s28, $0x1;
	[dreg:$0x2] =	wrdreg s4  }
0xaa: {  	[dreg:$0x3] =	wrdreg s6  }
0xab: {  	[dreg:$0x4] =	wrdreg $0xC0  }
0xac: {  	_ =	task [dreg:s8], $0x5FFFF  }
0xad: {  	[dreg:$0x1] =	wrdreg $0xFFFFFFFF  }
0xae: {  	[dreg:$0x0] =	wrdreg $0x60  }
0xaf: {  	[dreg:$0x2] =	wrdreg s2  }
0xb0: {  	[dreg:$0x3] =	wrdreg s18  }
0xb1: {  	[dreg:$0x4] =	wrdreg s24  }
0xb2: {  	[dreg:$0x5] =	wrdreg $0x9  }
0xb3: {  	_ =	task.clear_ibuf [dreg:s8], $0x6FFFF;
	_ =	strace $0x90000046  }
0xb4: {  	s29 =	simm.s32 $0x9;
	_ =	strace $0x80000048  }
0xb5: {  	_ =	swait.ge [sflag:s29], $0x1  }
0xb6: {  	[sflag:s29] =	ssyncadd.s32 $0xFFFFFFFF  }
0xb7: {  	_ =	strace $0x90000048  }
0xb8: {  	_ =	sfence  }
0xb9: {  	s30 =	sld [smem:$0x0];
	_ =	sdelay $0x2  }
0xba: {  	s31 =	sshll.u32 s1, $0xD;
	s1 =	sshrl.u32 s1, $0x2  }
0xbb: {  	s3 =	sand.u32 $0x4000, s31;
	s1 =	sadd.s32 s1, s30  }
0xbc: {  	s0 =	sor.u32 s3, s0;
	s1 =	sshll.u32 s1, $0x11  }
0xbd: {  	s0 =	sor.u32 s1, s0  }
0xbe: {  	s0 =	sadd.s32 $0x8F2B, s0  }
0xbf: {  	[sflag:s0] =	ssyncadd.remote.s32 $0x1  }
0xc0: {  	_ =	sfence.sel $0xFFFF  }
0xc1: {  	[dreg:$0x0] =	wrdreg $0xFFFFFFFF;
	(pc) =	sbr.abs _section_cstart, $3  }
0xc2: {  	[dreg:$0x1] =	wrdreg $0xFFFFFFFF  }
0xc3: {  	_ =	task.clear_ibuf [dreg:s8], $0x2FFFF;
	_ =	strace $0x9FFFFFFF  }
0xc4: {  	(tm) =	ssettm $0x7FFFFFFF  }
0xc5: {  	_ =	shalt  }
tec
execute0_lowered:
.L_overlay_start_1:
0x0: {  	(tag) =	ssettag $0x1  }
0x1: {  	s2 =	rddreg [dreg:$0x0]  }
0x2: {  	s4 =	rddreg [dreg:$0x1]  }
0x3: {  	s1 =	srdreg.scid;
	s0 =	stileid.u32  }
0x4: {  	s23 =	rddreg [dreg:$0x2];
	s30 =	sand.u32 $0x1, s1;
	s5 =	sshll.u32 s0, $0x1  }
0x5: {  	s3 =	simm.s32 $0x0;
	s1 =	rddreg [dreg:$0x3];
	s24 =	sor.u32 s30, s5  }
0x6: {  	[smem:$0x7FF] =	sst s3;
	s5 =	sshll.u32 s24, $0x7  }
0x7: {  	_ =	strace $0x80000047;
	s5 =	sadd.s32 s4, s5;
	s4 =	simm.s32 $0x2  }
0x8: {  	[tilespmem:s3], [sflag:$0x2] =	stream.linear.gather [hbm4b:s5+s3], $0x400, $0x38;
	[tilespmem:$0x18C00] =	vst v63  }
0x9: {  	_ =	swait.ge [sflag:s4], $0x400  }
0xa: {  	[sflag:s4] =	ssyncset.done $0x0  }
0xb: {  	s6 =	simm.s32 $0x62;
	s7 =	simm.s32 $0x400;
	[sflag:s4] =	ssyncadd.s32 $0xFFFFFC00  }
0xc: {  	[tilespmem:s7], [sflag:$0x1] =	stream.indirect.gather [hbm4b:s2+s6], $0x80, s3, s6, $0xb8;
	[tilespmem:$0x18C00] =	vst v63  }
0xd: {  	s8 =	simm.s32 $0x80;
	s9 =	simm.s32 $0x3500  }
0xe: {  	[tilespmem:s9], [sflag:$0x1] =	stream.indirect.gather [hbm4b:s2+s6], $0x80, s8, s6, $0xb8;
	[tilespmem:$0x18C00] =	vst v63  }
0xf: {  	s10 =	simm.s32 $0x100;
	s11 =	simm.s32 $0x6600  }
0x10: {  	[tilespmem:s11], [sflag:$0x1] =	stream.indirect.gather [hbm4b:s2+s6], $0x80, s10, s6, $0xb8;
	[tilespmem:$0x18C00] =	vst v63  }
0x11: {  	s12 =	simm.s32 $0x180;
	s13 =	simm.s32 $0x9700  }
0x12: {  	[tilespmem:s13], [sflag:$0x1] =	stream.indirect.gather [hbm4b:s2+s6], $0x80, s12, s6, $0xb8;
	[tilespmem:$0x18C00] =	vst v63  }
0x13: {  	s14 =	simm.s32 $0x200;
	s15 =	simm.s32 $0xC800  }
0x14: {  	[tilespmem:s15], [sflag:$0x1] =	stream.indirect.gather [hbm4b:s2+s6], $0x80, s14, s6, $0xb8;
	[tilespmem:$0x18C00] =	vst v63  }
0x15: {  	s16 =	simm.s32 $0x280;
	s17 =	simm.s32 $0xF900  }
0x16: {  	[tilespmem:s17], [sflag:$0x1] =	stream.indirect.gather [hbm4b:s2+s6], $0x80, s16, s6, $0xb8;
	[tilespmem:$0x18C00] =	vst v63  }
0x17: {  	s18 =	simm.s32 $0x300;
	s19 =	simm.s32 $0x12A00  }
0x18: {  	[tilespmem:s19], [sflag:$0x1] =	stream.indirect.gather [hbm4b:s2+s6], $0x80, s18, s6, $0xb8;
	[tilespmem:$0x18C00] =	vst v63  }
0x19: {  	s20 =	simm.s32 $0x380;
	s21 =	simm.s32 $0x15B00;
	s22 =	simm.s32 $0x1  }
0x1a: {  	[tilespmem:s21], [sflag:$0x1] =	stream.indirect.gather [hbm4b:s2+s6], $0x80, s20, s6, $0xb8;
	[tilespmem:$0x18C00] =	vst v63  }
0x1b: {  	_ =	swait.ge [sflag:s22], $0x3100  }
0x1c: {  	[sflag:s22] =	ssyncset.done $0x0  }
0x1d: {  	[sflag:s22] =	ssyncadd.s32 $0xFFFFCF00  }
0x1e: {  	_ =	swait.ge [sflag:s22], $0x3100  }
0x1f: {  	[sflag:s22] =	ssyncset.done $0x0  }
0x20: {  	[sflag:s22] =	ssyncadd.s32 $0xFFFFCF00  }
0x21: {  	_ =	swait.ge [sflag:s22], $0x3100  }
0x22: {  	[sflag:s22] =	ssyncset.done $0x0  }
0x23: {  	[sflag:s22] =	ssyncadd.s32 $0xFFFFCF00  }
0x24: {  	_ =	swait.ge [sflag:s22], $0x3100  }
0x25: {  	[sflag:s22] =	ssyncset.done $0x0  }
0x26: {  	[sflag:s22] =	ssyncadd.s32 $0xFFFFCF00  }
0x27: {  	_ =	swait.ge [sflag:s22], $0x3100  }
0x28: {  	[sflag:s22] =	ssyncset.done $0x0  }
0x29: {  	[sflag:s22] =	ssyncadd.s32 $0xFFFFCF00  }
0x2a: {  	_ =	swait.ge [sflag:s22], $0x3100  }
0x2b: {  	[sflag:s22] =	ssyncset.done $0x0  }
0x2c: {  	[sflag:s22] =	ssyncadd.s32 $0xFFFFCF00  }
0x2d: {  	_ =	swait.ge [sflag:s22], $0x3100  }
0x2e: {  	[sflag:s22] =	ssyncset.done $0x0  }
0x2f: {  	s24 =	smul.u32 $0x18800, s24;
	[sflag:s22] =	ssyncadd.s32 $0xFFFFCF00  }
0x30: {  	_ =	swait.ge [sflag:s22], $0x3100  }
0x31: {  	s24 =	sshrl.u32 s24, $0x3;
	[sflag:s22] =	ssyncset.done $0x0  }
0x32: {  	s23 =	sadd.s32 s23, s24;
	[sflag:s22] =	ssyncadd.s32 $0xFFFFCF00  }
0x33: {  	[hbm4b:s23+s3] =	stream.linear.scatter [tilespmem:s7], [sflag:$0x2], $0x18800, $0x38;
	[tilespmem:$0x18C00] =	vst v63  }
0x34: {  	_ =	swait.ge [sflag:s4], $0x18800  }
0x35: {  	[sflag:s4] =	ssyncset.done $0x0  }
0x36: {  	s24 =	sadd.s32 $0x1000, s5;
	[sflag:s4] =	ssyncadd.s32 $0xFFFE7800  }
0x37: {  	[tilespmem:s3], [sflag:$0x2] =	stream.linear.gather [hbm4b:s24+s3], $0x400, $0x38;
	[tilespmem:$0x18C00] =	vst v63  }
0x38: {  	_ =	swait.ge [sflag:s4], $0x400  }
0x39: {  	[sflag:s4] =	ssyncset.done $0x0  }
0x3a: {  	[sflag:s4] =	ssyncadd.s32 $0xFFFFFC00  }
0x3b: {  	[tilespmem:s7], [sflag:$0x1] =	stream.indirect.gather [hbm4b:s2+s6], $0x80, s3, s6, $0xb8;
	[tilespmem:$0x18C00] =	vst v63  }
0x3c: {  	_ = 	snop  }
0x3d: {  	[tilespmem:s9], [sflag:$0x1] =	stream.indirect.gather [hbm4b:s2+s6], $0x80, s8, s6, $0xb8;
	[tilespmem:$0x18C00] =	vst v63  }
0x3e: {  	_ = 	snop  }
0x3f: {  	[tilespmem:s11], [sflag:$0x1] =	stream.indirect.gather [hbm4b:s2+s6], $0x80, s10, s6, $0xb8;
	[tilespmem:$0x18C00] =	vst v63  }
0x40: {  	_ = 	snop  }
0x41: {  	[tilespmem:s13], [sflag:$0x1] =	stream.indirect.gather [hbm4b:s2+s6], $0x80, s12, s6, $0xb8;
	[tilespmem:$0x18C00] =	vst v63  }
0x42: {  	_ = 	snop  }
0x43: {  	[tilespmem:s15], [sflag:$0x1] =	stream.indirect.gather [hbm4b:s2+s6], $0x80, s14, s6, $0xb8;
	[tilespmem:$0x18C00] =	vst v63  }
0x44: {  	_ = 	snop  }
0x45: {  	[tilespmem:s17], [sflag:$0x1] =	stream.indirect.gather [hbm4b:s2+s6], $0x80, s16, s6, $0xb8;
	[tilespmem:$0x18C00] =	vst v63  }
0x46: {  	_ = 	snop  }
0x47: {  	[tilespmem:s19], [sflag:$0x1] =	stream.indirect.gather [hbm4b:s2+s6], $0x80, s18, s6, $0xb8;
	[tilespmem:$0x18C00] =	vst v63  }
0x48: {  	_ = 	snop  }
0x49: {  	[tilespmem:s21], [sflag:$0x1] =	stream.indirect.gather [hbm4b:s2+s6], $0x80, s20, s6, $0xb8;
	[tilespmem:$0x18C00] =	vst v63  }
0x4a: {  	_ =	swait.ge [sflag:s22], $0x3100  }
0x4b: {  	[sflag:s22] =	ssyncset.done $0x0  }
0x4c: {  	[sflag:s22] =	ssyncadd.s32 $0xFFFFCF00  }
0x4d: {  	_ =	swait.ge [sflag:s22], $0x3100  }
0x4e: {  	[sflag:s22] =	ssyncset.done $0x0  }
0x4f: {  	[sflag:s22] =	ssyncadd.s32 $0xFFFFCF00  }
0x50: {  	_ =	swait.ge [sflag:s22], $0x3100  }
0x51: {  	[sflag:s22] =	ssyncset.done $0x0  }
0x52: {  	[sflag:s22] =	ssyncadd.s32 $0xFFFFCF00  }
0x53: {  	_ =	swait.ge [sflag:s22], $0x3100  }
0x54: {  	[sflag:s22] =	ssyncset.done $0x0  }
0x55: {  	[sflag:s22] =	ssyncadd.s32 $0xFFFFCF00  }
0x56: {  	_ =	swait.ge [sflag:s22], $0x3100  }
0x57: {  	[sflag:s22] =	ssyncset.done $0x0  }
0x58: {  	[sflag:s22] =	ssyncadd.s32 $0xFFFFCF00  }
0x59: {  	_ =	swait.ge [sflag:s22], $0x3100  }
0x5a: {  	[sflag:s22] =	ssyncset.done $0x0  }
0x5b: {  	[sflag:s22] =	ssyncadd.s32 $0xFFFFCF00  }
0x5c: {  	_ =	swait.ge [sflag:s22], $0x3100  }
0x5d: {  	[sflag:s22] =	ssyncset.done $0x0  }
0x5e: {  	[sflag:s22] =	ssyncadd.s32 $0xFFFFCF00  }
0x5f: {  	_ =	swait.ge [sflag:s22], $0x3100  }
0x60: {  	[sflag:s22] =	ssyncset.done $0x0  }
0x61: {  	s25 =	sadd.s32 $0x62000, s23;
	[sflag:s22] =	ssyncadd.s32 $0xFFFFCF00  }
0x62: {  	[hbm4b:s25+s3] =	stream.linear.scatter [tilespmem:s7], [sflag:$0x2], $0x18800, $0x38;
	[tilespmem:$0x18C00] =	vst v63  }
0x63: {  	_ =	swait.ge [sflag:s4], $0x18800  }
0x64: {  	[sflag:s4] =	ssyncset.done $0x0  }
0x65: {  	s26 =	sadd.s32 $0x2000, s5;
	[sflag:s4] =	ssyncadd.s32 $0xFFFE7800  }
0x66: {  	[tilespmem:s3], [sflag:$0x2] =	stream.linear.gather [hbm4b:s26+s3], $0x400, $0x38;
	[tilespmem:$0x18C00] =	vst v63  }
0x67: {  	_ =	swait.ge [sflag:s4], $0x400  }
0x68: {  	[sflag:s4] =	ssyncset.done $0x0  }
0x69: {  	[sflag:s4] =	ssyncadd.s32 $0xFFFFFC00  }
0x6a: {  	[tilespmem:s7], [sflag:$0x1] =	stream.indirect.gather [hbm4b:s2+s6], $0x80, s3, s6, $0xb8;
	[tilespmem:$0x18C00] =	vst v63  }
0x6b: {  	_ = 	snop  }
0x6c: {  	[tilespmem:s9], [sflag:$0x1] =	stream.indirect.gather [hbm4b:s2+s6], $0x80, s8, s6, $0xb8;
	[tilespmem:$0x18C00] =	vst v63  }
0x6d: {  	_ = 	snop  }
0x6e: {  	[tilespmem:s11], [sflag:$0x1] =	stream.indirect.gather [hbm4b:s2+s6], $0x80, s10, s6, $0xb8;
	[tilespmem:$0x18C00] =	vst v63  }
0x6f: {  	_ = 	snop  }
0x70: {  	[tilespmem:s13], [sflag:$0x1] =	stream.indirect.gather [hbm4b:s2+s6], $0x80, s12, s6, $0xb8;
	[tilespmem:$0x18C00] =	vst v63  }
0x71: {  	_ = 	snop  }
0x72: {  	[tilespmem:s15], [sflag:$0x1] =	stream.indirect.gather [hbm4b:s2+s6], $0x80, s14, s6, $0xb8;
	[tilespmem:$0x18C00] =	vst v63  }
0x73: {  	_ = 	snop  }
0x74: {  	[tilespmem:s17], [sflag:$0x1] =	stream.indirect.gather [hbm4b:s2+s6], $0x80, s16, s6, $0xb8;
	[tilespmem:$0x18C00] =	vst v63  }
0x75: {  	_ = 	snop  }
0x76: {  	[tilespmem:s19], [sflag:$0x1] =	stream.indirect.gather [hbm4b:s2+s6], $0x80, s18, s6, $0xb8;
	[tilespmem:$0x18C00] =	vst v63  }
0x77: {  	_ = 	snop  }
0x78: {  	[tilespmem:s21], [sflag:$0x1] =	stream.indirect.gather [hbm4b:s2+s6], $0x80, s20, s6, $0xb8;
	[tilespmem:$0x18C00] =	vst v63  }
0x79: {  	_ =	swait.ge [sflag:s22], $0x3100  }
0x7a: {  	[sflag:s22] =	ssyncset.done $0x0  }
0x7b: {  	[sflag:s22] =	ssyncadd.s32 $0xFFFFCF00  }
0x7c: {  	_ =	swait.ge [sflag:s22], $0x3100  }
0x7d: {  	[sflag:s22] =	ssyncset.done $0x0  }
0x7e: {  	[sflag:s22] =	ssyncadd.s32 $0xFFFFCF00  }
0x7f: {  	_ =	swait.ge [sflag:s22], $0x3100  }
0x80: {  	[sflag:s22] =	ssyncset.done $0x0  }
0x81: {  	[sflag:s22] =	ssyncadd.s32 $0xFFFFCF00  }
0x82: {  	_ =	swait.ge [sflag:s22], $0x3100  }
0x83: {  	[sflag:s22] =	ssyncset.done $0x0  }
0x84: {  	[sflag:s22] =	ssyncadd.s32 $0xFFFFCF00  }
0x85: {  	_ =	swait.ge [sflag:s22], $0x3100  }
0x86: {  	[sflag:s22] =	ssyncset.done $0x0  }
0x87: {  	[sflag:s22] =	ssyncadd.s32 $0xFFFFCF00  }
0x88: {  	_ =	swait.ge [sflag:s22], $0x3100  }
0x89: {  	[sflag:s22] =	ssyncset.done $0x0  }
0x8a: {  	[sflag:s22] =	ssyncadd.s32 $0xFFFFCF00  }
0x8b: {  	_ =	swait.ge [sflag:s22], $0x3100  }
0x8c: {  	[sflag:s22] =	ssyncset.done $0x0  }
0x8d: {  	[sflag:s22] =	ssyncadd.s32 $0xFFFFCF00  }
0x8e: {  	_ =	swait.ge [sflag:s22], $0x3100  }
0x8f: {  	[sflag:s22] =	ssyncset.done $0x0  }
0x90: {  	s28 =	sadd.s32 $0xC4000, s23;
	[sflag:s22] =	ssyncadd.s32 $0xFFFFCF00  }
0x91: {  	[hbm4b:s28+s3] =	stream.linear.scatter [tilespmem:s7], [sflag:$0x2], $0x18800, $0x38;
	[tilespmem:$0x18C00] =	vst v63  }
0x92: {  	_ =	swait.ge [sflag:s4], $0x18800  }
0x93: {  	[sflag:s4] =	ssyncset.done $0x0  }
0x94: {  	s29 =	sadd.s32 $0x3000, s5;
	[sflag:s4] =	ssyncadd.s32 $0xFFFE7800  }
0x95: {  	[tilespmem:s3], [sflag:$0x2] =	stream.linear.gather [hbm4b:s29+s3], $0x400, $0x38;
	[tilespmem:$0x18C00] =	vst v63  }
0x96: {  	_ =	swait.ge [sflag:s4], $0x400  }
0x97: {  	[sflag:s4] =	ssyncset.done $0x0  }
0x98: {  	[sflag:s4] =	ssyncadd.s32 $0xFFFFFC00  }
0x99: {  	[tilespmem:s7], [sflag:$0x1] =	stream.indirect.gather [hbm4b:s2+s6], $0x80, s3, s6, $0xb8;
	[tilespmem:$0x18C00] =	vst v63  }
0x9a: {  	_ = 	snop  }
0x9b: {  	[tilespmem:s9], [sflag:$0x1] =	stream.indirect.gather [hbm4b:s2+s6], $0x80, s8, s6, $0xb8;
	[tilespmem:$0x18C00] =	vst v63  }
0x9c: {  	_ = 	snop  }
0x9d: {  	[tilespmem:s11], [sflag:$0x1] =	stream.indirect.gather [hbm4b:s2+s6], $0x80, s10, s6, $0xb8;
	[tilespmem:$0x18C00] =	vst v63  }
0x9e: {  	_ = 	snop  }
0x9f: {  	[tilespmem:s13], [sflag:$0x1] =	stream.indirect.gather [hbm4b:s2+s6], $0x80, s12, s6, $0xb8;
	[tilespmem:$0x18C00] =	vst v63  }
0xa0: {  	_ = 	snop  }
0xa1: {  	[tilespmem:s15], [sflag:$0x1] =	stream.indirect.gather [hbm4b:s2+s6], $0x80, s14, s6, $0xb8;
	[tilespmem:$0x18C00] =	vst v63  }
0xa2: {  	_ = 	snop  }
0xa3: {  	[tilespmem:s17], [sflag:$0x1] =	stream.indirect.gather [hbm4b:s2+s6], $0x80, s16, s6, $0xb8;
	[tilespmem:$0x18C00] =	vst v63  }
0xa4: {  	_ = 	snop  }
0xa5: {  	[tilespmem:s19], [sflag:$0x1] =	stream.indirect.gather [hbm4b:s2+s6], $0x80, s18, s6, $0xb8;
	[tilespmem:$0x18C00] =	vst v63  }
0xa6: {  	_ = 	snop  }
0xa7: {  	[tilespmem:s21], [sflag:$0x1] =	stream.indirect.gather [hbm4b:s2+s6], $0x80, s20, s6, $0xb8;
	[tilespmem:$0x18C00] =	vst v63  }
0xa8: {  	_ =	swait.ge [sflag:s22], $0x3100  }
0xa9: {  	[sflag:s22] =	ssyncset.done $0x0  }
0xaa: {  	[sflag:s22] =	ssyncadd.s32 $0xFFFFCF00  }
0xab: {  	_ =	swait.ge [sflag:s22], $0x3100  }
0xac: {  	[sflag:s22] =	ssyncset.done $0x0  }
0xad: {  	[sflag:s22] =	ssyncadd.s32 $0xFFFFCF00  }
0xae: {  	_ =	swait.ge [sflag:s22], $0x3100  }
0xaf: {  	[sflag:s22] =	ssyncset.done $0x0  }
0xb0: {  	[sflag:s22] =	ssyncadd.s32 $0xFFFFCF00  }
0xb1: {  	_ =	swait.ge [sflag:s22], $0x3100  }
0xb2: {  	[sflag:s22] =	ssyncset.done $0x0  }
0xb3: {  	[sflag:s22] =	ssyncadd.s32 $0xFFFFCF00  }
0xb4: {  	_ =	swait.ge [sflag:s22], $0x3100  }
0xb5: {  	[sflag:s22] =	ssyncset.done $0x0  }
0xb6: {  	[sflag:s22] =	ssyncadd.s32 $0xFFFFCF00  }
0xb7: {  	_ =	swait.ge [sflag:s22], $0x3100  }
0xb8: {  	[sflag:s22] =	ssyncset.done $0x0  }
0xb9: {  	s30 =	ssub.s32 $0x2, s30;
	[sflag:s22] =	ssyncadd.s32 $0xFFFFCF00  }
0xba: {  	s31 =	sshrl.u32 s30, $0x1;
	_ =	swait.ge [sflag:s22], $0x3100  }
0xbb: {  	s30 =	ssub.s32 s30, s31;
	[sflag:s22] =	ssyncset.done $0x0  }
0xbc: {  	s31 =	smax.u32 s30, $0x1;
	[sflag:s22] =	ssyncadd.s32 $0xFFFFCF00  }
0xbd: {  	p0 =	sne.s32 s31, $0x1;
	_ =	swait.ge [sflag:s22], $0x3100  }
.Ltmp0:
0xbe: {  	[sflag:s22] =	ssyncset.done $0x0;
	(pc) =	sbr.rel @!p0 .LBB2_2-.Ltmp0, $4  }
0xbf: {  	s30 =	sadd.s32 $0x126000, s23;
	[sflag:s22] =	ssyncadd.s32 $0xFFFFCF00  }
0xc0: {  	[hbm4b:s30+s3] =	stream.linear.scatter [tilespmem:s7], [sflag:$0x2], $0x18800, $0x38;
	[tilespmem:$0x18C00] =	vst v63  }
0xc1: {  	_ =	swait.ge [sflag:s4], $0x18800  }
0xc2: {  	s31 =	sadd.s32 $0xFFFFFFFF, s31;
	[sflag:s4] =	ssyncset.done $0x0  }
.LBB2_1:
0xc3: {  	p0 =	sne.s32 s31, $0x1;
	s31 =	sadd.s32 $0xFFFFFFFF, s31;
	[sflag:s4] =	ssyncadd.s32 $0xFFFE7800  }
0xc4: {  	[tilespmem:s3], [sflag:$0x2] =	stream.linear.gather [hbm4b:s5+s3], $0x400, $0x38;
	[tilespmem:$0x18C00] =	vst v63  }
0xc5: {  	_ =	swait.ge [sflag:s4], $0x400  }
0xc6: {  	[sflag:s4] =	ssyncset.done $0x0  }
0xc7: {  	[sflag:s4] =	ssyncadd.s32 $0xFFFFFC00  }
0xc8: {  	[tilespmem:s7], [sflag:$0x1] =	stream.indirect.gather [hbm4b:s2+s6], $0x80, s3, s6, $0xb8;
	[tilespmem:$0x18C00] =	vst v63  }
0xc9: {  	_ = 	snop  }
0xca: {  	[tilespmem:s9], [sflag:$0x1] =	stream.indirect.gather [hbm4b:s2+s6], $0x80, s8, s6, $0xb8;
	[tilespmem:$0x18C00] =	vst v63  }
0xcb: {  	_ = 	snop  }
0xcc: {  	[tilespmem:s11], [sflag:$0x1] =	stream.indirect.gather [hbm4b:s2+s6], $0x80, s10, s6, $0xb8;
	[tilespmem:$0x18C00] =	vst v63  }
0xcd: {  	_ = 	snop  }
0xce: {  	[tilespmem:s13], [sflag:$0x1] =	stream.indirect.gather [hbm4b:s2+s6], $0x80, s12, s6, $0xb8;
	[tilespmem:$0x18C00] =	vst v63  }
0xcf: {  	_ = 	snop  }
0xd0: {  	[tilespmem:s15], [sflag:$0x1] =	stream.indirect.gather [hbm4b:s2+s6], $0x80, s14, s6, $0xb8;
	[tilespmem:$0x18C00] =	vst v63  }
0xd1: {  	_ = 	snop  }
0xd2: {  	[tilespmem:s17], [sflag:$0x1] =	stream.indirect.gather [hbm4b:s2+s6], $0x80, s16, s6, $0xb8;
	[tilespmem:$0x18C00] =	vst v63  }
0xd3: {  	_ = 	snop  }
0xd4: {  	[tilespmem:s19], [sflag:$0x1] =	stream.indirect.gather [hbm4b:s2+s6], $0x80, s18, s6, $0xb8;
	[tilespmem:$0x18C00] =	vst v63  }
0xd5: {  	_ = 	snop  }
0xd6: {  	[tilespmem:s21], [sflag:$0x1] =	stream.indirect.gather [hbm4b:s2+s6], $0x80, s20, s6, $0xb8;
	[tilespmem:$0x18C00] =	vst v63  }
0xd7: {  	_ =	swait.ge [sflag:s22], $0x3100  }
0xd8: {  	[sflag:s22] =	ssyncset.done $0x0  }
0xd9: {  	[sflag:s22] =	ssyncadd.s32 $0xFFFFCF00  }
0xda: {  	_ =	swait.ge [sflag:s22], $0x3100  }
0xdb: {  	[sflag:s22] =	ssyncset.done $0x0  }
0xdc: {  	[sflag:s22] =	ssyncadd.s32 $0xFFFFCF00  }
0xdd: {  	_ =	swait.ge [sflag:s22], $0x3100  }
0xde: {  	[sflag:s22] =	ssyncset.done $0x0  }
0xdf: {  	[sflag:s22] =	ssyncadd.s32 $0xFFFFCF00  }
0xe0: {  	_ =	swait.ge [sflag:s22], $0x3100  }
0xe1: {  	[sflag:s22] =	ssyncset.done $0x0  }
0xe2: {  	[sflag:s22] =	ssyncadd.s32 $0xFFFFCF00  }
0xe3: {  	_ =	swait.ge [sflag:s22], $0x3100  }
0xe4: {  	[sflag:s22] =	ssyncset.done $0x0  }
0xe5: {  	[sflag:s22] =	ssyncadd.s32 $0xFFFFCF00  }
0xe6: {  	_ =	swait.ge [sflag:s22], $0x3100  }
0xe7: {  	[sflag:s22] =	ssyncset.done $0x0  }
0xe8: {  	[sflag:s22] =	ssyncadd.s32 $0xFFFFCF00  }
0xe9: {  	_ =	swait.ge [sflag:s22], $0x3100  }
0xea: {  	[sflag:s22] =	ssyncset.done $0x0  }
0xeb: {  	[sflag:s22] =	ssyncadd.s32 $0xFFFFCF00  }
0xec: {  	_ =	swait.ge [sflag:s22], $0x3100  }
0xed: {  	[sflag:s22] =	ssyncset.done $0x0  }
0xee: {  	[sflag:s22] =	ssyncadd.s32 $0xFFFFCF00  }
0xef: {  	[hbm4b:s23+s3] =	stream.linear.scatter [tilespmem:s7], [sflag:$0x2], $0x18800, $0x38;
	[tilespmem:$0x18C00] =	vst v63  }
0xf0: {  	_ =	swait.ge [sflag:s4], $0x18800  }
0xf1: {  	[sflag:s4] =	ssyncset.done $0x0  }
0xf2: {  	[sflag:s4] =	ssyncadd.s32 $0xFFFE7800  }
0xf3: {  	[tilespmem:s3], [sflag:$0x2] =	stream.linear.gather [hbm4b:s24+s3], $0x400, $0x38;
	[tilespmem:$0x18C00] =	vst v63  }
0xf4: {  	_ =	swait.ge [sflag:s4], $0x400  }
0xf5: {  	[sflag:s4] =	ssyncset.done $0x0  }
0xf6: {  	[sflag:s4] =	ssyncadd.s32 $0xFFFFFC00  }
0xf7: {  	[tilespmem:s7], [sflag:$0x1] =	stream.indirect.gather [hbm4b:s2+s6], $0x80, s3, s6, $0xb8;
	[tilespmem:$0x18C00] =	vst v63  }
0xf8: {  	_ = 	snop  }
0xf9: {  	[tilespmem:s9], [sflag:$0x1] =	stream.indirect.gather [hbm4b:s2+s6], $0x80, s8, s6, $0xb8;
	[tilespmem:$0x18C00] =	vst v63  }
0xfa: {  	_ = 	snop  }
0xfb: {  	[tilespmem:s11], [sflag:$0x1] =	stream.indirect.gather [hbm4b:s2+s6], $0x80, s10, s6, $0xb8;
	[tilespmem:$0x18C00] =	vst v63  }
0xfc: {  	_ = 	snop  }
0xfd: {  	[tilespmem:s13], [sflag:$0x1] =	stream.indirect.gather [hbm4b:s2+s6], $0x80, s12, s6, $0xb8;
	[tilespmem:$0x18C00] =	vst v63  }
0xfe: {  	_ = 	snop  }
0xff: {  	[tilespmem:s15], [sflag:$0x1] =	stream.indirect.gather [hbm4b:s2+s6], $0x80, s14, s6, $0xb8;
	[tilespmem:$0x18C00] =	vst v63  }
0x100: {  	_ = 	snop  }
0x101: {  	[tilespmem:s17], [sflag:$0x1] =	stream.indirect.gather [hbm4b:s2+s6], $0x80, s16, s6, $0xb8;
	[tilespmem:$0x18C00] =	vst v63  }
0x102: {  	_ = 	snop  }
0x103: {  	[tilespmem:s19], [sflag:$0x1] =	stream.indirect.gather [hbm4b:s2+s6], $0x80, s18, s6, $0xb8;
	[tilespmem:$0x18C00] =	vst v63  }
0x104: {  	_ = 	snop  }
0x105: {  	[tilespmem:s21], [sflag:$0x1] =	stream.indirect.gather [hbm4b:s2+s6], $0x80, s20, s6, $0xb8;
	[tilespmem:$0x18C00] =	vst v63  }
0x106: {  	_ =	swait.ge [sflag:s22], $0x3100  }
0x107: {  	[sflag:s22] =	ssyncset.done $0x0  }
0x108: {  	[sflag:s22] =	ssyncadd.s32 $0xFFFFCF00  }
0x109: {  	_ =	swait.ge [sflag:s22], $0x3100  }
0x10a: {  	[sflag:s22] =	ssyncset.done $0x0  }
0x10b: {  	[sflag:s22] =	ssyncadd.s32 $0xFFFFCF00  }
0x10c: {  	_ =	swait.ge [sflag:s22], $0x3100  }
0x10d: {  	[sflag:s22] =	ssyncset.done $0x0  }
0x10e: {  	[sflag:s22] =	ssyncadd.s32 $0xFFFFCF00  }
0x10f: {  	_ =	swait.ge [sflag:s22], $0x3100  }
0x110: {  	[sflag:s22] =	ssyncset.done $0x0  }
0x111: {  	[sflag:s22] =	ssyncadd.s32 $0xFFFFCF00  }
0x112: {  	_ =	swait.ge [sflag:s22], $0x3100  }
0x113: {  	[sflag:s22] =	ssyncset.done $0x0  }
0x114: {  	[sflag:s22] =	ssyncadd.s32 $0xFFFFCF00  }
0x115: {  	_ =	swait.ge [sflag:s22], $0x3100  }
0x116: {  	[sflag:s22] =	ssyncset.done $0x0  }
0x117: {  	[sflag:s22] =	ssyncadd.s32 $0xFFFFCF00  }
0x118: {  	_ =	swait.ge [sflag:s22], $0x3100  }
0x119: {  	[sflag:s22] =	ssyncset.done $0x0  }
0x11a: {  	[sflag:s22] =	ssyncadd.s32 $0xFFFFCF00  }
0x11b: {  	_ =	swait.ge [sflag:s22], $0x3100  }
0x11c: {  	[sflag:s22] =	ssyncset.done $0x0  }
0x11d: {  	[sflag:s22] =	ssyncadd.s32 $0xFFFFCF00  }
0x11e: {  	[hbm4b:s25+s3] =	stream.linear.scatter [tilespmem:s7], [sflag:$0x2], $0x18800, $0x38;
	[tilespmem:$0x18C00] =	vst v63  }
0x11f: {  	_ =	swait.ge [sflag:s4], $0x18800  }
0x120: {  	[sflag:s4] =	ssyncset.done $0x0  }
0x121: {  	[sflag:s4] =	ssyncadd.s32 $0xFFFE7800  }
0x122: {  	[tilespmem:s3], [sflag:$0x2] =	stream.linear.gather [hbm4b:s26+s3], $0x400, $0x38;
	[tilespmem:$0x18C00] =	vst v63  }
0x123: {  	_ =	swait.ge [sflag:s4], $0x400  }
0x124: {  	[sflag:s4] =	ssyncset.done $0x0  }
0x125: {  	[sflag:s4] =	ssyncadd.s32 $0xFFFFFC00  }
0x126: {  	[tilespmem:s7], [sflag:$0x1] =	stream.indirect.gather [hbm4b:s2+s6], $0x80, s3, s6, $0xb8;
	[tilespmem:$0x18C00] =	vst v63  }
0x127: {  	_ = 	snop  }
0x128: {  	[tilespmem:s9], [sflag:$0x1] =	stream.indirect.gather [hbm4b:s2+s6], $0x80, s8, s6, $0xb8;
	[tilespmem:$0x18C00] =	vst v63  }
0x129: {  	_ = 	snop  }
0x12a: {  	[tilespmem:s11], [sflag:$0x1] =	stream.indirect.gather [hbm4b:s2+s6], $0x80, s10, s6, $0xb8;
	[tilespmem:$0x18C00] =	vst v63  }
0x12b: {  	_ = 	snop  }
0x12c: {  	[tilespmem:s13], [sflag:$0x1] =	stream.indirect.gather [hbm4b:s2+s6], $0x80, s12, s6, $0xb8;
	[tilespmem:$0x18C00] =	vst v63  }
0x12d: {  	_ = 	snop  }
0x12e: {  	[tilespmem:s15], [sflag:$0x1] =	stream.indirect.gather [hbm4b:s2+s6], $0x80, s14, s6, $0xb8;
	[tilespmem:$0x18C00] =	vst v63  }
0x12f: {  	_ = 	snop  }
0x130: {  	[tilespmem:s17], [sflag:$0x1] =	stream.indirect.gather [hbm4b:s2+s6], $0x80, s16, s6, $0xb8;
	[tilespmem:$0x18C00] =	vst v63  }
0x131: {  	_ = 	snop  }
0x132: {  	[tilespmem:s19], [sflag:$0x1] =	stream.indirect.gather [hbm4b:s2+s6], $0x80, s18, s6, $0xb8;
	[tilespmem:$0x18C00] =	vst v63  }
0x133: {  	_ = 	snop  }
0x134: {  	[tilespmem:s21], [sflag:$0x1] =	stream.indirect.gather [hbm4b:s2+s6], $0x80, s20, s6, $0xb8;
	[tilespmem:$0x18C00] =	vst v63  }
0x135: {  	_ =	swait.ge [sflag:s22], $0x3100  }
0x136: {  	[sflag:s22] =	ssyncset.done $0x0  }
0x137: {  	[sflag:s22] =	ssyncadd.s32 $0xFFFFCF00  }
0x138: {  	_ =	swait.ge [sflag:s22], $0x3100  }
0x139: {  	[sflag:s22] =	ssyncset.done $0x0  }
0x13a: {  	[sflag:s22] =	ssyncadd.s32 $0xFFFFCF00  }
0x13b: {  	_ =	swait.ge [sflag:s22], $0x3100  }
0x13c: {  	[sflag:s22] =	ssyncset.done $0x0  }
0x13d: {  	[sflag:s22] =	ssyncadd.s32 $0xFFFFCF00  }
0x13e: {  	_ =	swait.ge [sflag:s22], $0x3100  }
0x13f: {  	[sflag:s22] =	ssyncset.done $0x0  }
0x140: {  	[sflag:s22] =	ssyncadd.s32 $0xFFFFCF00  }
0x141: {  	_ =	swait.ge [sflag:s22], $0x3100  }
0x142: {  	[sflag:s22] =	ssyncset.done $0x0  }
0x143: {  	[sflag:s22] =	ssyncadd.s32 $0xFFFFCF00  }
0x144: {  	_ =	swait.ge [sflag:s22], $0x3100  }
0x145: {  	[sflag:s22] =	ssyncset.done $0x0  }
0x146: {  	[sflag:s22] =	ssyncadd.s32 $0xFFFFCF00  }
0x147: {  	_ =	swait.ge [sflag:s22], $0x3100  }
0x148: {  	[sflag:s22] =	ssyncset.done $0x0  }
0x149: {  	[sflag:s22] =	ssyncadd.s32 $0xFFFFCF00  }
0x14a: {  	_ =	swait.ge [sflag:s22], $0x3100  }
0x14b: {  	[sflag:s22] =	ssyncset.done $0x0  }
0x14c: {  	[sflag:s22] =	ssyncadd.s32 $0xFFFFCF00  }
0x14d: {  	[hbm4b:s28+s3] =	stream.linear.scatter [tilespmem:s7], [sflag:$0x2], $0x18800, $0x38;
	[tilespmem:$0x18C00] =	vst v63  }
0x14e: {  	_ =	swait.ge [sflag:s4], $0x18800  }
0x14f: {  	[sflag:s4] =	ssyncset.done $0x0  }
0x150: {  	[sflag:s4] =	ssyncadd.s32 $0xFFFE7800  }
0x151: {  	[tilespmem:s3], [sflag:$0x2] =	stream.linear.gather [hbm4b:s29+s3], $0x400, $0x38;
	[tilespmem:$0x18C00] =	vst v63  }
0x152: {  	_ =	swait.ge [sflag:s4], $0x400  }
0x153: {  	[sflag:s4] =	ssyncset.done $0x0  }
0x154: {  	[sflag:s4] =	ssyncadd.s32 $0xFFFFFC00  }
0x155: {  	[tilespmem:s7], [sflag:$0x1] =	stream.indirect.gather [hbm4b:s2+s6], $0x80, s3, s6, $0xb8;
	[tilespmem:$0x18C00] =	vst v63  }
0x156: {  	_ = 	snop  }
0x157: {  	[tilespmem:s9], [sflag:$0x1] =	stream.indirect.gather [hbm4b:s2+s6], $0x80, s8, s6, $0xb8;
	[tilespmem:$0x18C00] =	vst v63  }
0x158: {  	_ = 	snop  }
0x159: {  	[tilespmem:s11], [sflag:$0x1] =	stream.indirect.gather [hbm4b:s2+s6], $0x80, s10, s6, $0xb8;
	[tilespmem:$0x18C00] =	vst v63  }
0x15a: {  	_ = 	snop  }
0x15b: {  	[tilespmem:s13], [sflag:$0x1] =	stream.indirect.gather [hbm4b:s2+s6], $0x80, s12, s6, $0xb8;
	[tilespmem:$0x18C00] =	vst v63  }
0x15c: {  	_ = 	snop  }
0x15d: {  	[tilespmem:s15], [sflag:$0x1] =	stream.indirect.gather [hbm4b:s2+s6], $0x80, s14, s6, $0xb8;
	[tilespmem:$0x18C00] =	vst v63  }
0x15e: {  	_ = 	snop  }
0x15f: {  	[tilespmem:s17], [sflag:$0x1] =	stream.indirect.gather [hbm4b:s2+s6], $0x80, s16, s6, $0xb8;
	[tilespmem:$0x18C00] =	vst v63  }
0x160: {  	_ = 	snop  }
0x161: {  	[tilespmem:s19], [sflag:$0x1] =	stream.indirect.gather [hbm4b:s2+s6], $0x80, s18, s6, $0xb8;
	[tilespmem:$0x18C00] =	vst v63  }
0x162: {  	_ = 	snop  }
0x163: {  	[tilespmem:s21], [sflag:$0x1] =	stream.indirect.gather [hbm4b:s2+s6], $0x80, s20, s6, $0xb8;
	[tilespmem:$0x18C00] =	vst v63  }
0x164: {  	_ =	swait.ge [sflag:s22], $0x3100  }
0x165: {  	[sflag:s22] =	ssyncset.done $0x0  }
0x166: {  	[sflag:s22] =	ssyncadd.s32 $0xFFFFCF00  }
0x167: {  	_ =	swait.ge [sflag:s22], $0x3100  }
0x168: {  	[sflag:s22] =	ssyncset.done $0x0  }
0x169: {  	[sflag:s22] =	ssyncadd.s32 $0xFFFFCF00  }
0x16a: {  	_ =	swait.ge [sflag:s22], $0x3100  }
0x16b: {  	[sflag:s22] =	ssyncset.done $0x0  }
0x16c: {  	[sflag:s22] =	ssyncadd.s32 $0xFFFFCF00  }
0x16d: {  	_ =	swait.ge [sflag:s22], $0x3100  }
0x16e: {  	[sflag:s22] =	ssyncset.done $0x0  }
0x16f: {  	[sflag:s22] =	ssyncadd.s32 $0xFFFFCF00  }
0x170: {  	_ =	swait.ge [sflag:s22], $0x3100  }
0x171: {  	[sflag:s22] =	ssyncset.done $0x0  }
0x172: {  	[sflag:s22] =	ssyncadd.s32 $0xFFFFCF00  }
0x173: {  	_ =	swait.ge [sflag:s22], $0x3100  }
0x174: {  	[sflag:s22] =	ssyncset.done $0x0  }
0x175: {  	[sflag:s22] =	ssyncadd.s32 $0xFFFFCF00  }
0x176: {  	_ =	swait.ge [sflag:s22], $0x3100  }
0x177: {  	[sflag:s22] =	ssyncset.done $0x0  }
0x178: {  	[sflag:s22] =	ssyncadd.s32 $0xFFFFCF00  }
0x179: {  	_ =	swait.ge [sflag:s22], $0x3100  }
.Ltmp1:
0x17a: {  	[sflag:s22] =	ssyncset.done $0x0;
	(pc) =	sbr.rel @p0 .LBB2_1-.Ltmp1, $4  }
0x17b: {  	[sflag:s22] =	ssyncadd.s32 $0xFFFFCF00  }
0x17c: {  	[hbm4b:s30+s3] =	stream.linear.scatter [tilespmem:s7], [sflag:$0x2], $0x18800, $0x38;
	[tilespmem:$0x18C00] =	vst v63  }
0x17d: {  	_ =	swait.ge [sflag:s4], $0x18800  }
0x17e: {  	[sflag:s4] =	ssyncset.done $0x0  }
.LBB2_2:
0x17f: {  	[sflag:s4] =	ssyncadd.s32 $0xFFFE7800  }
0x180: {  	_ =	sfence.sel $0x180000  }
0x181: {  	[bflag:$0x0] =	sbarrier.arrive $0xFFFF  }
0x182: {  	p0 =	sne.s32 s0, $0x0;
	_ =	strace $0x90000047  }
0x183: {  	s0 =	sadd.s32 @!p0 $0x100000, s1;
	[bflag:$0x2] =	sbarrier.arrive $0xFFFF  }
0x184: {  	[sflag:s0] =	ssyncadd.tile.s32 @!p0 $0x1;
	_ =	shalt  }
.Lfunc_end2:
_tile_overlayer_lowered:
.L_overlay_start_2:
0x185: {  	(tag) =	ssettag $0x2  }
0x186: {  	s0 =	rddreg [dreg:$0x0];
	s2 =	stileid.u32  }
0x187: {  	s1 =	rddreg [dreg:$0x1];
	p0 =	sne.s32 s2, $0x0  }
0x188: {  	s3 =	rddreg [dreg:$0x2];
	[bflag:$0x3] =	sbarrier.arrive $0xFFFF;
	s2 =	simm.s32 @!p0 $0x1C02  }
0x189: {  	[timem:s3], [sflag:s2] =	dma.local @!p0 [hbm:s0], s1  }
0x18a: {  	s0 =	simm.s32 @!p0 $0x2  }
0x18b: {  	_ =	swait.ge @!p0 [sflag:s0], s1  }
0x18c: {  	s1 =	ssub.s32 @!p0 $0x0, s1;
	[sflag:s0] =	ssyncset.done @!p0 $0x0  }
0x18d: {  	[sflag:s0] =	ssyncadd.s32 @!p0 s1  }
0x18e: {  	[bflag:$0x3] =	sbarrier.arrive $0xFFFF  }
0x18f: {  	_ =	shalt  }

</sc_bundles>
